<compile_context>
chip_gen: v7x
topology: tpu7x:2x2x1
jax: 0.10.2.dev20260603
libtpu: 0.0.44.dev20260713+nightly
codegen_flags: <defaults>
</compile_context>

<pallas_src>
import jax
import jax.numpy as jnp
from jax import lax
from jax.experimental import pallas as pl
from jax.experimental.pallas import tpu as pltpu
from jax.experimental.pallas import tpu_sc as plsc

N = 10000
D = 256
H = 128
E = 160000
NC = 2
NS = 16
B = 128
NBATCH = 80
EPT = B * NBATCH
EPAD = EPT * NS
NP = 10240
RPT = NP // NS
ZROWS = 128

NCHUNK = 2
CB = NBATCH // NCHUNK

BN2 = 2000
NB2 = N // BN2

_mesh = plsc.VectorSubcoreMesh(core_axis_name="c", subcore_axis_name="s")


def _deg_body(dstr_hbm, out_hbm, idx_dst, ones_b, acc):
    c = lax.axis_index("c")
    s = lax.axis_index("s")

    one = jnp.ones((16,), jnp.float32)
    zero = jnp.zeros((16,), jnp.float32)

    def fillz(j, _):
        for k in range(H // 16):
            ones_b[j, pl.ds(k * 16, 16)] = zero
        return 0
    lax.fori_loop(0, ZROWS, fillz, 0)
    for q in range(RPT // ZROWS):
        pltpu.sync_copy(ones_b, acc.at[pl.ds(s * RPT + q * ZROWS, ZROWS)])

    pltpu.sync_copy(dstr_hbm.at[s * NC + c], idx_dst)

    def fill(j, _):
        for k in range(H // 16):
            ones_b[j, pl.ds(k * 16, 16)] = one
        return 0
    lax.fori_loop(0, B, fill, 0)
    plsc.subcore_barrier()

    def batch(j, _):
        pltpu.sync_copy(ones_b, acc.at[idx_dst.at[j]], add=True)
        return 0
    lax.fori_loop(0, CB, batch, 0)
    plsc.subcore_barrier()

    pltpu.sync_copy(acc.at[pl.ds(s * RPT, RPT)],
                    out_hbm.at[pl.ds(c * NP + s * RPT, RPT)])


_deg_call = pl.kernel(
    _deg_body,
    out_type=jax.ShapeDtypeStruct((NC * NP, H), jnp.float32),
    mesh=_mesh,
    scratch_types=[
        pltpu.VMEM((CB, B), jnp.int32),
        pltpu.VMEM((B, H), jnp.float32),
        pltpu.VMEM_SHARED((NP, H), jnp.float32),
    ],
)


NSTR = 1
SB = B // NSTR


def _scatter_body(y_hbm, srcr_hbm, dstr_hbm, out_hbm,
                  idx_src, idx_dst, rows0, rows1, acc, sems0, sems1):
    c = lax.axis_index("c")
    s = lax.axis_index("s")
    off = c * NP
    zero = jnp.zeros((16,), jnp.float32)
    bufs = (rows0, rows1)
    sems = (sems0, sems1)

    def gissue(j, p):
        for k in range(NSTR):
            pltpu.async_copy(y_hbm.at[idx_src.at[j, pl.ds(k * SB, SB)]],
                             bufs[p].at[pl.ds(k * SB, SB)], sems[p][k])

    def gwait(j, p):
        for k in range(NSTR):
            pltpu.make_async_copy(y_hbm.at[idx_src.at[j, pl.ds(k * SB, SB)]],
                                  bufs[p].at[pl.ds(k * SB, SB)],
                                  sems[p][k]).wait()

    def load_idx(cc):
        pltpu.sync_copy(srcr_hbm.at[s * NCHUNK + cc], idx_src)
        pltpu.sync_copy(dstr_hbm.at[s * NCHUNK + cc], idx_dst)

        def addoff(j, _):
            for k in range(B // 16):
                sl = pl.ds(k * 16, 16)
                idx_src[j, sl] = idx_src[j, sl] + off
            return 0
        lax.fori_loop(0, CB, addoff, 0)

    load_idx(0)
    gissue(0, 0)

    def zrow(j, _):
        for k in range(H // 16):
            rows1[j, pl.ds(k * 16, 16)] = zero
        return 0
    lax.fori_loop(0, ZROWS, zrow, 0)
    for q in range(RPT // ZROWS):
        pltpu.sync_copy(rows1, acc.at[pl.ds(s * RPT + q * ZROWS, ZROWS)])
    plsc.subcore_barrier()

    def chunk(cc, _):
        @pl.when(cc > 0)
        def _():
            load_idx(cc)
            gissue(0, 0)

        def pipe(jj, _):
            j = jj * 2
            gissue(j + 1, 1)
            gwait(j, 0)
            pltpu.sync_copy(rows0, acc.at[idx_dst.at[j]], add=True)

            @pl.when(jj < CB // 2 - 1)
            def _():
                gissue(j + 2, 0)
            gwait(j + 1, 1)
            pltpu.sync_copy(rows1, acc.at[idx_dst.at[j + 1]], add=True)
            return 0
        lax.fori_loop(0, CB // 2, pipe, 0)
        return 0
    lax.fori_loop(0, NCHUNK, chunk, 0)
    plsc.subcore_barrier()

    pltpu.sync_copy(acc.at[pl.ds(s * RPT, RPT)],
                    out_hbm.at[pl.ds(off + s * RPT, RPT)])


_scatter_call = pl.kernel(
    _scatter_body,
    out_type=jax.ShapeDtypeStruct((NC * NP, H), jnp.float32),
    mesh=_mesh,
    scratch_types=[
        pltpu.VMEM((CB, B), jnp.int32),
        pltpu.VMEM((CB, B), jnp.int32),
        pltpu.VMEM((B, H), jnp.float32),
        pltpu.VMEM((B, H), jnp.float32),
        pltpu.VMEM_SHARED((NP, H), jnp.float32),
        [pltpu.SemaphoreType.DMA] * NSTR,
        [pltpu.SemaphoreType.DMA] * NSTR,
    ],
)


def _k0_body(x_ref, w_ref, d0_ref, d1_ref, y_ref):
    dinv = lax.rsqrt(d0_ref[0][:, 0:1] + d1_ref[0][:, 0:1] + 1.0)
    r = jnp.dot(x_ref[...], w_ref[...],
                preferred_element_type=jnp.float32) * dinv
    y_ref[0] = r[:, :H]
    y_ref[1] = r[:, H:]


_k0_call = pl.pallas_call(
    _k0_body,
    grid=(NB2,),
    in_specs=[
        pl.BlockSpec((BN2, D), lambda i: (i, 0)),
        pl.BlockSpec((D, D), lambda i: (0, 0)),
        pl.BlockSpec((1, BN2, H), lambda i: (0, i, 0)),
        pl.BlockSpec((1, BN2, H), lambda i: (1, i, 0)),
    ],
    out_specs=pl.BlockSpec((NC, BN2, H), lambda i: (0, i, 0)),
    out_shape=jax.ShapeDtypeStruct((NC, NP, H), jnp.float32),
)


def _k1_body(a0_ref, a1_ref, y0_ref, y1_ref, d0_ref, d1_ref, w_ref, b_ref,
             o_ref):
    dinv = lax.rsqrt(d0_ref[0][:, 0:1] + d1_ref[0][:, 0:1] + 1.0)
    t = jnp.concatenate([a0_ref[0] + y0_ref[0],
                         a1_ref[0] + y1_ref[0]], axis=1)
    h = jnp.maximum(t * dinv + b_ref[...], 0.0)
    r = jnp.dot(h, w_ref[...], preferred_element_type=jnp.float32) * dinv
    o_ref[0] = r[:, :H]
    o_ref[1] = r[:, H:]


_k1_call = pl.pallas_call(
    _k1_body,
    grid=(NB2,),
    in_specs=[
        pl.BlockSpec((1, BN2, H), lambda i: (0, i, 0)),
        pl.BlockSpec((1, BN2, H), lambda i: (1, i, 0)),
        pl.BlockSpec((1, BN2, H), lambda i: (0, i, 0)),
        pl.BlockSpec((1, BN2, H), lambda i: (1, i, 0)),
        pl.BlockSpec((1, BN2, H), lambda i: (0, i, 0)),
        pl.BlockSpec((1, BN2, H), lambda i: (1, i, 0)),
        pl.BlockSpec((D, D), lambda i: (0, 0)),
        pl.BlockSpec((1, D), lambda i: (0, 0)),
    ],
    out_specs=pl.BlockSpec((NC, BN2, H), lambda i: (0, i, 0)),
    out_shape=jax.ShapeDtypeStruct((NC, NP, H), jnp.float32),
)


def _k2_body(a0_ref, a1_ref, y0_ref, y1_ref, d0_ref, d1_ref, b_ref, o_ref):
    dinv = lax.rsqrt(d0_ref[0][:, 0:1] + d1_ref[0][:, 0:1] + 1.0)
    t = jnp.concatenate([a0_ref[0] + y0_ref[0],
                         a1_ref[0] + y1_ref[0]], axis=1)
    o_ref[...] = t * dinv + b_ref[...]


_k2_call = pl.pallas_call(
    _k2_body,
    grid=(NB2,),
    in_specs=[
        pl.BlockSpec((1, BN2, H), lambda i: (0, i, 0)),
        pl.BlockSpec((1, BN2, H), lambda i: (1, i, 0)),
        pl.BlockSpec((1, BN2, H), lambda i: (0, i, 0)),
        pl.BlockSpec((1, BN2, H), lambda i: (1, i, 0)),
        pl.BlockSpec((1, BN2, H), lambda i: (0, i, 0)),
        pl.BlockSpec((1, BN2, H), lambda i: (1, i, 0)),
        pl.BlockSpec((1, D), lambda i: (0, 0)),
    ],
    out_specs=pl.BlockSpec((BN2, D), lambda i: (i, 0)),
    out_shape=jax.ShapeDtypeStruct((N, D), jnp.float32),
)


def kernel(x, edge_index, W0, b0, W1, b1):
    src = edge_index[0]
    dst = edge_index[1]
    pad = EPAD - E
    srcp = jnp.concatenate(
        [src, jnp.zeros((pad,), jnp.int32)]).reshape(NS * NCHUNK, CB, B)
    dstp = jnp.concatenate(
        [dst, jnp.full((pad,), N, jnp.int32)]).reshape(NS * NCHUNK, CB, B)

    deg = _deg_call(dstp).reshape(NC, NP, H)
    y1 = _k0_call(x, W0, deg, deg)
    agg1 = _scatter_call(y1.reshape(NC * NP, H), srcp, dstp).reshape(NC, NP, H)
    y2 = _k1_call(agg1, agg1, y1, y1, deg, deg, W1, b0.reshape(1, D))
    agg2 = _scatter_call(y2.reshape(NC * NP, H), srcp, dstp).reshape(NC, NP, H)
    out = _k2_call(agg2, agg2, y2, y2, deg, deg, b1.reshape(1, D))
    return out

# --- scband reference (transcript-rebuilt; emitter-appended) ---
"""Pipeline reference for scband-gcn-rez-53403623358889 (READ-ONLY COPY).

The authoritative reference and input builder live on the scoring server;
editing this copy changes nothing except your own understanding.
"""

import jax, jax.numpy as jnp
import numpy as np

N = 10000
E = 160000
SIZES = [256, 256, 256]


def gcn_conv(x, src, dst, W, b):
    # GCNConv with self-loops already appended to (src, dst):
    # symmetric normalization D^{-1/2} A D^{-1/2}, linear transform, bias.
    n = x.shape[0]
    x_lin = x @ W
    deg = jnp.zeros((n,), dtype=x.dtype).at[dst].add(1.0)
    dinv = jnp.where(deg > 0, jax.lax.rsqrt(jnp.maximum(deg, 1e-12)), 0.0)
    norm = dinv[src] * dinv[dst]
    msg = jnp.take(x_lin, src, axis=0) * norm[:, None]
    out = jnp.zeros((n, W.shape[1]), dtype=x.dtype).at[dst].add(msg)
    return out + b


def setup_inputs(seed: int = 0) -> dict:
    key = jax.random.key(seed)
    ks = [jax.random.fold_in(key, i) for i in range(8)]
    x = jax.random.normal(ks[0], (N, SIZES[0]), dtype=jnp.float32)
    edge_index = jax.random.randint(ks[1], (2, E), 0, N, dtype=jnp.int32)
    params = {}
    for i in range(len(SIZES) - 1):
        fan_in = SIZES[i]
        params[f"W{i}"] = jax.random.normal(ks[2 + 2 * i], (SIZES[i], SIZES[i + 1]), dtype=jnp.float32) / np.sqrt(fan_in)
        params[f"b{i}"] = jnp.zeros((SIZES[i + 1],), dtype=jnp.float32)
    return {"x": x, "edge_index": edge_index, **params}


def reference(x, edge_index, W0, b0, W1, b1):
    n = x.shape[0]
    loop = jnp.arange(n, dtype=edge_index.dtype)
    src = jnp.concatenate([edge_index[0], loop])
    dst = jnp.concatenate([edge_index[1], loop])
    # GCN_rez: relu on all but last conv
    h = gcn_conv(x, src, dst, W0, b0)
    h = jax.nn.relu(h)
    h = gcn_conv(h, src, dst, W1, b1)
    return h

if __name__ == "__main__":
    import jax
    _d = setup_inputs()
    print(jax.jit(kernel)(*tuple(_d.values())))

</pallas_src>

<mosaic_0001>
#map = affine_map<(d0, d1) -> (0, 0)>
#map1 = affine_map<(d0, d1) -> (0, 0, 0)>
module attributes {stable_mosaic.version = 14 : i64} {
  func.func @_scatter_body(%arg0: i32, %arg1: i32, %arg2: memref<20480x128xf32, #tpu.memory_space<hbm>>, %arg3: memref<32x40x128xi32, #tpu.memory_space<hbm>>, %arg4: memref<32x40x128xi32, #tpu.memory_space<hbm>>, %arg5: memref<20480x128xf32, #tpu.memory_space<hbm>>, %arg6: memref<40x128xi32, #tpu.memory_space<vmem>>, %arg7: memref<40x128xi32, #tpu.memory_space<vmem>>, %arg8: memref<128x128xf32, #tpu.memory_space<vmem>>, %arg9: memref<128x128xf32, #tpu.memory_space<vmem>>, %arg10: memref<10240x128xf32, #tpu.memory_space<vmem_shared>>, %arg11: memref<!tpu.dma_semaphore, #tpu.memory_space<semaphore_mem>>, %arg12: memref<!tpu.dma_semaphore, #tpu.memory_space<semaphore_mem>>) attributes {dimension_semantics = [#tpu.dimension_semantics<core_parallel>, #tpu.dimension_semantics<subcore_parallel>], iteration_bounds = array<i64: 2, 16>, scalar_prefetch = 0 : i64, scratch_operands = 7 : i64, tpu.core_type = #tpu.core_type<sc_vector_subcore>, window_params = [{transform_indices = #map}, {transform_indices = #map1}, {transform_indices = #map1}, {transform_indices = #map}]} {
    %mul3A = arith.constant 10240 : i32
    %mul3A_0 = arith.muli %arg0, %mul3A : i32
    %broadcast_in_dim3A = arith.constant 0.000000e+00 : f32
    %broadcast_in_dim3A_1 = vector.broadcast %broadcast_in_dim3A : f32 to vector<16xf32>
    %mul3A_2 = arith.constant 2 : i32
    %mul3A_3 = arith.muli %arg1, %mul3A_2 : i32
    %add3A = arith.constant 0 : i32
    %add3A_4 = arith.addi %mul3A_3, %add3A : i32
    "tpu.region"() ({
      %run_scoped3A = tpu.sem_alloc : memref<!tpu.dma_semaphore, #tpu.memory_space<semaphore_mem>>
      %dma_start3A_64 = arith.constant 0 : i32
      %dma_start3A_65 = arith.constant 0 : i32
      %dma_start3A_66 = tpu.memref_slice %arg3[%add3A_4, %dma_start3A_64, %dma_start3A_65] : memref<32x40x128xi32, #tpu.memory_space<hbm>> -> memref<1x40x128xi32, #tpu.memory_space<hbm>>
      %dma_start3A_67 = tpu.memref_squeeze %dma_start3A_66 : memref<1x40x128xi32, #tpu.memory_space<hbm>> -> memref<40x128xi32, #tpu.memory_space<hbm>>
      %dma_start3A_68 = arith.constant 0 : i32
      %dma_start3A_69 = arith.constant 0 : i32
      %dma_start3A_70 = tpu.memref_slice %arg3[%add3A_4, %dma_start3A_68, %dma_start3A_69] : memref<32x40x128xi32, #tpu.memory_space<hbm>> -> memref<1x40x128xi32, #tpu.memory_space<hbm>>
      %dma_start3A_71 = tpu.memref_squeeze %dma_start3A_70 : memref<1x40x128xi32, #tpu.memory_space<hbm>> -> memref<40x128xi32, #tpu.memory_space<hbm>>
      tpu.enqueue_dma source(%dma_start3A_71 : memref<40x128xi32, #tpu.memory_space<hbm>>) target(%arg6 : memref<40x128xi32, #tpu.memory_space<vmem>>) target_semaphore(%run_scoped3A : memref<!tpu.dma_semaphore, #tpu.memory_space<semaphore_mem>>)
      %dma_wait3A = arith.constant 0 : i32
      %dma_wait3A_72 = arith.constant 0 : i32
      %dma_wait3A_73 = tpu.memref_slice %arg3[%add3A_4, %dma_wait3A, %dma_wait3A_72] : memref<32x40x128xi32, #tpu.memory_space<hbm>> -> memref<1x40x128xi32, #tpu.memory_space<hbm>>
      %dma_wait3A_74 = tpu.memref_squeeze %dma_wait3A_73 : memref<1x40x128xi32, #tpu.memory_space<hbm>> -> memref<40x128xi32, #tpu.memory_space<hbm>>
      %dma_wait3A_75 = arith.constant 0 : i32
      %dma_wait3A_76 = arith.constant 0 : i32
      %dma_wait3A_77 = tpu.memref_slice %arg3[%add3A_4, %dma_wait3A_75, %dma_wait3A_76] : memref<32x40x128xi32, #tpu.memory_space<hbm>> -> memref<1x40x128xi32, #tpu.memory_space<hbm>>
      %dma_wait3A_78 = tpu.memref_squeeze %dma_wait3A_77 : memref<1x40x128xi32, #tpu.memory_space<hbm>> -> memref<40x128xi32, #tpu.memory_space<hbm>>
      tpu.wait_dma2 semaphore(%run_scoped3A : memref<!tpu.dma_semaphore, #tpu.memory_space<semaphore_mem>>) src(%dma_wait3A_78 : memref<40x128xi32, #tpu.memory_space<hbm>>) dst(%arg6 : memref<40x128xi32, #tpu.memory_space<vmem>>)
      tpu.yield
    }) : () -> ()
    %mul3A_5 = arith.constant 2 : i32
    %mul3A_6 = arith.muli %arg1, %mul3A_5 : i32
    %add3A_7 = arith.constant 0 : i32
    %add3A_8 = arith.addi %mul3A_6, %add3A_7 : i32
    "tpu.region"() ({
      %run_scoped3A = tpu.sem_alloc : memref<!tpu.dma_semaphore, #tpu.memory_space<semaphore_mem>>
      %dma_start3A_64 = arith.constant 0 : i32
      %dma_start3A_65 = arith.constant 0 : i32
      %dma_start3A_66 = tpu.memref_slice %arg4[%add3A_8, %dma_start3A_64, %dma_start3A_65] : memref<32x40x128xi32, #tpu.memory_space<hbm>> -> memref<1x40x128xi32, #tpu.memory_space<hbm>>
      %dma_start3A_67 = tpu.memref_squeeze %dma_start3A_66 : memref<1x40x128xi32, #tpu.memory_space<hbm>> -> memref<40x128xi32, #tpu.memory_space<hbm>>
      %dma_start3A_68 = arith.constant 0 : i32
      %dma_start3A_69 = arith.constant 0 : i32
      %dma_start3A_70 = tpu.memref_slice %arg4[%add3A_8, %dma_start3A_68, %dma_start3A_69] : memref<32x40x128xi32, #tpu.memory_space<hbm>> -> memref<1x40x128xi32, #tpu.memory_space<hbm>>
      %dma_start3A_71 = tpu.memref_squeeze %dma_start3A_70 : memref<1x40x128xi32, #tpu.memory_space<hbm>> -> memref<40x128xi32, #tpu.memory_space<hbm>>
      tpu.enqueue_dma source(%dma_start3A_71 : memref<40x128xi32, #tpu.memory_space<hbm>>) target(%arg7 : memref<40x128xi32, #tpu.memory_space<vmem>>) target_semaphore(%run_scoped3A : memref<!tpu.dma_semaphore, #tpu.memory_space<semaphore_mem>>)
      %dma_wait3A = arith.constant 0 : i32
      %dma_wait3A_72 = arith.constant 0 : i32
      %dma_wait3A_73 = tpu.memref_slice %arg4[%add3A_8, %dma_wait3A, %dma_wait3A_72] : memref<32x40x128xi32, #tpu.memory_space<hbm>> -> memref<1x40x128xi32, #tpu.memory_space<hbm>>
      %dma_wait3A_74 = tpu.memref_squeeze %dma_wait3A_73 : memref<1x40x128xi32, #tpu.memory_space<hbm>> -> memref<40x128xi32, #tpu.memory_space<hbm>>
      %dma_wait3A_75 = arith.constant 0 : i32
      %dma_wait3A_76 = arith.constant 0 : i32
      %dma_wait3A_77 = tpu.memref_slice %arg4[%add3A_8, %dma_wait3A_75, %dma_wait3A_76] : memref<32x40x128xi32, #tpu.memory_space<hbm>> -> memref<1x40x128xi32, #tpu.memory_space<hbm>>
      %dma_wait3A_78 = tpu.memref_squeeze %dma_wait3A_77 : memref<1x40x128xi32, #tpu.memory_space<hbm>> -> memref<40x128xi32, #tpu.memory_space<hbm>>
      tpu.wait_dma2 semaphore(%run_scoped3A : memref<!tpu.dma_semaphore, #tpu.memory_space<semaphore_mem>>) src(%dma_wait3A_78 : memref<40x128xi32, #tpu.memory_space<hbm>>) dst(%arg7 : memref<40x128xi32, #tpu.memory_space<vmem>>)
      tpu.yield
    }) : () -> ()
    %scan3A = arith.constant 0 : i32
    %scan3A_9 = arith.constant 0 : i32
    %scan3A_10 = arith.constant 40 : i32
    %scan3A_11 = arith.addi %scan3A_9, %scan3A_10 : i32
    %scan3A_12 = arith.constant 1 : i32
    %scan3A_13 = scf.for %scan3A_64 = %scan3A_9 to %scan3A_11 step %scan3A_12 iter_args(%scan3A_65 = %scan3A) -> (i32)  : i32 {
      %get3A = arith.index_cast %scan3A_64 : i32 to index
      %get3A_66 = arith.constant 0 : index
      %get3A_67 = tpu.vector_load %arg6[%get3A, %get3A_66] {strides = array<i32>} : memref<40x128xi32, #tpu.memory_space<vmem>>, vector<1x16xi32>,
      %get3A_68 = vector.shape_cast %get3A_67 : vector<1x16xi32> to vector<16xi32>
      %add3A_69 = vector.broadcast %mul3A_0 : i32 to vector<16xi32>
      %add3A_70 = arith.addi %get3A_68, %add3A_69 : vector<16xi32>
      %swap3A = arith.index_cast %scan3A_64 : i32 to index
      %swap3A_71 = arith.constant 0 : index
      %swap3A_72 = tpu.vector_load %arg6[%swap3A, %swap3A_71] {strides = array<i32>} : memref<40x128xi32, #tpu.memory_space<vmem>>, vector<1x16xi32>,
      %swap3A_73 = vector.shape_cast %swap3A_72 : vector<1x16xi32> to vector<16xi32>
      %swap3A_74 = vector.shape_cast %add3A_70 : vector<16xi32> to vector<1x16xi32>
      tpu.vector_store %arg6[%swap3A, %swap3A_71], %swap3A_74 {strides = array<i32>} : memref<40x128xi32, #tpu.memory_space<vmem>>, vector<1x16xi32>,
      %get3A_75 = arith.index_cast %scan3A_64 : i32 to index
      %get3A_76 = arith.constant 16 : index
      %get3A_77 = tpu.vector_load %arg6[%get3A_75, %get3A_76] {strides = array<i32>} : memref<40x128xi32, #tpu.memory_space<vmem>>, vector<1x16xi32>,
      %get3A_78 = vector.shape_cast %get3A_77 : vector<1x16xi32> to vector<16xi32>
      %add3A_79 = vector.broadcast %mul3A_0 : i32 to vector<16xi32>
      %add3A_80 = arith.addi %get3A_78, %add3A_79 : vector<16xi32>
      %swap3A_81 = arith.index_cast %scan3A_64 : i32 to index
      %swap3A_82 = arith.constant 16 : index
      %swap3A_83 = tpu.vector_load %arg6[%swap3A_81, %swap3A_82] {strides = array<i32>} : memref<40x128xi32, #tpu.memory_space<vmem>>, vector<1x16xi32>,
      %swap3A_84 = vector.shape_cast %swap3A_83 : vector<1x16xi32> to vector<16xi32>
      %swap3A_85 = vector.shape_cast %add3A_80 : vector<16xi32> to vector<1x16xi32>
      tpu.vector_store %arg6[%swap3A_81, %swap3A_82], %swap3A_85 {strides = array<i32>} : memref<40x128xi32, #tpu.memory_space<vmem>>, vector<1x16xi32>,
      %get3A_86 = arith.index_cast %scan3A_64 : i32 to index
      %get3A_87 = arith.constant 32 : index
      %get3A_88 = tpu.vector_load %arg6[%get3A_86, %get3A_87] {strides = array<i32>} : memref<40x128xi32, #tpu.memory_space<vmem>>, vector<1x16xi32>,
      %get3A_89 = vector.shape_cast %get3A_88 : vector<1x16xi32> to vector<16xi32>
      %add3A_90 = vector.broadcast %mul3A_0 : i32 to vector<16xi32>
      %add3A_91 = arith.addi %get3A_89, %add3A_90 : vector<16xi32>
      %swap3A_92 = arith.index_cast %scan3A_64 : i32 to index
      %swap3A_93 = arith.constant 32 : index
      %swap3A_94 = tpu.vector_load %arg6[%swap3A_92, %swap3A_93] {strides = array<i32>} : memref<40x128xi32, #tpu.memory_space<vmem>>, vector<1x16xi32>,
      %swap3A_95 = vector.shape_cast %swap3A_94 : vector<1x16xi32> to vector<16xi32>
      %swap3A_96 = vector.shape_cast %add3A_91 : vector<16xi32> to vector<1x16xi32>
      tpu.vector_store %arg6[%swap3A_92, %swap3A_93], %swap3A_96 {strides = array<i32>} : memref<40x128xi32, #tpu.memory_space<vmem>>, vector<1x16xi32>,
      %get3A_97 = arith.index_cast %scan3A_64 : i32 to index
      %get3A_98 = arith.constant 48 : index
      %get3A_99 = tpu.vector_load %arg6[%get3A_97, %get3A_98] {strides = array<i32>} : memref<40x128xi32, #tpu.memory_space<vmem>>, vector<1x16xi32>,
      %get3A_100 = vector.shape_cast %get3A_99 : vector<1x16xi32> to vector<16xi32>
      %add3A_101 = vector.broadcast %mul3A_0 : i32 to vector<16xi32>
      %add3A_102 = arith.addi %get3A_100, %add3A_101 : vector<16xi32>
      %swap3A_103 = arith.index_cast %scan3A_64 : i32 to index
      %swap3A_104 = arith.constant 48 : index
      %swap3A_105 = tpu.vector_load %arg6[%swap3A_103, %swap3A_104] {strides = array<i32>} : memref<40x128xi32, #tpu.memory_space<vmem>>, vector<1x16xi32>,
      %swap3A_106 = vector.shape_cast %swap3A_105 : vector<1x16xi32> to vector<16xi32>
      %swap3A_107 = vector.shape_cast %add3A_102 : vector<16xi32> to vector<1x16xi32>
      tpu.vector_store %arg6[%swap3A_103, %swap3A_104], %swap3A_107 {strides = array<i32>} : memref<40x128xi32, #tpu.memory_space<vmem>>, vector<1x16xi32>,
      %get3A_108 = arith.index_cast %scan3A_64 : i32 to index
      %get3A_109 = arith.constant 64 : index
      %get3A_110 = tpu.vector_load %arg6[%get3A_108, %get3A_109] {strides = array<i32>} : memref<40x128xi32, #tpu.memory_space<vmem>>, vector<1x16xi32>,
      %get3A_111 = vector.shape_cast %get3A_110 : vector<1x16xi32> to vector<16xi32>
      %add3A_112 = vector.broadcast %mul3A_0 : i32 to vector<16xi32>
      %add3A_113 = arith.addi %get3A_111, %add3A_112 : vector<16xi32>
      %swap3A_114 = arith.index_cast %scan3A_64 : i32 to index
      %swap3A_115 = arith.constant 64 : index
      %swap3A_116 = tpu.vector_load %arg6[%swap3A_114, %swap3A_115] {strides = array<i32>} : memref<40x128xi32, #tpu.memory_space<vmem>>, vector<1x16xi32>,
      %swap3A_117 = vector.shape_cast %swap3A_116 : vector<1x16xi32> to vector<16xi32>
      %swap3A_118 = vector.shape_cast %add3A_113 : vector<16xi32> to vector<1x16xi32>
      tpu.vector_store %arg6[%swap3A_114, %swap3A_115], %swap3A_118 {strides = array<i32>} : memref<40x128xi32, #tpu.memory_space<vmem>>, vector<1x16xi32>,
      %get3A_119 = arith.index_cast %scan3A_64 : i32 to index
      %get3A_120 = arith.constant 80 : index
      %get3A_121 = tpu.vector_load %arg6[%get3A_119, %get3A_120] {strides = array<i32>} : memref<40x128xi32, #tpu.memory_space<vmem>>, vector<1x16xi32>,
      %get3A_122 = vector.shape_cast %get3A_121 : vector<1x16xi32> to vector<16xi32>
      %add3A_123 = vector.broadcast %mul3A_0 : i32 to vector<16xi32>
      %add3A_124 = arith.addi %get3A_122, %add3A_123 : vector<16xi32>
      %swap3A_125 = arith.index_cast %scan3A_64 : i32 to index
      %swap3A_126 = arith.constant 80 : index
      %swap3A_127 = tpu.vector_load %arg6[%swap3A_125, %swap3A_126] {strides = array<i32>} : memref<40x128xi32, #tpu.memory_space<vmem>>, vector<1x16xi32>,
      %swap3A_128 = vector.shape_cast %swap3A_127 : vector<1x16xi32> to vector<16xi32>
      %swap3A_129 = vector.shape_cast %add3A_124 : vector<16xi32> to vector<1x16xi32>
      tpu.vector_store %arg6[%swap3A_125, %swap3A_126], %swap3A_129 {strides = array<i32>} : memref<40x128xi32, #tpu.memory_space<vmem>>, vector<1x16xi32>,
      %get3A_130 = arith.index_cast %scan3A_64 : i32 to index
      %get3A_131 = arith.constant 96 : index
      %get3A_132 = tpu.vector_load %arg6[%get3A_130, %get3A_131] {strides = array<i32>} : memref<40x128xi32, #tpu.memory_space<vmem>>, vector<1x16xi32>,
      %get3A_133 = vector.shape_cast %get3A_132 : vector<1x16xi32> to vector<16xi32>
      %add3A_134 = vector.broadcast %mul3A_0 : i32 to vector<16xi32>
      %add3A_135 = arith.addi %get3A_133, %add3A_134 : vector<16xi32>
      %swap3A_136 = arith.index_cast %scan3A_64 : i32 to index
      %swap3A_137 = arith.constant 96 : index
      %swap3A_138 = tpu.vector_load %arg6[%swap3A_136, %swap3A_137] {strides = array<i32>} : memref<40x128xi32, #tpu.memory_space<vmem>>, vector<1x16xi32>,
      %swap3A_139 = vector.shape_cast %swap3A_138 : vector<1x16xi32> to vector<16xi32>
      %swap3A_140 = vector.shape_cast %add3A_135 : vector<16xi32> to vector<1x16xi32>
      tpu.vector_store %arg6[%swap3A_136, %swap3A_137], %swap3A_140 {strides = array<i32>} : memref<40x128xi32, #tpu.memory_space<vmem>>, vector<1x16xi32>,
      %get3A_141 = arith.index_cast %scan3A_64 : i32 to index
      %get3A_142 = arith.constant 112 : index
      %get3A_143 = tpu.vector_load %arg6[%get3A_141, %get3A_142] {strides = array<i32>} : memref<40x128xi32, #tpu.memory_space<vmem>>, vector<1x16xi32>,
      %get3A_144 = vector.shape_cast %get3A_143 : vector<1x16xi32> to vector<16xi32>
      %add3A_145 = vector.broadcast %mul3A_0 : i32 to vector<16xi32>
      %add3A_146 = arith.addi %get3A_144, %add3A_145 : vector<16xi32>
      %swap3A_147 = arith.index_cast %scan3A_64 : i32 to index
      %swap3A_148 = arith.constant 112 : index
      %swap3A_149 = tpu.vector_load %arg6[%swap3A_147, %swap3A_148] {strides = array<i32>} : memref<40x128xi32, #tpu.memory_space<vmem>>, vector<1x16xi32>,
      %swap3A_150 = vector.shape_cast %swap3A_149 : vector<1x16xi32> to vector<16xi32>
      %swap3A_151 = vector.shape_cast %add3A_146 : vector<16xi32> to vector<1x16xi32>
      tpu.vector_store %arg6[%swap3A_147, %swap3A_148], %swap3A_151 {strides = array<i32>} : memref<40x128xi32, #tpu.memory_space<vmem>>, vector<1x16xi32>,
      %scan3A_152 = arith.constant 0 : i32
      scf.yield %scan3A_152 : i32
    }
    %scan3A_14 = arith.constant 40 : i32
    %dma_start3A = arith.constant 0 : i32
    %dma_start3A_15 = arith.constant 0 : i32
    %dma_start3A_16 = arith.constant 0 : i32
    %dma_start3A_17 = tpu.memref_slice %arg8[%dma_start3A_15, %dma_start3A_16] : memref<128x128xf32, #tpu.memory_space<vmem>> -> memref<128x128xf32, #tpu.memory_space<vmem>>
    %dma_start3A_18 = arith.constant 0 : i32
    %dma_start3A_19 = tpu.memref_slice %arg6[%dma_start3A, %dma_start3A_18] : memref<40x128xi32, #tpu.memory_space<vmem>> -> memref<1x128xi32, #tpu.memory_space<vmem>>
    %dma_start3A_20 = tpu.memref_squeeze %dma_start3A_19 : memref<1x128xi32, #tpu.memory_space<vmem>> -> memref<128xi32, #tpu.memory_space<vmem>>
    %dma_start3A_21 = arith.constant 0 : i32
    %dma_start3A_22 = arith.constant 0 : i32
    %dma_start3A_23 = tpu.memref_slice %arg2[%dma_start3A_21, %dma_start3A_22] : memref<20480x128xf32, #tpu.memory_space<hbm>> -> memref<20480x128xf32, #tpu.memory_space<hbm>>
    tpu.enqueue_indirect_dma source(%dma_start3A_23 : memref<20480x128xf32, #tpu.memory_space<hbm>>) target(%dma_start3A_17 : memref<128x128xf32, #tpu.memory_space<vmem>>) offsets(%dma_start3A_20 : memref<128xi32, #tpu.memory_space<vmem>>) semaphore(%arg11 : memref<!tpu.dma_semaphore, #tpu.memory_space<semaphore_mem>>)
    %scan3A_24 = arith.constant 0 : i32
    %scan3A_25 = arith.constant 0 : i32
    %scan3A_26 = arith.constant 128 : i32
    %scan3A_27 = arith.addi %scan3A_25, %scan3A_26 : i32
    %scan3A_28 = arith.constant 1 : i32
    %scan3A_29 = scf.for %scan3A_64 = %scan3A_25 to %scan3A_27 step %scan3A_28 iter_args(%scan3A_65 = %scan3A_24) -> (i32)  : i32 {
      %swap3A = arith.index_cast %scan3A_64 : i32 to index
      %swap3A_66 = arith.constant 0 : index
      %swap3A_67 = tpu.vector_load %arg9[%swap3A, %swap3A_66] {strides = array<i32>} : memref<128x128xf32, #tpu.memory_space<vmem>>, vector<1x16xf32>,
      %swap3A_68 = vector.shape_cast %swap3A_67 : vector<1x16xf32> to vector<16xf32>
      %swap3A_69 = vector.shape_cast %broadcast_in_dim3A_1 : vector<16xf32> to vector<1x16xf32>
      tpu.vector_store %arg9[%swap3A, %swap3A_66], %swap3A_69 {strides = array<i32>} : memref<128x128xf32, #tpu.memory_space<vmem>>, vector<1x16xf32>,
      %swap3A_70 = arith.index_cast %scan3A_64 : i32 to index
      %swap3A_71 = arith.constant 16 : index
      %swap3A_72 = tpu.vector_load %arg9[%swap3A_70, %swap3A_71] {strides = array<i32>} : memref<128x128xf32, #tpu.memory_space<vmem>>, vector<1x16xf32>,
      %swap3A_73 = vector.shape_cast %swap3A_72 : vector<1x16xf32> to vector<16xf32>
      %swap3A_74 = vector.shape_cast %broadcast_in_dim3A_1 : vector<16xf32> to vector<1x16xf32>
      tpu.vector_store %arg9[%swap3A_70, %swap3A_71], %swap3A_74 {strides = array<i32>} : memref<128x128xf32, #tpu.memory_space<vmem>>, vector<1x16xf32>,
      %swap3A_75 = arith.index_cast %scan3A_64 : i32 to index
      %swap3A_76 = arith.constant 32 : index
      %swap3A_77 = tpu.vector_load %arg9[%swap3A_75, %swap3A_76] {strides = array<i32>} : memref<128x128xf32, #tpu.memory_space<vmem>>, vector<1x16xf32>,
      %swap3A_78 = vector.shape_cast %swap3A_77 : vector<1x16xf32> to vector<16xf32>
      %swap3A_79 = vector.shape_cast %broadcast_in_dim3A_1 : vector<16xf32> to vector<1x16xf32>
      tpu.vector_store %arg9[%swap3A_75, %swap3A_76], %swap3A_79 {strides = array<i32>} : memref<128x128xf32, #tpu.memory_space<vmem>>, vector<1x16xf32>,
      %swap3A_80 = arith.index_cast %scan3A_64 : i32 to index
      %swap3A_81 = arith.constant 48 : index
      %swap3A_82 = tpu.vector_load %arg9[%swap3A_80, %swap3A_81] {strides = array<i32>} : memref<128x128xf32, #tpu.memory_space<vmem>>, vector<1x16xf32>,
      %swap3A_83 = vector.shape_cast %swap3A_82 : vector<1x16xf32> to vector<16xf32>
      %swap3A_84 = vector.shape_cast %broadcast_in_dim3A_1 : vector<16xf32> to vector<1x16xf32>
      tpu.vector_store %arg9[%swap3A_80, %swap3A_81], %swap3A_84 {strides = array<i32>} : memref<128x128xf32, #tpu.memory_space<vmem>>, vector<1x16xf32>,
      %swap3A_85 = arith.index_cast %scan3A_64 : i32 to index
      %swap3A_86 = arith.constant 64 : index
      %swap3A_87 = tpu.vector_load %arg9[%swap3A_85, %swap3A_86] {strides = array<i32>} : memref<128x128xf32, #tpu.memory_space<vmem>>, vector<1x16xf32>,
      %swap3A_88 = vector.shape_cast %swap3A_87 : vector<1x16xf32> to vector<16xf32>
      %swap3A_89 = vector.shape_cast %broadcast_in_dim3A_1 : vector<16xf32> to vector<1x16xf32>
      tpu.vector_store %arg9[%swap3A_85, %swap3A_86], %swap3A_89 {strides = array<i32>} : memref<128x128xf32, #tpu.memory_space<vmem>>, vector<1x16xf32>,
      %swap3A_90 = arith.index_cast %scan3A_64 : i32 to index
      %swap3A_91 = arith.constant 80 : index
      %swap3A_92 = tpu.vector_load %arg9[%swap3A_90, %swap3A_91] {strides = array<i32>} : memref<128x128xf32, #tpu.memory_space<vmem>>, vector<1x16xf32>,
      %swap3A_93 = vector.shape_cast %swap3A_92 : vector<1x16xf32> to vector<16xf32>
      %swap3A_94 = vector.shape_cast %broadcast_in_dim3A_1 : vector<16xf32> to vector<1x16xf32>
      tpu.vector_store %arg9[%swap3A_90, %swap3A_91], %swap3A_94 {strides = array<i32>} : memref<128x128xf32, #tpu.memory_space<vmem>>, vector<1x16xf32>,
      %swap3A_95 = arith.index_cast %scan3A_64 : i32 to index
      %swap3A_96 = arith.constant 96 : index
      %swap3A_97 = tpu.vector_load %arg9[%swap3A_95, %swap3A_96] {strides = array<i32>} : memref<128x128xf32, #tpu.memory_space<vmem>>, vector<1x16xf32>,
      %swap3A_98 = vector.shape_cast %swap3A_97 : vector<1x16xf32> to vector<16xf32>
      %swap3A_99 = vector.shape_cast %broadcast_in_dim3A_1 : vector<16xf32> to vector<1x16xf32>
      tpu.vector_store %arg9[%swap3A_95, %swap3A_96], %swap3A_99 {strides = array<i32>} : memref<128x128xf32, #tpu.memory_space<vmem>>, vector<1x16xf32>,
      %swap3A_100 = arith.index_cast %scan3A_64 : i32 to index
      %swap3A_101 = arith.constant 112 : index
      %swap3A_102 = tpu.vector_load %arg9[%swap3A_100, %swap3A_101] {strides = array<i32>} : memref<128x128xf32, #tpu.memory_space<vmem>>, vector<1x16xf32>,
      %swap3A_103 = vector.shape_cast %swap3A_102 : vector<1x16xf32> to vector<16xf32>
      %swap3A_104 = vector.shape_cast %broadcast_in_dim3A_1 : vector<16xf32> to vector<1x16xf32>
      tpu.vector_store %arg9[%swap3A_100, %swap3A_101], %swap3A_104 {strides = array<i32>} : memref<128x128xf32, #tpu.memory_space<vmem>>, vector<1x16xf32>,
      %scan3A_105 = arith.constant 0 : i32
      scf.yield %scan3A_105 : i32
    }
    %scan3A_30 = arith.constant 128 : i32
    %mul3A_31 = arith.constant 640 : i32
    %mul3A_32 = arith.muli %arg1, %mul3A_31 : i32
    %add3A_33 = arith.constant 0 : i32
    %add3A_34 = arith.addi %mul3A_32, %add3A_33 : i32
    "tpu.region"() ({
      %run_scoped3A = tpu.sem_alloc : memref<!tpu.dma_semaphore, #tpu.memory_space<semaphore_mem>>
      %dma_start3A_64 = arith.constant 0 : i32
      %dma_start3A_65 = tpu.memref_slice %arg10[%add3A_34, %dma_start3A_64] : memref<10240x128xf32, #tpu.memory_space<vmem_shared>> -> memref<128x128xf32, #tpu.memory_space<vmem_shared>>
      %dma_start3A_66 = arith.constant 0 : i32
      %dma_start3A_67 = tpu.memref_slice %arg10[%add3A_34, %dma_start3A_66] : memref<10240x128xf32, #tpu.memory_space<vmem_shared>> -> memref<128x128xf32, #tpu.memory_space<vmem_shared>>
      tpu.enqueue_dma source(%arg9 : memref<128x128xf32, #tpu.memory_space<vmem>>) target(%dma_start3A_67 : memref<128x128xf32, #tpu.memory_space<vmem_shared>>) target_semaphore(%run_scoped3A : memref<!tpu.dma_semaphore, #tpu.memory_space<semaphore_mem>>)
      %dma_wait3A = arith.constant 0 : i32
      %dma_wait3A_68 = tpu.memref_slice %arg10[%add3A_34, %dma_wait3A] : memref<10240x128xf32, #tpu.memory_space<vmem_shared>> -> memref<128x128xf32, #tpu.memory_space<vmem_shared>>
      %dma_wait3A_69 = arith.constant 0 : i32
      %dma_wait3A_70 = tpu.memref_slice %arg10[%add3A_34, %dma_wait3A_69] : memref<10240x128xf32, #tpu.memory_space<vmem_shared>> -> memref<128x128xf32, #tpu.memory_space<vmem_shared>>
      tpu.wait_dma2 semaphore(%run_scoped3A : memref<!tpu.dma_semaphore, #tpu.memory_space<semaphore_mem>>) src(%arg9 : memref<128x128xf32, #tpu.memory_space<vmem>>) dst(%dma_wait3A_70 : memref<128x128xf32, #tpu.memory_space<vmem_shared>>)
      tpu.yield
    }) : () -> ()
    %mul3A_35 = arith.constant 640 : i32
    %mul3A_36 = arith.muli %arg1, %mul3A_35 : i32
    %add3A_37 = arith.constant 128 : i32
    %add3A_38 = arith.addi %mul3A_36, %add3A_37 : i32
    "tpu.region"() ({
      %run_scoped3A = tpu.sem_alloc : memref<!tpu.dma_semaphore, #tpu.memory_space<semaphore_mem>>
      %dma_start3A_64 = arith.constant 0 : i32
      %dma_start3A_65 = tpu.memref_slice %arg10[%add3A_38, %dma_start3A_64] : memref<10240x128xf32, #tpu.memory_space<vmem_shared>> -> memref<128x128xf32, #tpu.memory_space<vmem_shared>>
      %dma_start3A_66 = arith.constant 0 : i32
      %dma_start3A_67 = tpu.memref_slice %arg10[%add3A_38, %dma_start3A_66] : memref<10240x128xf32, #tpu.memory_space<vmem_shared>> -> memref<128x128xf32, #tpu.memory_space<vmem_shared>>
      tpu.enqueue_dma source(%arg9 : memref<128x128xf32, #tpu.memory_space<vmem>>) target(%dma_start3A_67 : memref<128x128xf32, #tpu.memory_space<vmem_shared>>) target_semaphore(%run_scoped3A : memref<!tpu.dma_semaphore, #tpu.memory_space<semaphore_mem>>)
      %dma_wait3A = arith.constant 0 : i32
      %dma_wait3A_68 = tpu.memref_slice %arg10[%add3A_38, %dma_wait3A] : memref<10240x128xf32, #tpu.memory_space<vmem_shared>> -> memref<128x128xf32, #tpu.memory_space<vmem_shared>>
      %dma_wait3A_69 = arith.constant 0 : i32
      %dma_wait3A_70 = tpu.memref_slice %arg10[%add3A_38, %dma_wait3A_69] : memref<10240x128xf32, #tpu.memory_space<vmem_shared>> -> memref<128x128xf32, #tpu.memory_space<vmem_shared>>
      tpu.wait_dma2 semaphore(%run_scoped3A : memref<!tpu.dma_semaphore, #tpu.memory_space<semaphore_mem>>) src(%arg9 : memref<128x128xf32, #tpu.memory_space<vmem>>) dst(%dma_wait3A_70 : memref<128x128xf32, #tpu.memory_space<vmem_shared>>)
      tpu.yield
    }) : () -> ()
    %mul3A_39 = arith.constant 640 : i32
    %mul3A_40 = arith.muli %arg1, %mul3A_39 : i32
    %add3A_41 = arith.constant 256 : i32
    %add3A_42 = arith.addi %mul3A_40, %add3A_41 : i32
    "tpu.region"() ({
      %run_scoped3A = tpu.sem_alloc : memref<!tpu.dma_semaphore, #tpu.memory_space<semaphore_mem>>
      %dma_start3A_64 = arith.constant 0 : i32
      %dma_start3A_65 = tpu.memref_slice %arg10[%add3A_42, %dma_start3A_64] : memref<10240x128xf32, #tpu.memory_space<vmem_shared>> -> memref<128x128xf32, #tpu.memory_space<vmem_shared>>
      %dma_start3A_66 = arith.constant 0 : i32
      %dma_start3A_67 = tpu.memref_slice %arg10[%add3A_42, %dma_start3A_66] : memref<10240x128xf32, #tpu.memory_space<vmem_shared>> -> memref<128x128xf32, #tpu.memory_space<vmem_shared>>
      tpu.enqueue_dma source(%arg9 : memref<128x128xf32, #tpu.memory_space<vmem>>) target(%dma_start3A_67 : memref<128x128xf32, #tpu.memory_space<vmem_shared>>) target_semaphore(%run_scoped3A : memref<!tpu.dma_semaphore, #tpu.memory_space<semaphore_mem>>)
      %dma_wait3A = arith.constant 0 : i32
      %dma_wait3A_68 = tpu.memref_slice %arg10[%add3A_42, %dma_wait3A] : memref<10240x128xf32, #tpu.memory_space<vmem_shared>> -> memref<128x128xf32, #tpu.memory_space<vmem_shared>>
      %dma_wait3A_69 = arith.constant 0 : i32
      %dma_wait3A_70 = tpu.memref_slice %arg10[%add3A_42, %dma_wait3A_69] : memref<10240x128xf32, #tpu.memory_space<vmem_shared>> -> memref<128x128xf32, #tpu.memory_space<vmem_shared>>
      tpu.wait_dma2 semaphore(%run_scoped3A : memref<!tpu.dma_semaphore, #tpu.memory_space<semaphore_mem>>) src(%arg9 : memref<128x128xf32, #tpu.memory_space<vmem>>) dst(%dma_wait3A_70 : memref<128x128xf32, #tpu.memory_space<vmem_shared>>)
      tpu.yield
    }) : () -> ()
    %mul3A_43 = arith.constant 640 : i32
    %mul3A_44 = arith.muli %arg1, %mul3A_43 : i32
    %add3A_45 = arith.constant 384 : i32
    %add3A_46 = arith.addi %mul3A_44, %add3A_45 : i32
    "tpu.region"() ({
      %run_scoped3A = tpu.sem_alloc : memref<!tpu.dma_semaphore, #tpu.memory_space<semaphore_mem>>
      %dma_start3A_64 = arith.constant 0 : i32
      %dma_start3A_65 = tpu.memref_slice %arg10[%add3A_46, %dma_start3A_64] : memref<10240x128xf32, #tpu.memory_space<vmem_shared>> -> memref<128x128xf32, #tpu.memory_space<vmem_shared>>
      %dma_start3A_66 = arith.constant 0 : i32
      %dma_start3A_67 = tpu.memref_slice %arg10[%add3A_46, %dma_start3A_66] : memref<10240x128xf32, #tpu.memory_space<vmem_shared>> -> memref<128x128xf32, #tpu.memory_space<vmem_shared>>
      tpu.enqueue_dma source(%arg9 : memref<128x128xf32, #tpu.memory_space<vmem>>) target(%dma_start3A_67 : memref<128x128xf32, #tpu.memory_space<vmem_shared>>) target_semaphore(%run_scoped3A : memref<!tpu.dma_semaphore, #tpu.memory_space<semaphore_mem>>)
      %dma_wait3A = arith.constant 0 : i32
      %dma_wait3A_68 = tpu.memref_slice %arg10[%add3A_46, %dma_wait3A] : memref<10240x128xf32, #tpu.memory_space<vmem_shared>> -> memref<128x128xf32, #tpu.memory_space<vmem_shared>>
      %dma_wait3A_69 = arith.constant 0 : i32
      %dma_wait3A_70 = tpu.memref_slice %arg10[%add3A_46, %dma_wait3A_69] : memref<10240x128xf32, #tpu.memory_space<vmem_shared>> -> memref<128x128xf32, #tpu.memory_space<vmem_shared>>
      tpu.wait_dma2 semaphore(%run_scoped3A : memref<!tpu.dma_semaphore, #tpu.memory_space<semaphore_mem>>) src(%arg9 : memref<128x128xf32, #tpu.memory_space<vmem>>) dst(%dma_wait3A_70 : memref<128x128xf32, #tpu.memory_space<vmem_shared>>)
      tpu.yield
    }) : () -> ()
    %mul3A_47 = arith.constant 640 : i32
    %mul3A_48 = arith.muli %arg1, %mul3A_47 : i32
    %add3A_49 = arith.constant 512 : i32
    %add3A_50 = arith.addi %mul3A_48, %add3A_49 : i32
    "tpu.region"() ({
      %run_scoped3A = tpu.sem_alloc : memref<!tpu.dma_semaphore, #tpu.memory_space<semaphore_mem>>
      %dma_start3A_64 = arith.constant 0 : i32
      %dma_start3A_65 = tpu.memref_slice %arg10[%add3A_50, %dma_start3A_64] : memref<10240x128xf32, #tpu.memory_space<vmem_shared>> -> memref<128x128xf32, #tpu.memory_space<vmem_shared>>
      %dma_start3A_66 = arith.constant 0 : i32
      %dma_start3A_67 = tpu.memref_slice %arg10[%add3A_50, %dma_start3A_66] : memref<10240x128xf32, #tpu.memory_space<vmem_shared>> -> memref<128x128xf32, #tpu.memory_space<vmem_shared>>
      tpu.enqueue_dma source(%arg9 : memref<128x128xf32, #tpu.memory_space<vmem>>) target(%dma_start3A_67 : memref<128x128xf32, #tpu.memory_space<vmem_shared>>) target_semaphore(%run_scoped3A : memref<!tpu.dma_semaphore, #tpu.memory_space<semaphore_mem>>)
      %dma_wait3A = arith.constant 0 : i32
      %dma_wait3A_68 = tpu.memref_slice %arg10[%add3A_50, %dma_wait3A] : memref<10240x128xf32, #tpu.memory_space<vmem_shared>> -> memref<128x128xf32, #tpu.memory_space<vmem_shared>>
      %dma_wait3A_69 = arith.constant 0 : i32
      %dma_wait3A_70 = tpu.memref_slice %arg10[%add3A_50, %dma_wait3A_69] : memref<10240x128xf32, #tpu.memory_space<vmem_shared>> -> memref<128x128xf32, #tpu.memory_space<vmem_shared>>
      tpu.wait_dma2 semaphore(%run_scoped3A : memref<!tpu.dma_semaphore, #tpu.memory_space<semaphore_mem>>) src(%arg9 : memref<128x128xf32, #tpu.memory_space<vmem>>) dst(%dma_wait3A_70 : memref<128x128xf32, #tpu.memory_space<vmem_shared>>)
      tpu.yield
    }) : () -> ()
    %barrier3A = arith.constant 0 : index
    tpu.barrier barrier_id(%barrier3A)
    %scan3A_51 = arith.constant 0 : i32
    %scan3A_52 = arith.constant 0 : i32
    %scan3A_53 = arith.constant 2 : i32
    %scan3A_54 = arith.addi %scan3A_52, %scan3A_53 : i32
    %scan3A_55 = arith.constant 1 : i32
    %scan3A_56 = scf.for %scan3A_64 = %scan3A_52 to %scan3A_54 step %scan3A_55 iter_args(%scan3A_65 = %scan3A_51) -> (i32)  : i32 {
      %gt3A = arith.constant 0 : i32
      %gt3A_66 = arith.cmpi sgt, %scan3A_64, %gt3A : i32
      %convert_element_type3A = arith.extui %gt3A_66 : i1 to i32
      %cond3A = arith.constant 0 : i32
      %cond3A_67 = arith.cmpi ne, %convert_element_type3A, %cond3A : i32
      scf.if %cond3A_67 {
        %mul3A_76 = arith.constant 2 : i32
        %mul3A_77 = arith.muli %arg1, %mul3A_76 : i32
        %add3A_78 = arith.addi %mul3A_77, %scan3A_64 : i32
        "tpu.region"() ({
          %run_scoped3A = tpu.sem_alloc : memref<!tpu.dma_semaphore, #tpu.memory_space<semaphore_mem>>
          %dma_start3A_99 = arith.constant 0 : i32
          %dma_start3A_100 = arith.constant 0 : i32
          %dma_start3A_101 = tpu.memref_slice %arg3[%add3A_78, %dma_start3A_99, %dma_start3A_100] : memref<32x40x128xi32, #tpu.memory_space<hbm>> -> memref<1x40x128xi32, #tpu.memory_space<hbm>>
          %dma_start3A_102 = tpu.memref_squeeze %dma_start3A_101 : memref<1x40x128xi32, #tpu.memory_space<hbm>> -> memref<40x128xi32, #tpu.memory_space<hbm>>
          %dma_start3A_103 = arith.constant 0 : i32
          %dma_start3A_104 = arith.constant 0 : i32
          %dma_start3A_105 = tpu.memref_slice %arg3[%add3A_78, %dma_start3A_103, %dma_start3A_104] : memref<32x40x128xi32, #tpu.memory_space<hbm>> -> memref<1x40x128xi32, #tpu.memory_space<hbm>>
          %dma_start3A_106 = tpu.memref_squeeze %dma_start3A_105 : memref<1x40x128xi32, #tpu.memory_space<hbm>> -> memref<40x128xi32, #tpu.memory_space<hbm>>
          tpu.enqueue_dma source(%dma_start3A_106 : memref<40x128xi32, #tpu.memory_space<hbm>>) target(%arg6 : memref<40x128xi32, #tpu.memory_space<vmem>>) target_semaphore(%run_scoped3A : memref<!tpu.dma_semaphore, #tpu.memory_space<semaphore_mem>>)
          %dma_wait3A = arith.constant 0 : i32
          %dma_wait3A_107 = arith.constant 0 : i32
          %dma_wait3A_108 = tpu.memref_slice %arg3[%add3A_78, %dma_wait3A, %dma_wait3A_107] : memref<32x40x128xi32, #tpu.memory_space<hbm>> -> memref<1x40x128xi32, #tpu.memory_space<hbm>>
          %dma_wait3A_109 = tpu.memref_squeeze %dma_wait3A_108 : memref<1x40x128xi32, #tpu.memory_space<hbm>> -> memref<40x128xi32, #tpu.memory_space<hbm>>
          %dma_wait3A_110 = arith.constant 0 : i32
          %dma_wait3A_111 = arith.constant 0 : i32
          %dma_wait3A_112 = tpu.memref_slice %arg3[%add3A_78, %dma_wait3A_110, %dma_wait3A_111] : memref<32x40x128xi32, #tpu.memory_space<hbm>> -> memref<1x40x128xi32, #tpu.memory_space<hbm>>
          %dma_wait3A_113 = tpu.memref_squeeze %dma_wait3A_112 : memref<1x40x128xi32, #tpu.memory_space<hbm>> -> memref<40x128xi32, #tpu.memory_space<hbm>>
          tpu.wait_dma2 semaphore(%run_scoped3A : memref<!tpu.dma_semaphore, #tpu.memory_space<semaphore_mem>>) src(%dma_wait3A_113 : memref<40x128xi32, #tpu.memory_space<hbm>>) dst(%arg6 : memref<40x128xi32, #tpu.memory_space<vmem>>)
          tpu.yield
        }) : () -> ()
        %mul3A_79 = arith.constant 2 : i32
        %mul3A_80 = arith.muli %arg1, %mul3A_79 : i32
        %add3A_81 = arith.addi %mul3A_80, %scan3A_64 : i32
        "tpu.region"() ({
          %run_scoped3A = tpu.sem_alloc : memref<!tpu.dma_semaphore, #tpu.memory_space<semaphore_mem>>
          %dma_start3A_99 = arith.constant 0 : i32
          %dma_start3A_100 = arith.constant 0 : i32
          %dma_start3A_101 = tpu.memref_slice %arg4[%add3A_81, %dma_start3A_99, %dma_start3A_100] : memref<32x40x128xi32, #tpu.memory_space<hbm>> -> memref<1x40x128xi32, #tpu.memory_space<hbm>>
          %dma_start3A_102 = tpu.memref_squeeze %dma_start3A_101 : memref<1x40x128xi32, #tpu.memory_space<hbm>> -> memref<40x128xi32, #tpu.memory_space<hbm>>
          %dma_start3A_103 = arith.constant 0 : i32
          %dma_start3A_104 = arith.constant 0 : i32
          %dma_start3A_105 = tpu.memref_slice %arg4[%add3A_81, %dma_start3A_103, %dma_start3A_104] : memref<32x40x128xi32, #tpu.memory_space<hbm>> -> memref<1x40x128xi32, #tpu.memory_space<hbm>>
          %dma_start3A_106 = tpu.memref_squeeze %dma_start3A_105 : memref<1x40x128xi32, #tpu.memory_space<hbm>> -> memref<40x128xi32, #tpu.memory_space<hbm>>
          tpu.enqueue_dma source(%dma_start3A_106 : memref<40x128xi32, #tpu.memory_space<hbm>>) target(%arg7 : memref<40x128xi32, #tpu.memory_space<vmem>>) target_semaphore(%run_scoped3A : memref<!tpu.dma_semaphore, #tpu.memory_space<semaphore_mem>>)
          %dma_wait3A = arith.constant 0 : i32
          %dma_wait3A_107 = arith.constant 0 : i32
          %dma_wait3A_108 = tpu.memref_slice %arg4[%add3A_81, %dma_wait3A, %dma_wait3A_107] : memref<32x40x128xi32, #tpu.memory_space<hbm>> -> memref<1x40x128xi32, #tpu.memory_space<hbm>>
          %dma_wait3A_109 = tpu.memref_squeeze %dma_wait3A_108 : memref<1x40x128xi32, #tpu.memory_space<hbm>> -> memref<40x128xi32, #tpu.memory_space<hbm>>
          %dma_wait3A_110 = arith.constant 0 : i32
          %dma_wait3A_111 = arith.constant 0 : i32
          %dma_wait3A_112 = tpu.memref_slice %arg4[%add3A_81, %dma_wait3A_110, %dma_wait3A_111] : memref<32x40x128xi32, #tpu.memory_space<hbm>> -> memref<1x40x128xi32, #tpu.memory_space<hbm>>
          %dma_wait3A_113 = tpu.memref_squeeze %dma_wait3A_112 : memref<1x40x128xi32, #tpu.memory_space<hbm>> -> memref<40x128xi32, #tpu.memory_space<hbm>>
          tpu.wait_dma2 semaphore(%run_scoped3A : memref<!tpu.dma_semaphore, #tpu.memory_space<semaphore_mem>>) src(%dma_wait3A_113 : memref<40x128xi32, #tpu.memory_space<hbm>>) dst(%arg7 : memref<40x128xi32, #tpu.memory_space<vmem>>)
          tpu.yield
        }) : () -> ()
        %scan3A_82 = arith.constant 0 : i32
        %scan3A_83 = arith.constant 0 : i32
        %scan3A_84 = arith.constant 40 : i32
        %scan3A_85 = arith.addi %scan3A_83, %scan3A_84 : i32
        %scan3A_86 = arith.constant 1 : i32
        %scan3A_87 = scf.for %scan3A_99 = %scan3A_83 to %scan3A_85 step %scan3A_86 iter_args(%scan3A_100 = %scan3A_82) -> (i32)  : i32 {
          %get3A = arith.index_cast %scan3A_99 : i32 to index
          %get3A_101 = arith.constant 0 : index
          %get3A_102 = tpu.vector_load %arg6[%get3A, %get3A_101] {strides = array<i32>} : memref<40x128xi32, #tpu.memory_space<vmem>>, vector<1x16xi32>,
          %get3A_103 = vector.shape_cast %get3A_102 : vector<1x16xi32> to vector<16xi32>
          %add3A_104 = vector.broadcast %mul3A_0 : i32 to vector<16xi32>
          %add3A_105 = arith.addi %get3A_103, %add3A_104 : vector<16xi32>
          %swap3A = arith.index_cast %scan3A_99 : i32 to index
          %swap3A_106 = arith.constant 0 : index
          %swap3A_107 = tpu.vector_load %arg6[%swap3A, %swap3A_106] {strides = array<i32>} : memref<40x128xi32, #tpu.memory_space<vmem>>, vector<1x16xi32>,
          %swap3A_108 = vector.shape_cast %swap3A_107 : vector<1x16xi32> to vector<16xi32>
          %swap3A_109 = vector.shape_cast %add3A_105 : vector<16xi32> to vector<1x16xi32>
          tpu.vector_store %arg6[%swap3A, %swap3A_106], %swap3A_109 {strides = array<i32>} : memref<40x128xi32, #tpu.memory_space<vmem>>, vector<1x16xi32>,
          %get3A_110 = arith.index_cast %scan3A_99 : i32 to index
          %get3A_111 = arith.constant 16 : index
          %get3A_112 = tpu.vector_load %arg6[%get3A_110, %get3A_111] {strides = array<i32>} : memref<40x128xi32, #tpu.memory_space<vmem>>, vector<1x16xi32>,
          %get3A_113 = vector.shape_cast %get3A_112 : vector<1x16xi32> to vector<16xi32>
          %add3A_114 = vector.broadcast %mul3A_0 : i32 to vector<16xi32>
          %add3A_115 = arith.addi %get3A_113, %add3A_114 : vector<16xi32>
          %swap3A_116 = arith.index_cast %scan3A_99 : i32 to index
          %swap3A_117 = arith.constant 16 : index
          %swap3A_118 = tpu.vector_load %arg6[%swap3A_116, %swap3A_117] {strides = array<i32>} : memref<40x128xi32, #tpu.memory_space<vmem>>, vector<1x16xi32>,
          %swap3A_119 = vector.shape_cast %swap3A_118 : vector<1x16xi32> to vector<16xi32>
          %swap3A_120 = vector.shape_cast %add3A_115 : vector<16xi32> to vector<1x16xi32>
          tpu.vector_store %arg6[%swap3A_116, %swap3A_117], %swap3A_120 {strides = array<i32>} : memref<40x128xi32, #tpu.memory_space<vmem>>, vector<1x16xi32>,
          %get3A_121 = arith.index_cast %scan3A_99 : i32 to index
          %get3A_122 = arith.constant 32 : index
          %get3A_123 = tpu.vector_load %arg6[%get3A_121, %get3A_122] {strides = array<i32>} : memref<40x128xi32, #tpu.memory_space<vmem>>, vector<1x16xi32>,
          %get3A_124 = vector.shape_cast %get3A_123 : vector<1x16xi32> to vector<16xi32>
          %add3A_125 = vector.broadcast %mul3A_0 : i32 to vector<16xi32>
          %add3A_126 = arith.addi %get3A_124, %add3A_125 : vector<16xi32>
          %swap3A_127 = arith.index_cast %scan3A_99 : i32 to index
          %swap3A_128 = arith.constant 32 : index
          %swap3A_129 = tpu.vector_load %arg6[%swap3A_127, %swap3A_128] {strides = array<i32>} : memref<40x128xi32, #tpu.memory_space<vmem>>, vector<1x16xi32>,
          %swap3A_130 = vector.shape_cast %swap3A_129 : vector<1x16xi32> to vector<16xi32>
          %swap3A_131 = vector.shape_cast %add3A_126 : vector<16xi32> to vector<1x16xi32>
          tpu.vector_store %arg6[%swap3A_127, %swap3A_128], %swap3A_131 {strides = array<i32>} : memref<40x128xi32, #tpu.memory_space<vmem>>, vector<1x16xi32>,
          %get3A_132 = arith.index_cast %scan3A_99 : i32 to index
          %get3A_133 = arith.constant 48 : index
          %get3A_134 = tpu.vector_load %arg6[%get3A_132, %get3A_133] {strides = array<i32>} : memref<40x128xi32, #tpu.memory_space<vmem>>, vector<1x16xi32>,
          %get3A_135 = vector.shape_cast %get3A_134 : vector<1x16xi32> to vector<16xi32>
          %add3A_136 = vector.broadcast %mul3A_0 : i32 to vector<16xi32>
          %add3A_137 = arith.addi %get3A_135, %add3A_136 : vector<16xi32>
          %swap3A_138 = arith.index_cast %scan3A_99 : i32 to index
          %swap3A_139 = arith.constant 48 : index
          %swap3A_140 = tpu.vector_load %arg6[%swap3A_138, %swap3A_139] {strides = array<i32>} : memref<40x128xi32, #tpu.memory_space<vmem>>, vector<1x16xi32>,
          %swap3A_141 = vector.shape_cast %swap3A_140 : vector<1x16xi32> to vector<16xi32>
          %swap3A_142 = vector.shape_cast %add3A_137 : vector<16xi32> to vector<1x16xi32>
          tpu.vector_store %arg6[%swap3A_138, %swap3A_139], %swap3A_142 {strides = array<i32>} : memref<40x128xi32, #tpu.memory_space<vmem>>, vector<1x16xi32>,
          %get3A_143 = arith.index_cast %scan3A_99 : i32 to index
          %get3A_144 = arith.constant 64 : index
          %get3A_145 = tpu.vector_load %arg6[%get3A_143, %get3A_144] {strides = array<i32>} : memref<40x128xi32, #tpu.memory_space<vmem>>, vector<1x16xi32>,
          %get3A_146 = vector.shape_cast %get3A_145 : vector<1x16xi32> to vector<16xi32>
          %add3A_147 = vector.broadcast %mul3A_0 : i32 to vector<16xi32>
          %add3A_148 = arith.addi %get3A_146, %add3A_147 : vector<16xi32>
          %swap3A_149 = arith.index_cast %scan3A_99 : i32 to index
          %swap3A_150 = arith.constant 64 : index
          %swap3A_151 = tpu.vector_load %arg6[%swap3A_149, %swap3A_150] {strides = array<i32>} : memref<40x128xi32, #tpu.memory_space<vmem>>, vector<1x16xi32>,
          %swap3A_152 = vector.shape_cast %swap3A_151 : vector<1x16xi32> to vector<16xi32>
          %swap3A_153 = vector.shape_cast %add3A_148 : vector<16xi32> to vector<1x16xi32>
          tpu.vector_store %arg6[%swap3A_149, %swap3A_150], %swap3A_153 {strides = array<i32>} : memref<40x128xi32, #tpu.memory_space<vmem>>, vector<1x16xi32>,
          %get3A_154 = arith.index_cast %scan3A_99 : i32 to index
          %get3A_155 = arith.constant 80 : index
          %get3A_156 = tpu.vector_load %arg6[%get3A_154, %get3A_155] {strides = array<i32>} : memref<40x128xi32, #tpu.memory_space<vmem>>, vector<1x16xi32>,
          %get3A_157 = vector.shape_cast %get3A_156 : vector<1x16xi32> to vector<16xi32>
          %add3A_158 = vector.broadcast %mul3A_0 : i32 to vector<16xi32>
          %add3A_159 = arith.addi %get3A_157, %add3A_158 : vector<16xi32>
          %swap3A_160 = arith.index_cast %scan3A_99 : i32 to index
          %swap3A_161 = arith.constant 80 : index
          %swap3A_162 = tpu.vector_load %arg6[%swap3A_160, %swap3A_161] {strides = array<i32>} : memref<40x128xi32, #tpu.memory_space<vmem>>, vector<1x16xi32>,
          %swap3A_163 = vector.shape_cast %swap3A_162 : vector<1x16xi32> to vector<16xi32>
          %swap3A_164 = vector.shape_cast %add3A_159 : vector<16xi32> to vector<1x16xi32>
          tpu.vector_store %arg6[%swap3A_160, %swap3A_161], %swap3A_164 {strides = array<i32>} : memref<40x128xi32, #tpu.memory_space<vmem>>, vector<1x16xi32>,
          %get3A_165 = arith.index_cast %scan3A_99 : i32 to index
          %get3A_166 = arith.constant 96 : index
          %get3A_167 = tpu.vector_load %arg6[%get3A_165, %get3A_166] {strides = array<i32>} : memref<40x128xi32, #tpu.memory_space<vmem>>, vector<1x16xi32>,
          %get3A_168 = vector.shape_cast %get3A_167 : vector<1x16xi32> to vector<16xi32>
          %add3A_169 = vector.broadcast %mul3A_0 : i32 to vector<16xi32>
          %add3A_170 = arith.addi %get3A_168, %add3A_169 : vector<16xi32>
          %swap3A_171 = arith.index_cast %scan3A_99 : i32 to index
          %swap3A_172 = arith.constant 96 : index
          %swap3A_173 = tpu.vector_load %arg6[%swap3A_171, %swap3A_172] {strides = array<i32>} : memref<40x128xi32, #tpu.memory_space<vmem>>, vector<1x16xi32>,
          %swap3A_174 = vector.shape_cast %swap3A_173 : vector<1x16xi32> to vector<16xi32>
          %swap3A_175 = vector.shape_cast %add3A_170 : vector<16xi32> to vector<1x16xi32>
          tpu.vector_store %arg6[%swap3A_171, %swap3A_172], %swap3A_175 {strides = array<i32>} : memref<40x128xi32, #tpu.memory_space<vmem>>, vector<1x16xi32>,
          %get3A_176 = arith.index_cast %scan3A_99 : i32 to index
          %get3A_177 = arith.constant 112 : index
          %get3A_178 = tpu.vector_load %arg6[%get3A_176, %get3A_177] {strides = array<i32>} : memref<40x128xi32, #tpu.memory_space<vmem>>, vector<1x16xi32>,
          %get3A_179 = vector.shape_cast %get3A_178 : vector<1x16xi32> to vector<16xi32>
          %add3A_180 = vector.broadcast %mul3A_0 : i32 to vector<16xi32>
          %add3A_181 = arith.addi %get3A_179, %add3A_180 : vector<16xi32>
          %swap3A_182 = arith.index_cast %scan3A_99 : i32 to index
          %swap3A_183 = arith.constant 112 : index
          %swap3A_184 = tpu.vector_load %arg6[%swap3A_182, %swap3A_183] {strides = array<i32>} : memref<40x128xi32, #tpu.memory_space<vmem>>, vector<1x16xi32>,
          %swap3A_185 = vector.shape_cast %swap3A_184 : vector<1x16xi32> to vector<16xi32>
          %swap3A_186 = vector.shape_cast %add3A_181 : vector<16xi32> to vector<1x16xi32>
          tpu.vector_store %arg6[%swap3A_182, %swap3A_183], %swap3A_186 {strides = array<i32>} : memref<40x128xi32, #tpu.memory_space<vmem>>, vector<1x16xi32>,
          %scan3A_187 = arith.constant 0 : i32
          scf.yield %scan3A_187 : i32
        }
        %scan3A_88 = arith.constant 40 : i32
        %dma_start3A_89 = arith.constant 0 : i32
        %dma_start3A_90 = arith.constant 0 : i32
        %dma_start3A_91 = arith.constant 0 : i32
        %dma_start3A_92 = tpu.memref_slice %arg8[%dma_start3A_90, %dma_start3A_91] : memref<128x128xf32, #tpu.memory_space<vmem>> -> memref<128x128xf32, #tpu.memory_space<vmem>>
        %dma_start3A_93 = arith.constant 0 : i32
        %dma_start3A_94 = tpu.memref_slice %arg6[%dma_start3A_89, %dma_start3A_93] : memref<40x128xi32, #tpu.memory_space<vmem>> -> memref<1x128xi32, #tpu.memory_space<vmem>>
        %dma_start3A_95 = tpu.memref_squeeze %dma_start3A_94 : memref<1x128xi32, #tpu.memory_space<vmem>> -> memref<128xi32, #tpu.memory_space<vmem>>
        %dma_start3A_96 = arith.constant 0 : i32
        %dma_start3A_97 = arith.constant 0 : i32
        %dma_start3A_98 = tpu.memref_slice %arg2[%dma_start3A_96, %dma_start3A_97] : memref<20480x128xf32, #tpu.memory_space<hbm>> -> memref<20480x128xf32, #tpu.memory_space<hbm>>
        tpu.enqueue_indirect_dma source(%dma_start3A_98 : memref<20480x128xf32, #tpu.memory_space<hbm>>) target(%dma_start3A_92 : memref<128x128xf32, #tpu.memory_space<vmem>>) offsets(%dma_start3A_95 : memref<128xi32, #tpu.memory_space<vmem>>) semaphore(%arg11 : memref<!tpu.dma_semaphore, #tpu.memory_space<semaphore_mem>>)
      } else {
      }
      %scan3A_68 = arith.constant 0 : i32
      %scan3A_69 = arith.constant 0 : i32
      %scan3A_70 = arith.constant 20 : i32
      %scan3A_71 = arith.addi %scan3A_69, %scan3A_70 : i32
      %scan3A_72 = arith.constant 1 : i32
      %scan3A_73 = scf.for %scan3A_76 = %scan3A_69 to %scan3A_71 step %scan3A_72 iter_args(%scan3A_77 = %scan3A_68) -> (i32)  : i32 {
        %mul3A_78 = arith.constant 2 : i32
        %mul3A_79 = arith.muli %scan3A_76, %mul3A_78 : i32
        %add3A_80 = arith.constant 1 : i32
        %add3A_81 = arith.addi %mul3A_79, %add3A_80 : i32
        %dma_start3A_82 = arith.constant 0 : i32
        %dma_start3A_83 = arith.constant 0 : i32
        %dma_start3A_84 = tpu.memref_slice %arg9[%dma_start3A_82, %dma_start3A_83] : memref<128x128xf32, #tpu.memory_space<vmem>> -> memref<128x128xf32, #tpu.memory_space<vmem>>
        %dma_start3A_85 = arith.constant 0 : i32
        %dma_start3A_86 = tpu.memref_slice %arg6[%add3A_81, %dma_start3A_85] : memref<40x128xi32, #tpu.memory_space<vmem>> -> memref<1x128xi32, #tpu.memory_space<vmem>>
        %dma_start3A_87 = tpu.memref_squeeze %dma_start3A_86 : memref<1x128xi32, #tpu.memory_space<vmem>> -> memref<128xi32, #tpu.memory_space<vmem>>
        %dma_start3A_88 = arith.constant 0 : i32
        %dma_start3A_89 = arith.constant 0 : i32
        %dma_start3A_90 = tpu.memref_slice %arg2[%dma_start3A_88, %dma_start3A_89] : memref<20480x128xf32, #tpu.memory_space<hbm>> -> memref<20480x128xf32, #tpu.memory_space<hbm>>
        tpu.enqueue_indirect_dma source(%dma_start3A_90 : memref<20480x128xf32, #tpu.memory_space<hbm>>) target(%dma_start3A_84 : memref<128x128xf32, #tpu.memory_space<vmem>>) offsets(%dma_start3A_87 : memref<128xi32, #tpu.memory_space<vmem>>) semaphore(%arg12 : memref<!tpu.dma_semaphore, #tpu.memory_space<semaphore_mem>>)
        %dma_wait3A = arith.constant 0 : i32
        %dma_wait3A_91 = arith.constant 0 : i32
        %dma_wait3A_92 = tpu.memref_slice %arg8[%dma_wait3A, %dma_wait3A_91] : memref<128x128xf32, #tpu.memory_space<vmem>> -> memref<128x128xf32, #tpu.memory_space<vmem>>
        %dma_wait3A_93 = arith.constant 0 : i32
        %dma_wait3A_94 = tpu.memref_slice %arg6[%mul3A_79, %dma_wait3A_93] : memref<40x128xi32, #tpu.memory_space<vmem>> -> memref<1x128xi32, #tpu.memory_space<vmem>>
        %dma_wait3A_95 = tpu.memref_squeeze %dma_wait3A_94 : memref<1x128xi32, #tpu.memory_space<vmem>> -> memref<128xi32, #tpu.memory_space<vmem>>
        %dma_wait3A_96 = arith.constant 0 : i32
        %dma_wait3A_97 = arith.constant 0 : i32
        %dma_wait3A_98 = tpu.memref_slice %arg2[%dma_wait3A_96, %dma_wait3A_97] : memref<20480x128xf32, #tpu.memory_space<hbm>> -> memref<20480x128xf32, #tpu.memory_space<hbm>>
        tpu.wait_indirect_dma semaphore(%arg11 : memref<!tpu.dma_semaphore, #tpu.memory_space<semaphore_mem>>) src(%dma_wait3A_98 : memref<20480x128xf32, #tpu.memory_space<hbm>>) dst(%dma_wait3A_92 : memref<128x128xf32, #tpu.memory_space<vmem>>)
        "tpu.region"() ({
          %run_scoped3A = tpu.sem_alloc : memref<!tpu.dma_semaphore, #tpu.memory_space<semaphore_mem>>
          %dma_start3A_117 = arith.constant 0 : i32
          %dma_start3A_118 = tpu.memref_slice %arg7[%mul3A_79, %dma_start3A_117] : memref<40x128xi32, #tpu.memory_space<vmem>> -> memref<1x128xi32, #tpu.memory_space<vmem>>
          %dma_start3A_119 = tpu.memref_squeeze %dma_start3A_118 : memref<1x128xi32, #tpu.memory_space<vmem>> -> memref<128xi32, #tpu.memory_space<vmem>>
          %dma_start3A_120 = arith.constant 0 : i32
          %dma_start3A_121 = arith.constant 0 : i32
          %dma_start3A_122 = tpu.memref_slice %arg10[%dma_start3A_120, %dma_start3A_121] : memref<10240x128xf32, #tpu.memory_space<vmem_shared>> -> memref<10240x128xf32, #tpu.memory_space<vmem_shared>>
          tpu.enqueue_indirect_dma source(%arg8 : memref<128x128xf32, #tpu.memory_space<vmem>>) target(%dma_start3A_122 : memref<10240x128xf32, #tpu.memory_space<vmem_shared>>) offsets(%dma_start3A_119 : memref<128xi32, #tpu.memory_space<vmem>>) semaphore(%run_scoped3A : memref<!tpu.dma_semaphore, #tpu.memory_space<semaphore_mem>>) {add = true}
          %dma_wait3A_123 = arith.constant 0 : i32
          %dma_wait3A_124 = tpu.memref_slice %arg7[%mul3A_79, %dma_wait3A_123] : memref<40x128xi32, #tpu.memory_space<vmem>> -> memref<1x128xi32, #tpu.memory_space<vmem>>
          %dma_wait3A_125 = tpu.memref_squeeze %dma_wait3A_124 : memref<1x128xi32, #tpu.memory_space<vmem>> -> memref<128xi32, #tpu.memory_space<vmem>>
          %dma_wait3A_126 = arith.constant 0 : i32
          %dma_wait3A_127 = arith.constant 0 : i32
          %dma_wait3A_128 = tpu.memref_slice %arg10[%dma_wait3A_126, %dma_wait3A_127] : memref<10240x128xf32, #tpu.memory_space<vmem_shared>> -> memref<10240x128xf32, #tpu.memory_space<vmem_shared>>
          tpu.wait_indirect_dma semaphore(%run_scoped3A : memref<!tpu.dma_semaphore, #tpu.memory_space<semaphore_mem>>) src(%arg8 : memref<128x128xf32, #tpu.memory_space<vmem>>) dst(%dma_wait3A_128 : memref<10240x128xf32, #tpu.memory_space<vmem_shared>>)
          tpu.yield
        }) : () -> ()
        %lt3A = arith.constant 19 : i32
        %lt3A_99 = arith.cmpi slt, %scan3A_76, %lt3A : i32
        %convert_element_type3A_100 = arith.extui %lt3A_99 : i1 to i32
        %cond3A_101 = arith.constant 0 : i32
        %cond3A_102 = arith.cmpi ne, %convert_element_type3A_100, %cond3A_101 : i32
        scf.if %cond3A_102 {
          %add3A_117 = arith.constant 2 : i32
          %add3A_118 = arith.addi %mul3A_79, %add3A_117 : i32
          %dma_start3A_119 = arith.constant 0 : i32
          %dma_start3A_120 = arith.constant 0 : i32
          %dma_start3A_121 = tpu.memref_slice %arg8[%dma_start3A_119, %dma_start3A_120] : memref<128x128xf32, #tpu.memory_space<vmem>> -> memref<128x128xf32, #tpu.memory_space<vmem>>
          %dma_start3A_122 = arith.constant 0 : i32
          %dma_start3A_123 = tpu.memref_slice %arg6[%add3A_118, %dma_start3A_122] : memref<40x128xi32, #tpu.memory_space<vmem>> -> memref<1x128xi32, #tpu.memory_space<vmem>>
          %dma_start3A_124 = tpu.memref_squeeze %dma_start3A_123 : memref<1x128xi32, #tpu.memory_space<vmem>> -> memref<128xi32, #tpu.memory_space<vmem>>
          %dma_start3A_125 = arith.constant 0 : i32
          %dma_start3A_126 = arith.constant 0 : i32
          %dma_start3A_127 = tpu.memref_slice %arg2[%dma_start3A_125, %dma_start3A_126] : memref<20480x128xf32, #tpu.memory_space<hbm>> -> memref<20480x128xf32, #tpu.memory_space<hbm>>
          tpu.enqueue_indirect_dma source(%dma_start3A_127 : memref<20480x128xf32, #tpu.memory_space<hbm>>) target(%dma_start3A_121 : memref<128x128xf32, #tpu.memory_space<vmem>>) offsets(%dma_start3A_124 : memref<128xi32, #tpu.memory_space<vmem>>) semaphore(%arg11 : memref<!tpu.dma_semaphore, #tpu.memory_space<semaphore_mem>>)
        } else {
        }
        %add3A_103 = arith.constant 1 : i32
        %add3A_104 = arith.addi %mul3A_79, %add3A_103 : i32
        %dma_wait3A_105 = arith.constant 0 : i32
        %dma_wait3A_106 = arith.constant 0 : i32
        %dma_wait3A_107 = tpu.memref_slice %arg9[%dma_wait3A_105, %dma_wait3A_106] : memref<128x128xf32, #tpu.memory_space<vmem>> -> memref<128x128xf32, #tpu.memory_space<vmem>>
        %dma_wait3A_108 = arith.constant 0 : i32
        %dma_wait3A_109 = tpu.memref_slice %arg6[%add3A_104, %dma_wait3A_108] : memref<40x128xi32, #tpu.memory_space<vmem>> -> memref<1x128xi32, #tpu.memory_space<vmem>>
        %dma_wait3A_110 = tpu.memref_squeeze %dma_wait3A_109 : memref<1x128xi32, #tpu.memory_space<vmem>> -> memref<128xi32, #tpu.memory_space<vmem>>
        %dma_wait3A_111 = arith.constant 0 : i32
        %dma_wait3A_112 = arith.constant 0 : i32
        %dma_wait3A_113 = tpu.memref_slice %arg2[%dma_wait3A_111, %dma_wait3A_112] : memref<20480x128xf32, #tpu.memory_space<hbm>> -> memref<20480x128xf32, #tpu.memory_space<hbm>>
        tpu.wait_indirect_dma semaphore(%arg12 : memref<!tpu.dma_semaphore, #tpu.memory_space<semaphore_mem>>) src(%dma_wait3A_113 : memref<20480x128xf32, #tpu.memory_space<hbm>>) dst(%dma_wait3A_107 : memref<128x128xf32, #tpu.memory_space<vmem>>)
        %add3A_114 = arith.constant 1 : i32
        %add3A_115 = arith.addi %mul3A_79, %add3A_114 : i32
        "tpu.region"() ({
          %run_scoped3A = tpu.sem_alloc : memref<!tpu.dma_semaphore, #tpu.memory_space<semaphore_mem>>
          %dma_start3A_117 = arith.constant 0 : i32
          %dma_start3A_118 = tpu.memref_slice %arg7[%add3A_115, %dma_start3A_117] : memref<40x128xi32, #tpu.memory_space<vmem>> -> memref<1x128xi32, #tpu.memory_space<vmem>>
          %dma_start3A_119 = tpu.memref_squeeze %dma_start3A_118 : memref<1x128xi32, #tpu.memory_space<vmem>> -> memref<128xi32, #tpu.memory_space<vmem>>
          %dma_start3A_120 = arith.constant 0 : i32
          %dma_start3A_121 = arith.constant 0 : i32
          %dma_start3A_122 = tpu.memref_slice %arg10[%dma_start3A_120, %dma_start3A_121] : memref<10240x128xf32, #tpu.memory_space<vmem_shared>> -> memref<10240x128xf32, #tpu.memory_space<vmem_shared>>
          tpu.enqueue_indirect_dma source(%arg9 : memref<128x128xf32, #tpu.memory_space<vmem>>) target(%dma_start3A_122 : memref<10240x128xf32, #tpu.memory_space<vmem_shared>>) offsets(%dma_start3A_119 : memref<128xi32, #tpu.memory_space<vmem>>) semaphore(%run_scoped3A : memref<!tpu.dma_semaphore, #tpu.memory_space<semaphore_mem>>) {add = true}
          %dma_wait3A_123 = arith.constant 0 : i32
          %dma_wait3A_124 = tpu.memref_slice %arg7[%add3A_115, %dma_wait3A_123] : memref<40x128xi32, #tpu.memory_space<vmem>> -> memref<1x128xi32, #tpu.memory_space<vmem>>
          %dma_wait3A_125 = tpu.memref_squeeze %dma_wait3A_124 : memref<1x128xi32, #tpu.memory_space<vmem>> -> memref<128xi32, #tpu.memory_space<vmem>>
          %dma_wait3A_126 = arith.constant 0 : i32
          %dma_wait3A_127 = arith.constant 0 : i32
          %dma_wait3A_128 = tpu.memref_slice %arg10[%dma_wait3A_126, %dma_wait3A_127] : memref<10240x128xf32, #tpu.memory_space<vmem_shared>> -> memref<10240x128xf32, #tpu.memory_space<vmem_shared>>
          tpu.wait_indirect_dma semaphore(%run_scoped3A : memref<!tpu.dma_semaphore, #tpu.memory_space<semaphore_mem>>) src(%arg9 : memref<128x128xf32, #tpu.memory_space<vmem>>) dst(%dma_wait3A_128 : memref<10240x128xf32, #tpu.memory_space<vmem_shared>>)
          tpu.yield
        }) : () -> ()
        %scan3A_116 = arith.constant 0 : i32
        scf.yield %scan3A_116 : i32
      }
      %scan3A_74 = arith.constant 20 : i32
      %scan3A_75 = arith.constant 0 : i32
      scf.yield %scan3A_75 : i32
    }
    %scan3A_57 = arith.constant 2 : i32
    %barrier3A_58 = arith.constant 0 : index
    tpu.barrier barrier_id(%barrier3A_58)
    %mul3A_59 = arith.constant 640 : i32
    %mul3A_60 = arith.muli %arg1, %mul3A_59 : i32
    %mul3A_61 = arith.constant 640 : i32
    %mul3A_62 = arith.muli %arg1, %mul3A_61 : i32
    %add3A_63 = arith.addi %mul3A_0, %mul3A_62 : i32
    "tpu.region"() ({
      %run_scoped3A = tpu.sem_alloc : memref<!tpu.dma_semaphore, #tpu.memory_space<semaphore_mem>>
      %dma_start3A_64 = arith.constant 0 : i32
      %dma_start3A_65 = tpu.memref_slice %arg5[%add3A_63, %dma_start3A_64] : memref<20480x128xf32, #tpu.memory_space<hbm>> -> memref<640x128xf32, #tpu.memory_space<hbm>>
      %dma_start3A_66 = arith.constant 0 : i32
      %dma_start3A_67 = tpu.memref_slice %arg10[%mul3A_60, %dma_start3A_66] : memref<10240x128xf32, #tpu.memory_space<vmem_shared>> -> memref<640x128xf32, #tpu.memory_space<vmem_shared>>
      tpu.enqueue_dma source(%dma_start3A_67 : memref<640x128xf32, #tpu.memory_space<vmem_shared>>) target(%dma_start3A_65 : memref<640x128xf32, #tpu.memory_space<hbm>>) target_semaphore(%run_scoped3A : memref<!tpu.dma_semaphore, #tpu.memory_space<semaphore_mem>>)
      %dma_wait3A = arith.constant 0 : i32
      %dma_wait3A_68 = tpu.memref_slice %arg5[%add3A_63, %dma_wait3A] : memref<20480x128xf32, #tpu.memory_space<hbm>> -> memref<640x128xf32, #tpu.memory_space<hbm>>
      %dma_wait3A_69 = arith.constant 0 : i32
      %dma_wait3A_70 = tpu.memref_slice %arg10[%mul3A_60, %dma_wait3A_69] : memref<10240x128xf32, #tpu.memory_space<vmem_shared>> -> memref<640x128xf32, #tpu.memory_space<vmem_shared>>
      tpu.wait_dma2 semaphore(%run_scoped3A : memref<!tpu.dma_semaphore, #tpu.memory_space<semaphore_mem>>) src(%dma_wait3A_70 : memref<640x128xf32, #tpu.memory_space<vmem_shared>>) dst(%dma_wait3A_68 : memref<640x128xf32, #tpu.memory_space<hbm>>)
      tpu.yield
    }) : () -> ()
    return
  }
}

#map = affine_map<(d0, d1) -> (0, 0, 0)>
#map1 = affine_map<(d0, d1) -> (0, 0)>
module attributes {stable_mosaic.version = 14 : i64} {
  func.func @_deg_body(%arg0: i32, %arg1: i32, %arg2: memref<32x40x128xi32, #tpu.memory_space<hbm>>, %arg3: memref<20480x128xf32, #tpu.memory_space<hbm>>, %arg4: memref<40x128xi32, #tpu.memory_space<vmem>>, %arg5: memref<128x128xf32, #tpu.memory_space<vmem>>, %arg6: memref<10240x128xf32, #tpu.memory_space<vmem_shared>>) attributes {dimension_semantics = [#tpu.dimension_semantics<core_parallel>, #tpu.dimension_semantics<subcore_parallel>], iteration_bounds = array<i64: 2, 16>, scalar_prefetch = 0 : i64, scratch_operands = 3 : i64, tpu.core_type = #tpu.core_type<sc_vector_subcore>, window_params = [{transform_indices = #map}, {transform_indices = #map1}]} {
    %broadcast_in_dim3A = arith.constant 1.000000e+00 : f32
    %broadcast_in_dim3A_0 = vector.broadcast %broadcast_in_dim3A : f32 to vector<16xf32>
    %broadcast_in_dim3A_1 = arith.constant 0.000000e+00 : f32
    %broadcast_in_dim3A_2 = vector.broadcast %broadcast_in_dim3A_1 : f32 to vector<16xf32>
    %scan3A = arith.constant 0 : i32
    %scan3A_3 = arith.constant 0 : i32
    %scan3A_4 = arith.constant 128 : i32
    %scan3A_5 = arith.addi %scan3A_3, %scan3A_4 : i32
    %scan3A_6 = arith.constant 1 : i32
    %scan3A_7 = scf.for %scan3A_52 = %scan3A_3 to %scan3A_5 step %scan3A_6 iter_args(%scan3A_53 = %scan3A) -> (i32)  : i32 {
      %swap3A = arith.index_cast %scan3A_52 : i32 to index
      %swap3A_54 = arith.constant 0 : index
      %swap3A_55 = tpu.vector_load %arg5[%swap3A, %swap3A_54] {strides = array<i32>} : memref<128x128xf32, #tpu.memory_space<vmem>>, vector<1x16xf32>,
      %swap3A_56 = vector.shape_cast %swap3A_55 : vector<1x16xf32> to vector<16xf32>
      %swap3A_57 = vector.shape_cast %broadcast_in_dim3A_2 : vector<16xf32> to vector<1x16xf32>
      tpu.vector_store %arg5[%swap3A, %swap3A_54], %swap3A_57 {strides = array<i32>} : memref<128x128xf32, #tpu.memory_space<vmem>>, vector<1x16xf32>,
      %swap3A_58 = arith.index_cast %scan3A_52 : i32 to index
      %swap3A_59 = arith.constant 16 : index
      %swap3A_60 = tpu.vector_load %arg5[%swap3A_58, %swap3A_59] {strides = array<i32>} : memref<128x128xf32, #tpu.memory_space<vmem>>, vector<1x16xf32>,
      %swap3A_61 = vector.shape_cast %swap3A_60 : vector<1x16xf32> to vector<16xf32>
      %swap3A_62 = vector.shape_cast %broadcast_in_dim3A_2 : vector<16xf32> to vector<1x16xf32>
      tpu.vector_store %arg5[%swap3A_58, %swap3A_59], %swap3A_62 {strides = array<i32>} : memref<128x128xf32, #tpu.memory_space<vmem>>, vector<1x16xf32>,
      %swap3A_63 = arith.index_cast %scan3A_52 : i32 to index
      %swap3A_64 = arith.constant 32 : index
      %swap3A_65 = tpu.vector_load %arg5[%swap3A_63, %swap3A_64] {strides = array<i32>} : memref<128x128xf32, #tpu.memory_space<vmem>>, vector<1x16xf32>,
      %swap3A_66 = vector.shape_cast %swap3A_65 : vector<1x16xf32> to vector<16xf32>
      %swap3A_67 = vector.shape_cast %broadcast_in_dim3A_2 : vector<16xf32> to vector<1x16xf32>
      tpu.vector_store %arg5[%swap3A_63, %swap3A_64], %swap3A_67 {strides = array<i32>} : memref<128x128xf32, #tpu.memory_space<vmem>>, vector<1x16xf32>,
      %swap3A_68 = arith.index_cast %scan3A_52 : i32 to index
      %swap3A_69 = arith.constant 48 : index
      %swap3A_70 = tpu.vector_load %arg5[%swap3A_68, %swap3A_69] {strides = array<i32>} : memref<128x128xf32, #tpu.memory_space<vmem>>, vector<1x16xf32>,
      %swap3A_71 = vector.shape_cast %swap3A_70 : vector<1x16xf32> to vector<16xf32>
      %swap3A_72 = vector.shape_cast %broadcast_in_dim3A_2 : vector<16xf32> to vector<1x16xf32>
      tpu.vector_store %arg5[%swap3A_68, %swap3A_69], %swap3A_72 {strides = array<i32>} : memref<128x128xf32, #tpu.memory_space<vmem>>, vector<1x16xf32>,
      %swap3A_73 = arith.index_cast %scan3A_52 : i32 to index
      %swap3A_74 = arith.constant 64 : index
      %swap3A_75 = tpu.vector_load %arg5[%swap3A_73, %swap3A_74] {strides = array<i32>} : memref<128x128xf32, #tpu.memory_space<vmem>>, vector<1x16xf32>,
      %swap3A_76 = vector.shape_cast %swap3A_75 : vector<1x16xf32> to vector<16xf32>
      %swap3A_77 = vector.shape_cast %broadcast_in_dim3A_2 : vector<16xf32> to vector<1x16xf32>
      tpu.vector_store %arg5[%swap3A_73, %swap3A_74], %swap3A_77 {strides = array<i32>} : memref<128x128xf32, #tpu.memory_space<vmem>>, vector<1x16xf32>,
      %swap3A_78 = arith.index_cast %scan3A_52 : i32 to index
      %swap3A_79 = arith.constant 80 : index
      %swap3A_80 = tpu.vector_load %arg5[%swap3A_78, %swap3A_79] {strides = array<i32>} : memref<128x128xf32, #tpu.memory_space<vmem>>, vector<1x16xf32>,
      %swap3A_81 = vector.shape_cast %swap3A_80 : vector<1x16xf32> to vector<16xf32>
      %swap3A_82 = vector.shape_cast %broadcast_in_dim3A_2 : vector<16xf32> to vector<1x16xf32>
      tpu.vector_store %arg5[%swap3A_78, %swap3A_79], %swap3A_82 {strides = array<i32>} : memref<128x128xf32, #tpu.memory_space<vmem>>, vector<1x16xf32>,
      %swap3A_83 = arith.index_cast %scan3A_52 : i32 to index
      %swap3A_84 = arith.constant 96 : index
      %swap3A_85 = tpu.vector_load %arg5[%swap3A_83, %swap3A_84] {strides = array<i32>} : memref<128x128xf32, #tpu.memory_space<vmem>>, vector<1x16xf32>,
      %swap3A_86 = vector.shape_cast %swap3A_85 : vector<1x16xf32> to vector<16xf32>
      %swap3A_87 = vector.shape_cast %broadcast_in_dim3A_2 : vector<16xf32> to vector<1x16xf32>
      tpu.vector_store %arg5[%swap3A_83, %swap3A_84], %swap3A_87 {strides = array<i32>} : memref<128x128xf32, #tpu.memory_space<vmem>>, vector<1x16xf32>,
      %swap3A_88 = arith.index_cast %scan3A_52 : i32 to index
      %swap3A_89 = arith.constant 112 : index
      %swap3A_90 = tpu.vector_load %arg5[%swap3A_88, %swap3A_89] {strides = array<i32>} : memref<128x128xf32, #tpu.memory_space<vmem>>, vector<1x16xf32>,
      %swap3A_91 = vector.shape_cast %swap3A_90 : vector<1x16xf32> to vector<16xf32>
      %swap3A_92 = vector.shape_cast %broadcast_in_dim3A_2 : vector<16xf32> to vector<1x16xf32>
      tpu.vector_store %arg5[%swap3A_88, %swap3A_89], %swap3A_92 {strides = array<i32>} : memref<128x128xf32, #tpu.memory_space<vmem>>, vector<1x16xf32>,
      %scan3A_93 = arith.constant 0 : i32
      scf.yield %scan3A_93 : i32
    }
    %scan3A_8 = arith.constant 128 : i32
    %mul3A = arith.constant 640 : i32
    %mul3A_9 = arith.muli %arg1, %mul3A : i32
    %add3A = arith.constant 0 : i32
    %add3A_10 = arith.addi %mul3A_9, %add3A : i32
    "tpu.region"() ({
      %run_scoped3A = tpu.sem_alloc : memref<!tpu.dma_semaphore, #tpu.memory_space<semaphore_mem>>
      %dma_start3A = arith.constant 0 : i32
      %dma_start3A_52 = tpu.memref_slice %arg6[%add3A_10, %dma_start3A] : memref<10240x128xf32, #tpu.memory_space<vmem_shared>> -> memref<128x128xf32, #tpu.memory_space<vmem_shared>>
      %dma_start3A_53 = arith.constant 0 : i32
      %dma_start3A_54 = tpu.memref_slice %arg6[%add3A_10, %dma_start3A_53] : memref<10240x128xf32, #tpu.memory_space<vmem_shared>> -> memref<128x128xf32, #tpu.memory_space<vmem_shared>>
      tpu.enqueue_dma source(%arg5 : memref<128x128xf32, #tpu.memory_space<vmem>>) target(%dma_start3A_54 : memref<128x128xf32, #tpu.memory_space<vmem_shared>>) target_semaphore(%run_scoped3A : memref<!tpu.dma_semaphore, #tpu.memory_space<semaphore_mem>>)
      %dma_wait3A = arith.constant 0 : i32
      %dma_wait3A_55 = tpu.memref_slice %arg6[%add3A_10, %dma_wait3A] : memref<10240x128xf32, #tpu.memory_space<vmem_shared>> -> memref<128x128xf32, #tpu.memory_space<vmem_shared>>
      %dma_wait3A_56 = arith.constant 0 : i32
      %dma_wait3A_57 = tpu.memref_slice %arg6[%add3A_10, %dma_wait3A_56] : memref<10240x128xf32, #tpu.memory_space<vmem_shared>> -> memref<128x128xf32, #tpu.memory_space<vmem_shared>>
      tpu.wait_dma2 semaphore(%run_scoped3A : memref<!tpu.dma_semaphore, #tpu.memory_space<semaphore_mem>>) src(%arg5 : memref<128x128xf32, #tpu.memory_space<vmem>>) dst(%dma_wait3A_57 : memref<128x128xf32, #tpu.memory_space<vmem_shared>>)
      tpu.yield
    }) : () -> ()
    %mul3A_11 = arith.constant 640 : i32
    %mul3A_12 = arith.muli %arg1, %mul3A_11 : i32
    %add3A_13 = arith.constant 128 : i32
    %add3A_14 = arith.addi %mul3A_12, %add3A_13 : i32
    "tpu.region"() ({
      %run_scoped3A = tpu.sem_alloc : memref<!tpu.dma_semaphore, #tpu.memory_space<semaphore_mem>>
      %dma_start3A = arith.constant 0 : i32
      %dma_start3A_52 = tpu.memref_slice %arg6[%add3A_14, %dma_start3A] : memref<10240x128xf32, #tpu.memory_space<vmem_shared>> -> memref<128x128xf32, #tpu.memory_space<vmem_shared>>
      %dma_start3A_53 = arith.constant 0 : i32
      %dma_start3A_54 = tpu.memref_slice %arg6[%add3A_14, %dma_start3A_53] : memref<10240x128xf32, #tpu.memory_space<vmem_shared>> -> memref<128x128xf32, #tpu.memory_space<vmem_shared>>
      tpu.enqueue_dma source(%arg5 : memref<128x128xf32, #tpu.memory_space<vmem>>) target(%dma_start3A_54 : memref<128x128xf32, #tpu.memory_space<vmem_shared>>) target_semaphore(%run_scoped3A : memref<!tpu.dma_semaphore, #tpu.memory_space<semaphore_mem>>)
      %dma_wait3A = arith.constant 0 : i32
      %dma_wait3A_55 = tpu.memref_slice %arg6[%add3A_14, %dma_wait3A] : memref<10240x128xf32, #tpu.memory_space<vmem_shared>> -> memref<128x128xf32, #tpu.memory_space<vmem_shared>>
      %dma_wait3A_56 = arith.constant 0 : i32
      %dma_wait3A_57 = tpu.memref_slice %arg6[%add3A_14, %dma_wait3A_56] : memref<10240x128xf32, #tpu.memory_space<vmem_shared>> -> memref<128x128xf32, #tpu.memory_space<vmem_shared>>
      tpu.wait_dma2 semaphore(%run_scoped3A : memref<!tpu.dma_semaphore, #tpu.memory_space<semaphore_mem>>) src(%arg5 : memref<128x128xf32, #tpu.memory_space<vmem>>) dst(%dma_wait3A_57 : memref<128x128xf32, #tpu.memory_space<vmem_shared>>)
      tpu.yield
    }) : () -> ()
    %mul3A_15 = arith.constant 640 : i32
    %mul3A_16 = arith.muli %arg1, %mul3A_15 : i32
    %add3A_17 = arith.constant 256 : i32
    %add3A_18 = arith.addi %mul3A_16, %add3A_17 : i32
    "tpu.region"() ({
      %run_scoped3A = tpu.sem_alloc : memref<!tpu.dma_semaphore, #tpu.memory_space<semaphore_mem>>
      %dma_start3A = arith.constant 0 : i32
      %dma_start3A_52 = tpu.memref_slice %arg6[%add3A_18, %dma_start3A] : memref<10240x128xf32, #tpu.memory_space<vmem_shared>> -> memref<128x128xf32, #tpu.memory_space<vmem_shared>>
      %dma_start3A_53 = arith.constant 0 : i32
      %dma_start3A_54 = tpu.memref_slice %arg6[%add3A_18, %dma_start3A_53] : memref<10240x128xf32, #tpu.memory_space<vmem_shared>> -> memref<128x128xf32, #tpu.memory_space<vmem_shared>>
      tpu.enqueue_dma source(%arg5 : memref<128x128xf32, #tpu.memory_space<vmem>>) target(%dma_start3A_54 : memref<128x128xf32, #tpu.memory_space<vmem_shared>>) target_semaphore(%run_scoped3A : memref<!tpu.dma_semaphore, #tpu.memory_space<semaphore_mem>>)
      %dma_wait3A = arith.constant 0 : i32
      %dma_wait3A_55 = tpu.memref_slice %arg6[%add3A_18, %dma_wait3A] : memref<10240x128xf32, #tpu.memory_space<vmem_shared>> -> memref<128x128xf32, #tpu.memory_space<vmem_shared>>
      %dma_wait3A_56 = arith.constant 0 : i32
      %dma_wait3A_57 = tpu.memref_slice %arg6[%add3A_18, %dma_wait3A_56] : memref<10240x128xf32, #tpu.memory_space<vmem_shared>> -> memref<128x128xf32, #tpu.memory_space<vmem_shared>>
      tpu.wait_dma2 semaphore(%run_scoped3A : memref<!tpu.dma_semaphore, #tpu.memory_space<semaphore_mem>>) src(%arg5 : memref<128x128xf32, #tpu.memory_space<vmem>>) dst(%dma_wait3A_57 : memref<128x128xf32, #tpu.memory_space<vmem_shared>>)
      tpu.yield
    }) : () -> ()
    %mul3A_19 = arith.constant 640 : i32
    %mul3A_20 = arith.muli %arg1, %mul3A_19 : i32
    %add3A_21 = arith.constant 384 : i32
    %add3A_22 = arith.addi %mul3A_20, %add3A_21 : i32
    "tpu.region"() ({
      %run_scoped3A = tpu.sem_alloc : memref<!tpu.dma_semaphore, #tpu.memory_space<semaphore_mem>>
      %dma_start3A = arith.constant 0 : i32
      %dma_start3A_52 = tpu.memref_slice %arg6[%add3A_22, %dma_start3A] : memref<10240x128xf32, #tpu.memory_space<vmem_shared>> -> memref<128x128xf32, #tpu.memory_space<vmem_shared>>
      %dma_start3A_53 = arith.constant 0 : i32
      %dma_start3A_54 = tpu.memref_slice %arg6[%add3A_22, %dma_start3A_53] : memref<10240x128xf32, #tpu.memory_space<vmem_shared>> -> memref<128x128xf32, #tpu.memory_space<vmem_shared>>
      tpu.enqueue_dma source(%arg5 : memref<128x128xf32, #tpu.memory_space<vmem>>) target(%dma_start3A_54 : memref<128x128xf32, #tpu.memory_space<vmem_shared>>) target_semaphore(%run_scoped3A : memref<!tpu.dma_semaphore, #tpu.memory_space<semaphore_mem>>)
      %dma_wait3A = arith.constant 0 : i32
      %dma_wait3A_55 = tpu.memref_slice %arg6[%add3A_22, %dma_wait3A] : memref<10240x128xf32, #tpu.memory_space<vmem_shared>> -> memref<128x128xf32, #tpu.memory_space<vmem_shared>>
      %dma_wait3A_56 = arith.constant 0 : i32
      %dma_wait3A_57 = tpu.memref_slice %arg6[%add3A_22, %dma_wait3A_56] : memref<10240x128xf32, #tpu.memory_space<vmem_shared>> -> memref<128x128xf32, #tpu.memory_space<vmem_shared>>
      tpu.wait_dma2 semaphore(%run_scoped3A : memref<!tpu.dma_semaphore, #tpu.memory_space<semaphore_mem>>) src(%arg5 : memref<128x128xf32, #tpu.memory_space<vmem>>) dst(%dma_wait3A_57 : memref<128x128xf32, #tpu.memory_space<vmem_shared>>)
      tpu.yield
    }) : () -> ()
    %mul3A_23 = arith.constant 640 : i32
    %mul3A_24 = arith.muli %arg1, %mul3A_23 : i32
    %add3A_25 = arith.constant 512 : i32
    %add3A_26 = arith.addi %mul3A_24, %add3A_25 : i32
    "tpu.region"() ({
      %run_scoped3A = tpu.sem_alloc : memref<!tpu.dma_semaphore, #tpu.memory_space<semaphore_mem>>
      %dma_start3A = arith.constant 0 : i32
      %dma_start3A_52 = tpu.memref_slice %arg6[%add3A_26, %dma_start3A] : memref<10240x128xf32, #tpu.memory_space<vmem_shared>> -> memref<128x128xf32, #tpu.memory_space<vmem_shared>>
      %dma_start3A_53 = arith.constant 0 : i32
      %dma_start3A_54 = tpu.memref_slice %arg6[%add3A_26, %dma_start3A_53] : memref<10240x128xf32, #tpu.memory_space<vmem_shared>> -> memref<128x128xf32, #tpu.memory_space<vmem_shared>>
      tpu.enqueue_dma source(%arg5 : memref<128x128xf32, #tpu.memory_space<vmem>>) target(%dma_start3A_54 : memref<128x128xf32, #tpu.memory_space<vmem_shared>>) target_semaphore(%run_scoped3A : memref<!tpu.dma_semaphore, #tpu.memory_space<semaphore_mem>>)
      %dma_wait3A = arith.constant 0 : i32
      %dma_wait3A_55 = tpu.memref_slice %arg6[%add3A_26, %dma_wait3A] : memref<10240x128xf32, #tpu.memory_space<vmem_shared>> -> memref<128x128xf32, #tpu.memory_space<vmem_shared>>
      %dma_wait3A_56 = arith.constant 0 : i32
      %dma_wait3A_57 = tpu.memref_slice %arg6[%add3A_26, %dma_wait3A_56] : memref<10240x128xf32, #tpu.memory_space<vmem_shared>> -> memref<128x128xf32, #tpu.memory_space<vmem_shared>>
      tpu.wait_dma2 semaphore(%run_scoped3A : memref<!tpu.dma_semaphore, #tpu.memory_space<semaphore_mem>>) src(%arg5 : memref<128x128xf32, #tpu.memory_space<vmem>>) dst(%dma_wait3A_57 : memref<128x128xf32, #tpu.memory_space<vmem_shared>>)
      tpu.yield
    }) : () -> ()
    %mul3A_27 = arith.constant 2 : i32
    %mul3A_28 = arith.muli %arg1, %mul3A_27 : i32
    %add3A_29 = arith.addi %mul3A_28, %arg0 : i32
    "tpu.region"() ({
      %run_scoped3A = tpu.sem_alloc : memref<!tpu.dma_semaphore, #tpu.memory_space<semaphore_mem>>
      %dma_start3A = arith.constant 0 : i32
      %dma_start3A_52 = arith.constant 0 : i32
      %dma_start3A_53 = tpu.memref_slice %arg2[%add3A_29, %dma_start3A, %dma_start3A_52] : memref<32x40x128xi32, #tpu.memory_space<hbm>> -> memref<1x40x128xi32, #tpu.memory_space<hbm>>
      %dma_start3A_54 = tpu.memref_squeeze %dma_start3A_53 : memref<1x40x128xi32, #tpu.memory_space<hbm>> -> memref<40x128xi32, #tpu.memory_space<hbm>>
      %dma_start3A_55 = arith.constant 0 : i32
      %dma_start3A_56 = arith.constant 0 : i32
      %dma_start3A_57 = tpu.memref_slice %arg2[%add3A_29, %dma_start3A_55, %dma_start3A_56] : memref<32x40x128xi32, #tpu.memory_space<hbm>> -> memref<1x40x128xi32, #tpu.memory_space<hbm>>
      %dma_start3A_58 = tpu.memref_squeeze %dma_start3A_57 : memref<1x40x128xi32, #tpu.memory_space<hbm>> -> memref<40x128xi32, #tpu.memory_space<hbm>>
      tpu.enqueue_dma source(%dma_start3A_58 : memref<40x128xi32, #tpu.memory_space<hbm>>) target(%arg4 : memref<40x128xi32, #tpu.memory_space<vmem>>) target_semaphore(%run_scoped3A : memref<!tpu.dma_semaphore, #tpu.memory_space<semaphore_mem>>)
      %dma_wait3A = arith.constant 0 : i32
      %dma_wait3A_59 = arith.constant 0 : i32
      %dma_wait3A_60 = tpu.memref_slice %arg2[%add3A_29, %dma_wait3A, %dma_wait3A_59] : memref<32x40x128xi32, #tpu.memory_space<hbm>> -> memref<1x40x128xi32, #tpu.memory_space<hbm>>
      %dma_wait3A_61 = tpu.memref_squeeze %dma_wait3A_60 : memref<1x40x128xi32, #tpu.memory_space<hbm>> -> memref<40x128xi32, #tpu.memory_space<hbm>>
      %dma_wait3A_62 = arith.constant 0 : i32
      %dma_wait3A_63 = arith.constant 0 : i32
      %dma_wait3A_64 = tpu.memref_slice %arg2[%add3A_29, %dma_wait3A_62, %dma_wait3A_63] : memref<32x40x128xi32, #tpu.memory_space<hbm>> -> memref<1x40x128xi32, #tpu.memory_space<hbm>>
      %dma_wait3A_65 = tpu.memref_squeeze %dma_wait3A_64 : memref<1x40x128xi32, #tpu.memory_space<hbm>> -> memref<40x128xi32, #tpu.memory_space<hbm>>
      tpu.wait_dma2 semaphore(%run_scoped3A : memref<!tpu.dma_semaphore, #tpu.memory_space<semaphore_mem>>) src(%dma_wait3A_65 : memref<40x128xi32, #tpu.memory_space<hbm>>) dst(%arg4 : memref<40x128xi32, #tpu.memory_space<vmem>>)
      tpu.yield
    }) : () -> ()
    %scan3A_30 = arith.constant 0 : i32
    %scan3A_31 = arith.constant 0 : i32
    %scan3A_32 = arith.constant 128 : i32
    %scan3A_33 = arith.addi %scan3A_31, %scan3A_32 : i32
    %scan3A_34 = arith.constant 1 : i32
    %scan3A_35 = scf.for %scan3A_52 = %scan3A_31 to %scan3A_33 step %scan3A_34 iter_args(%scan3A_53 = %scan3A_30) -> (i32)  : i32 {
      %swap3A = arith.index_cast %scan3A_52 : i32 to index
      %swap3A_54 = arith.constant 0 : index
      %swap3A_55 = tpu.vector_load %arg5[%swap3A, %swap3A_54] {strides = array<i32>} : memref<128x128xf32, #tpu.memory_space<vmem>>, vector<1x16xf32>,
      %swap3A_56 = vector.shape_cast %swap3A_55 : vector<1x16xf32> to vector<16xf32>
      %swap3A_57 = vector.shape_cast %broadcast_in_dim3A_0 : vector<16xf32> to vector<1x16xf32>
      tpu.vector_store %arg5[%swap3A, %swap3A_54], %swap3A_57 {strides = array<i32>} : memref<128x128xf32, #tpu.memory_space<vmem>>, vector<1x16xf32>,
      %swap3A_58 = arith.index_cast %scan3A_52 : i32 to index
      %swap3A_59 = arith.constant 16 : index
      %swap3A_60 = tpu.vector_load %arg5[%swap3A_58, %swap3A_59] {strides = array<i32>} : memref<128x128xf32, #tpu.memory_space<vmem>>, vector<1x16xf32>,
      %swap3A_61 = vector.shape_cast %swap3A_60 : vector<1x16xf32> to vector<16xf32>
      %swap3A_62 = vector.shape_cast %broadcast_in_dim3A_0 : vector<16xf32> to vector<1x16xf32>
      tpu.vector_store %arg5[%swap3A_58, %swap3A_59], %swap3A_62 {strides = array<i32>} : memref<128x128xf32, #tpu.memory_space<vmem>>, vector<1x16xf32>,
      %swap3A_63 = arith.index_cast %scan3A_52 : i32 to index
      %swap3A_64 = arith.constant 32 : index
      %swap3A_65 = tpu.vector_load %arg5[%swap3A_63, %swap3A_64] {strides = array<i32>} : memref<128x128xf32, #tpu.memory_space<vmem>>, vector<1x16xf32>,
      %swap3A_66 = vector.shape_cast %swap3A_65 : vector<1x16xf32> to vector<16xf32>
      %swap3A_67 = vector.shape_cast %broadcast_in_dim3A_0 : vector<16xf32> to vector<1x16xf32>
      tpu.vector_store %arg5[%swap3A_63, %swap3A_64], %swap3A_67 {strides = array<i32>} : memref<128x128xf32, #tpu.memory_space<vmem>>, vector<1x16xf32>,
      %swap3A_68 = arith.index_cast %scan3A_52 : i32 to index
      %swap3A_69 = arith.constant 48 : index
      %swap3A_70 = tpu.vector_load %arg5[%swap3A_68, %swap3A_69] {strides = array<i32>} : memref<128x128xf32, #tpu.memory_space<vmem>>, vector<1x16xf32>,
      %swap3A_71 = vector.shape_cast %swap3A_70 : vector<1x16xf32> to vector<16xf32>
      %swap3A_72 = vector.shape_cast %broadcast_in_dim3A_0 : vector<16xf32> to vector<1x16xf32>
      tpu.vector_store %arg5[%swap3A_68, %swap3A_69], %swap3A_72 {strides = array<i32>} : memref<128x128xf32, #tpu.memory_space<vmem>>, vector<1x16xf32>,
      %swap3A_73 = arith.index_cast %scan3A_52 : i32 to index
      %swap3A_74 = arith.constant 64 : index
      %swap3A_75 = tpu.vector_load %arg5[%swap3A_73, %swap3A_74] {strides = array<i32>} : memref<128x128xf32, #tpu.memory_space<vmem>>, vector<1x16xf32>,
      %swap3A_76 = vector.shape_cast %swap3A_75 : vector<1x16xf32> to vector<16xf32>
      %swap3A_77 = vector.shape_cast %broadcast_in_dim3A_0 : vector<16xf32> to vector<1x16xf32>
      tpu.vector_store %arg5[%swap3A_73, %swap3A_74], %swap3A_77 {strides = array<i32>} : memref<128x128xf32, #tpu.memory_space<vmem>>, vector<1x16xf32>,
      %swap3A_78 = arith.index_cast %scan3A_52 : i32 to index
      %swap3A_79 = arith.constant 80 : index
      %swap3A_80 = tpu.vector_load %arg5[%swap3A_78, %swap3A_79] {strides = array<i32>} : memref<128x128xf32, #tpu.memory_space<vmem>>, vector<1x16xf32>,
      %swap3A_81 = vector.shape_cast %swap3A_80 : vector<1x16xf32> to vector<16xf32>
      %swap3A_82 = vector.shape_cast %broadcast_in_dim3A_0 : vector<16xf32> to vector<1x16xf32>
      tpu.vector_store %arg5[%swap3A_78, %swap3A_79], %swap3A_82 {strides = array<i32>} : memref<128x128xf32, #tpu.memory_space<vmem>>, vector<1x16xf32>,
      %swap3A_83 = arith.index_cast %scan3A_52 : i32 to index
      %swap3A_84 = arith.constant 96 : index
      %swap3A_85 = tpu.vector_load %arg5[%swap3A_83, %swap3A_84] {strides = array<i32>} : memref<128x128xf32, #tpu.memory_space<vmem>>, vector<1x16xf32>,
      %swap3A_86 = vector.shape_cast %swap3A_85 : vector<1x16xf32> to vector<16xf32>
      %swap3A_87 = vector.shape_cast %broadcast_in_dim3A_0 : vector<16xf32> to vector<1x16xf32>
      tpu.vector_store %arg5[%swap3A_83, %swap3A_84], %swap3A_87 {strides = array<i32>} : memref<128x128xf32, #tpu.memory_space<vmem>>, vector<1x16xf32>,
      %swap3A_88 = arith.index_cast %scan3A_52 : i32 to index
      %swap3A_89 = arith.constant 112 : index
      %swap3A_90 = tpu.vector_load %arg5[%swap3A_88, %swap3A_89] {strides = array<i32>} : memref<128x128xf32, #tpu.memory_space<vmem>>, vector<1x16xf32>,
      %swap3A_91 = vector.shape_cast %swap3A_90 : vector<1x16xf32> to vector<16xf32>
      %swap3A_92 = vector.shape_cast %broadcast_in_dim3A_0 : vector<16xf32> to vector<1x16xf32>
      tpu.vector_store %arg5[%swap3A_88, %swap3A_89], %swap3A_92 {strides = array<i32>} : memref<128x128xf32, #tpu.memory_space<vmem>>, vector<1x16xf32>,
      %scan3A_93 = arith.constant 0 : i32
      scf.yield %scan3A_93 : i32
    }
    %scan3A_36 = arith.constant 128 : i32
    %barrier3A = arith.constant 0 : index
    tpu.barrier barrier_id(%barrier3A)
    %scan3A_37 = arith.constant 0 : i32
    %scan3A_38 = arith.constant 0 : i32
    %scan3A_39 = arith.constant 40 : i32
    %scan3A_40 = arith.addi %scan3A_38, %scan3A_39 : i32
    %scan3A_41 = arith.constant 1 : i32
    %scan3A_42 = scf.for %scan3A_52 = %scan3A_38 to %scan3A_40 step %scan3A_41 iter_args(%scan3A_53 = %scan3A_37) -> (i32)  : i32 {
      "tpu.region"() ({
        %run_scoped3A = tpu.sem_alloc : memref<!tpu.dma_semaphore, #tpu.memory_space<semaphore_mem>>
        %dma_start3A = arith.constant 0 : i32
        %dma_start3A_55 = tpu.memref_slice %arg4[%scan3A_52, %dma_start3A] : memref<40x128xi32, #tpu.memory_space<vmem>> -> memref<1x128xi32, #tpu.memory_space<vmem>>
        %dma_start3A_56 = tpu.memref_squeeze %dma_start3A_55 : memref<1x128xi32, #tpu.memory_space<vmem>> -> memref<128xi32, #tpu.memory_space<vmem>>
        %dma_start3A_57 = arith.constant 0 : i32
        %dma_start3A_58 = arith.constant 0 : i32
        %dma_start3A_59 = tpu.memref_slice %arg6[%dma_start3A_57, %dma_start3A_58] : memref<10240x128xf32, #tpu.memory_space<vmem_shared>> -> memref<10240x128xf32, #tpu.memory_space<vmem_shared>>
        tpu.enqueue_indirect_dma source(%arg5 : memref<128x128xf32, #tpu.memory_space<vmem>>) target(%dma_start3A_59 : memref<10240x128xf32, #tpu.memory_space<vmem_shared>>) offsets(%dma_start3A_56 : memref<128xi32, #tpu.memory_space<vmem>>) semaphore(%run_scoped3A : memref<!tpu.dma_semaphore, #tpu.memory_space<semaphore_mem>>) {add = true}
        %dma_wait3A = arith.constant 0 : i32
        %dma_wait3A_60 = tpu.memref_slice %arg4[%scan3A_52, %dma_wait3A] : memref<40x128xi32, #tpu.memory_space<vmem>> -> memref<1x128xi32, #tpu.memory_space<vmem>>
        %dma_wait3A_61 = tpu.memref_squeeze %dma_wait3A_60 : memref<1x128xi32, #tpu.memory_space<vmem>> -> memref<128xi32, #tpu.memory_space<vmem>>
        %dma_wait3A_62 = arith.constant 0 : i32
        %dma_wait3A_63 = arith.constant 0 : i32
        %dma_wait3A_64 = tpu.memref_slice %arg6[%dma_wait3A_62, %dma_wait3A_63] : memref<10240x128xf32, #tpu.memory_space<vmem_shared>> -> memref<10240x128xf32, #tpu.memory_space<vmem_shared>>
        tpu.wait_indirect_dma semaphore(%run_scoped3A : memref<!tpu.dma_semaphore, #tpu.memory_space<semaphore_mem>>) src(%arg5 : memref<128x128xf32, #tpu.memory_space<vmem>>) dst(%dma_wait3A_64 : memref<10240x128xf32, #tpu.memory_space<vmem_shared>>)
        tpu.yield
      }) : () -> ()
      %scan3A_54 = arith.constant 0 : i32
      scf.yield %scan3A_54 : i32
    }
    %scan3A_43 = arith.constant 40 : i32
    %barrier3A_44 = arith.constant 0 : index
    tpu.barrier barrier_id(%barrier3A_44)
    %mul3A_45 = arith.constant 640 : i32
    %mul3A_46 = arith.muli %arg1, %mul3A_45 : i32
    %mul3A_47 = arith.constant 10240 : i32
    %mul3A_48 = arith.muli %arg0, %mul3A_47 : i32
    %mul3A_49 = arith.constant 640 : i32
    %mul3A_50 = arith.muli %arg1, %mul3A_49 : i32
    %add3A_51 = arith.addi %mul3A_48, %mul3A_50 : i32
    "tpu.region"() ({
      %run_scoped3A = tpu.sem_alloc : memref<!tpu.dma_semaphore, #tpu.memory_space<semaphore_mem>>
      %dma_start3A = arith.constant 0 : i32
      %dma_start3A_52 = tpu.memref_slice %arg3[%add3A_51, %dma_start3A] : memref<20480x128xf32, #tpu.memory_space<hbm>> -> memref<640x128xf32, #tpu.memory_space<hbm>>
      %dma_start3A_53 = arith.constant 0 : i32
      %dma_start3A_54 = tpu.memref_slice %arg6[%mul3A_46, %dma_start3A_53] : memref<10240x128xf32, #tpu.memory_space<vmem_shared>> -> memref<640x128xf32, #tpu.memory_space<vmem_shared>>
      tpu.enqueue_dma source(%dma_start3A_54 : memref<640x128xf32, #tpu.memory_space<vmem_shared>>) target(%dma_start3A_52 : memref<640x128xf32, #tpu.memory_space<hbm>>) target_semaphore(%run_scoped3A : memref<!tpu.dma_semaphore, #tpu.memory_space<semaphore_mem>>)
      %dma_wait3A = arith.constant 0 : i32
      %dma_wait3A_55 = tpu.memref_slice %arg3[%add3A_51, %dma_wait3A] : memref<20480x128xf32, #tpu.memory_space<hbm>> -> memref<640x128xf32, #tpu.memory_space<hbm>>
      %dma_wait3A_56 = arith.constant 0 : i32
      %dma_wait3A_57 = tpu.memref_slice %arg6[%mul3A_46, %dma_wait3A_56] : memref<10240x128xf32, #tpu.memory_space<vmem_shared>> -> memref<640x128xf32, #tpu.memory_space<vmem_shared>>
      tpu.wait_dma2 semaphore(%run_scoped3A : memref<!tpu.dma_semaphore, #tpu.memory_space<semaphore_mem>>) src(%dma_wait3A_57 : memref<640x128xf32, #tpu.memory_space<vmem_shared>>) dst(%dma_wait3A_55 : memref<640x128xf32, #tpu.memory_space<hbm>>)
      tpu.yield
    }) : () -> ()
    return
  }
}

#map = affine_map<(d0, d1) -> (0, 0)>
#map1 = affine_map<(d0, d1) -> (0, 0, 0)>
module attributes {stable_mosaic.version = 14 : i64} {
  func.func @_scatter_body(%arg0: i32, %arg1: i32, %arg2: memref<20480x128xf32, #tpu.memory_space<hbm>>, %arg3: memref<32x40x128xi32, #tpu.memory_space<hbm>>, %arg4: memref<32x40x128xi32, #tpu.memory_space<hbm>>, %arg5: memref<20480x128xf32, #tpu.memory_space<hbm>>, %arg6: memref<40x128xi32, #tpu.memory_space<vmem>>, %arg7: memref<40x128xi32, #tpu.memory_space<vmem>>, %arg8: memref<128x128xf32, #tpu.memory_space<vmem>>, %arg9: memref<128x128xf32, #tpu.memory_space<vmem>>, %arg10: memref<10240x128xf32, #tpu.memory_space<vmem_shared>>, %arg11: memref<!tpu.dma_semaphore, #tpu.memory_space<semaphore_mem>>, %arg12: memref<!tpu.dma_semaphore, #tpu.memory_space<semaphore_mem>>) attributes {dimension_semantics = [#tpu.dimension_semantics<core_parallel>, #tpu.dimension_semantics<subcore_parallel>], iteration_bounds = array<i64: 2, 16>, scalar_prefetch = 0 : i64, scratch_operands = 7 : i64, tpu.core_type = #tpu.core_type<sc_vector_subcore>, window_params = [{transform_indices = #map}, {transform_indices = #map1}, {transform_indices = #map1}, {transform_indices = #map}]} {
    %mul3A = arith.constant 10240 : i32
    %mul3A_0 = arith.muli %arg0, %mul3A : i32
    %broadcast_in_dim3A = arith.constant 0.000000e+00 : f32
    %broadcast_in_dim3A_1 = vector.broadcast %broadcast_in_dim3A : f32 to vector<16xf32>
    %mul3A_2 = arith.constant 2 : i32
    %mul3A_3 = arith.muli %arg1, %mul3A_2 : i32
    %add3A = arith.constant 0 : i32
    %add3A_4 = arith.addi %mul3A_3, %add3A : i32
    "tpu.region"() ({
      %run_scoped3A = tpu.sem_alloc : memref<!tpu.dma_semaphore, #tpu.memory_space<semaphore_mem>>
      %dma_start3A_64 = arith.constant 0 : i32
      %dma_start3A_65 = arith.constant 0 : i32
      %dma_start3A_66 = tpu.memref_slice %arg3[%add3A_4, %dma_start3A_64, %dma_start3A_65] : memref<32x40x128xi32, #tpu.memory_space<hbm>> -> memref<1x40x128xi32, #tpu.memory_space<hbm>>
      %dma_start3A_67 = tpu.memref_squeeze %dma_start3A_66 : memref<1x40x128xi32, #tpu.memory_space<hbm>> -> memref<40x128xi32, #tpu.memory_space<hbm>>
      %dma_start3A_68 = arith.constant 0 : i32
      %dma_start3A_69 = arith.constant 0 : i32
      %dma_start3A_70 = tpu.memref_slice %arg3[%add3A_4, %dma_start3A_68, %dma_start3A_69] : memref<32x40x128xi32, #tpu.memory_space<hbm>> -> memref<1x40x128xi32, #tpu.memory_space<hbm>>
      %dma_start3A_71 = tpu.memref_squeeze %dma_start3A_70 : memref<1x40x128xi32, #tpu.memory_space<hbm>> -> memref<40x128xi32, #tpu.memory_space<hbm>>
      tpu.enqueue_dma source(%dma_start3A_71 : memref<40x128xi32, #tpu.memory_space<hbm>>) target(%arg6 : memref<40x128xi32, #tpu.memory_space<vmem>>) target_semaphore(%run_scoped3A : memref<!tpu.dma_semaphore, #tpu.memory_space<semaphore_mem>>)
      %dma_wait3A = arith.constant 0 : i32
      %dma_wait3A_72 = arith.constant 0 : i32
      %dma_wait3A_73 = tpu.memref_slice %arg3[%add3A_4, %dma_wait3A, %dma_wait3A_72] : memref<32x40x128xi32, #tpu.memory_space<hbm>> -> memref<1x40x128xi32, #tpu.memory_space<hbm>>
      %dma_wait3A_74 = tpu.memref_squeeze %dma_wait3A_73 : memref<1x40x128xi32, #tpu.memory_space<hbm>> -> memref<40x128xi32, #tpu.memory_space<hbm>>
      %dma_wait3A_75 = arith.constant 0 : i32
      %dma_wait3A_76 = arith.constant 0 : i32
      %dma_wait3A_77 = tpu.memref_slice %arg3[%add3A_4, %dma_wait3A_75, %dma_wait3A_76] : memref<32x40x128xi32, #tpu.memory_space<hbm>> -> memref<1x40x128xi32, #tpu.memory_space<hbm>>
      %dma_wait3A_78 = tpu.memref_squeeze %dma_wait3A_77 : memref<1x40x128xi32, #tpu.memory_space<hbm>> -> memref<40x128xi32, #tpu.memory_space<hbm>>
      tpu.wait_dma2 semaphore(%run_scoped3A : memref<!tpu.dma_semaphore, #tpu.memory_space<semaphore_mem>>) src(%dma_wait3A_78 : memref<40x128xi32, #tpu.memory_space<hbm>>) dst(%arg6 : memref<40x128xi32, #tpu.memory_space<vmem>>)
      tpu.yield
    }) : () -> ()
    %mul3A_5 = arith.constant 2 : i32
    %mul3A_6 = arith.muli %arg1, %mul3A_5 : i32
    %add3A_7 = arith.constant 0 : i32
    %add3A_8 = arith.addi %mul3A_6, %add3A_7 : i32
    "tpu.region"() ({
      %run_scoped3A = tpu.sem_alloc : memref<!tpu.dma_semaphore, #tpu.memory_space<semaphore_mem>>
      %dma_start3A_64 = arith.constant 0 : i32
      %dma_start3A_65 = arith.constant 0 : i32
      %dma_start3A_66 = tpu.memref_slice %arg4[%add3A_8, %dma_start3A_64, %dma_start3A_65] : memref<32x40x128xi32, #tpu.memory_space<hbm>> -> memref<1x40x128xi32, #tpu.memory_space<hbm>>
      %dma_start3A_67 = tpu.memref_squeeze %dma_start3A_66 : memref<1x40x128xi32, #tpu.memory_space<hbm>> -> memref<40x128xi32, #tpu.memory_space<hbm>>
      %dma_start3A_68 = arith.constant 0 : i32
      %dma_start3A_69 = arith.constant 0 : i32
      %dma_start3A_70 = tpu.memref_slice %arg4[%add3A_8, %dma_start3A_68, %dma_start3A_69] : memref<32x40x128xi32, #tpu.memory_space<hbm>> -> memref<1x40x128xi32, #tpu.memory_space<hbm>>
      %dma_start3A_71 = tpu.memref_squeeze %dma_start3A_70 : memref<1x40x128xi32, #tpu.memory_space<hbm>> -> memref<40x128xi32, #tpu.memory_space<hbm>>
      tpu.enqueue_dma source(%dma_start3A_71 : memref<40x128xi32, #tpu.memory_space<hbm>>) target(%arg7 : memref<40x128xi32, #tpu.memory_space<vmem>>) target_semaphore(%run_scoped3A : memref<!tpu.dma_semaphore, #tpu.memory_space<semaphore_mem>>)
      %dma_wait3A = arith.constant 0 : i32
      %dma_wait3A_72 = arith.constant 0 : i32
      %dma_wait3A_73 = tpu.memref_slice %arg4[%add3A_8, %dma_wait3A, %dma_wait3A_72] : memref<32x40x128xi32, #tpu.memory_space<hbm>> -> memref<1x40x128xi32, #tpu.memory_space<hbm>>
      %dma_wait3A_74 = tpu.memref_squeeze %dma_wait3A_73 : memref<1x40x128xi32, #tpu.memory_space<hbm>> -> memref<40x128xi32, #tpu.memory_space<hbm>>
      %dma_wait3A_75 = arith.constant 0 : i32
      %dma_wait3A_76 = arith.constant 0 : i32
      %dma_wait3A_77 = tpu.memref_slice %arg4[%add3A_8, %dma_wait3A_75, %dma_wait3A_76] : memref<32x40x128xi32, #tpu.memory_space<hbm>> -> memref<1x40x128xi32, #tpu.memory_space<hbm>>
      %dma_wait3A_78 = tpu.memref_squeeze %dma_wait3A_77 : memref<1x40x128xi32, #tpu.memory_space<hbm>> -> memref<40x128xi32, #tpu.memory_space<hbm>>
      tpu.wait_dma2 semaphore(%run_scoped3A : memref<!tpu.dma_semaphore, #tpu.memory_space<semaphore_mem>>) src(%dma_wait3A_78 : memref<40x128xi32, #tpu.memory_space<hbm>>) dst(%arg7 : memref<40x128xi32, #tpu.memory_space<vmem>>)
      tpu.yield
    }) : () -> ()
    %scan3A = arith.constant 0 : i32
    %scan3A_9 = arith.constant 0 : i32
    %scan3A_10 = arith.constant 40 : i32
    %scan3A_11 = arith.addi %scan3A_9, %scan3A_10 : i32
    %scan3A_12 = arith.constant 1 : i32
    %scan3A_13 = scf.for %scan3A_64 = %scan3A_9 to %scan3A_11 step %scan3A_12 iter_args(%scan3A_65 = %scan3A) -> (i32)  : i32 {
      %get3A = arith.index_cast %scan3A_64 : i32 to index
      %get3A_66 = arith.constant 0 : index
      %get3A_67 = tpu.vector_load %arg6[%get3A, %get3A_66] {strides = array<i32>} : memref<40x128xi32, #tpu.memory_space<vmem>>, vector<1x16xi32>,
      %get3A_68 = vector.shape_cast %get3A_67 : vector<1x16xi32> to vector<16xi32>
      %add3A_69 = vector.broadcast %mul3A_0 : i32 to vector<16xi32>
      %add3A_70 = arith.addi %get3A_68, %add3A_69 : vector<16xi32>
      %swap3A = arith.index_cast %scan3A_64 : i32 to index
      %swap3A_71 = arith.constant 0 : index
      %swap3A_72 = tpu.vector_load %arg6[%swap3A, %swap3A_71] {strides = array<i32>} : memref<40x128xi32, #tpu.memory_space<vmem>>, vector<1x16xi32>,
      %swap3A_73 = vector.shape_cast %swap3A_72 : vector<1x16xi32> to vector<16xi32>
      %swap3A_74 = vector.shape_cast %add3A_70 : vector<16xi32> to vector<1x16xi32>
      tpu.vector_store %arg6[%swap3A, %swap3A_71], %swap3A_74 {strides = array<i32>} : memref<40x128xi32, #tpu.memory_space<vmem>>, vector<1x16xi32>,
      %get3A_75 = arith.index_cast %scan3A_64 : i32 to index
      %get3A_76 = arith.constant 16 : index
      %get3A_77 = tpu.vector_load %arg6[%get3A_75, %get3A_76] {strides = array<i32>} : memref<40x128xi32, #tpu.memory_space<vmem>>, vector<1x16xi32>,
      %get3A_78 = vector.shape_cast %get3A_77 : vector<1x16xi32> to vector<16xi32>
      %add3A_79 = vector.broadcast %mul3A_0 : i32 to vector<16xi32>
      %add3A_80 = arith.addi %get3A_78, %add3A_79 : vector<16xi32>
      %swap3A_81 = arith.index_cast %scan3A_64 : i32 to index
      %swap3A_82 = arith.constant 16 : index
      %swap3A_83 = tpu.vector_load %arg6[%swap3A_81, %swap3A_82] {strides = array<i32>} : memref<40x128xi32, #tpu.memory_space<vmem>>, vector<1x16xi32>,
      %swap3A_84 = vector.shape_cast %swap3A_83 : vector<1x16xi32> to vector<16xi32>
      %swap3A_85 = vector.shape_cast %add3A_80 : vector<16xi32> to vector<1x16xi32>
      tpu.vector_store %arg6[%swap3A_81, %swap3A_82], %swap3A_85 {strides = array<i32>} : memref<40x128xi32, #tpu.memory_space<vmem>>, vector<1x16xi32>,
      %get3A_86 = arith.index_cast %scan3A_64 : i32 to index
      %get3A_87 = arith.constant 32 : index
      %get3A_88 = tpu.vector_load %arg6[%get3A_86, %get3A_87] {strides = array<i32>} : memref<40x128xi32, #tpu.memory_space<vmem>>, vector<1x16xi32>,
      %get3A_89 = vector.shape_cast %get3A_88 : vector<1x16xi32> to vector<16xi32>
      %add3A_90 = vector.broadcast %mul3A_0 : i32 to vector<16xi32>
      %add3A_91 = arith.addi %get3A_89, %add3A_90 : vector<16xi32>
      %swap3A_92 = arith.index_cast %scan3A_64 : i32 to index
      %swap3A_93 = arith.constant 32 : index
      %swap3A_94 = tpu.vector_load %arg6[%swap3A_92, %swap3A_93] {strides = array<i32>} : memref<40x128xi32, #tpu.memory_space<vmem>>, vector<1x16xi32>,
      %swap3A_95 = vector.shape_cast %swap3A_94 : vector<1x16xi32> to vector<16xi32>
      %swap3A_96 = vector.shape_cast %add3A_91 : vector<16xi32> to vector<1x16xi32>
      tpu.vector_store %arg6[%swap3A_92, %swap3A_93], %swap3A_96 {strides = array<i32>} : memref<40x128xi32, #tpu.memory_space<vmem>>, vector<1x16xi32>,
      %get3A_97 = arith.index_cast %scan3A_64 : i32 to index
      %get3A_98 = arith.constant 48 : index
      %get3A_99 = tpu.vector_load %arg6[%get3A_97, %get3A_98] {strides = array<i32>} : memref<40x128xi32, #tpu.memory_space<vmem>>, vector<1x16xi32>,
      %get3A_100 = vector.shape_cast %get3A_99 : vector<1x16xi32> to vector<16xi32>
      %add3A_101 = vector.broadcast %mul3A_0 : i32 to vector<16xi32>
      %add3A_102 = arith.addi %get3A_100, %add3A_101 : vector<16xi32>
      %swap3A_103 = arith.index_cast %scan3A_64 : i32 to index
      %swap3A_104 = arith.constant 48 : index
      %swap3A_105 = tpu.vector_load %arg6[%swap3A_103, %swap3A_104] {strides = array<i32>} : memref<40x128xi32, #tpu.memory_space<vmem>>, vector<1x16xi32>,
      %swap3A_106 = vector.shape_cast %swap3A_105 : vector<1x16xi32> to vector<16xi32>
      %swap3A_107 = vector.shape_cast %add3A_102 : vector<16xi32> to vector<1x16xi32>
      tpu.vector_store %arg6[%swap3A_103, %swap3A_104], %swap3A_107 {strides = array<i32>} : memref<40x128xi32, #tpu.memory_space<vmem>>, vector<1x16xi32>,
      %get3A_108 = arith.index_cast %scan3A_64 : i32 to index
      %get3A_109 = arith.constant 64 : index
      %get3A_110 = tpu.vector_load %arg6[%get3A_108, %get3A_109] {strides = array<i32>} : memref<40x128xi32, #tpu.memory_space<vmem>>, vector<1x16xi32>,
      %get3A_111 = vector.shape_cast %get3A_110 : vector<1x16xi32> to vector<16xi32>
      %add3A_112 = vector.broadcast %mul3A_0 : i32 to vector<16xi32>
      %add3A_113 = arith.addi %get3A_111, %add3A_112 : vector<16xi32>
      %swap3A_114 = arith.index_cast %scan3A_64 : i32 to index
      %swap3A_115 = arith.constant 64 : index
      %swap3A_116 = tpu.vector_load %arg6[%swap3A_114, %swap3A_115] {strides = array<i32>} : memref<40x128xi32, #tpu.memory_space<vmem>>, vector<1x16xi32>,
      %swap3A_117 = vector.shape_cast %swap3A_116 : vector<1x16xi32> to vector<16xi32>
      %swap3A_118 = vector.shape_cast %add3A_113 : vector<16xi32> to vector<1x16xi32>
      tpu.vector_store %arg6[%swap3A_114, %swap3A_115], %swap3A_118 {strides = array<i32>} : memref<40x128xi32, #tpu.memory_space<vmem>>, vector<1x16xi32>,
      %get3A_119 = arith.index_cast %scan3A_64 : i32 to index
      %get3A_120 = arith.constant 80 : index
      %get3A_121 = tpu.vector_load %arg6[%get3A_119, %get3A_120] {strides = array<i32>} : memref<40x128xi32, #tpu.memory_space<vmem>>, vector<1x16xi32>,
      %get3A_122 = vector.shape_cast %get3A_121 : vector<1x16xi32> to vector<16xi32>
      %add3A_123 = vector.broadcast %mul3A_0 : i32 to vector<16xi32>
      %add3A_124 = arith.addi %get3A_122, %add3A_123 : vector<16xi32>
      %swap3A_125 = arith.index_cast %scan3A_64 : i32 to index
      %swap3A_126 = arith.constant 80 : index
      %swap3A_127 = tpu.vector_load %arg6[%swap3A_125, %swap3A_126] {strides = array<i32>} : memref<40x128xi32, #tpu.memory_space<vmem>>, vector<1x16xi32>,
      %swap3A_128 = vector.shape_cast %swap3A_127 : vector<1x16xi32> to vector<16xi32>
      %swap3A_129 = vector.shape_cast %add3A_124 : vector<16xi32> to vector<1x16xi32>
      tpu.vector_store %arg6[%swap3A_125, %swap3A_126], %swap3A_129 {strides = array<i32>} : memref<40x128xi32, #tpu.memory_space<vmem>>, vector<1x16xi32>,
      %get3A_130 = arith.index_cast %scan3A_64 : i32 to index
      %get3A_131 = arith.constant 96 : index
      %get3A_132 = tpu.vector_load %arg6[%get3A_130, %get3A_131] {strides = array<i32>} : memref<40x128xi32, #tpu.memory_space<vmem>>, vector<1x16xi32>,
      %get3A_133 = vector.shape_cast %get3A_132 : vector<1x16xi32> to vector<16xi32>
      %add3A_134 = vector.broadcast %mul3A_0 : i32 to vector<16xi32>
      %add3A_135 = arith.addi %get3A_133, %add3A_134 : vector<16xi32>
      %swap3A_136 = arith.index_cast %scan3A_64 : i32 to index
      %swap3A_137 = arith.constant 96 : index
      %swap3A_138 = tpu.vector_load %arg6[%swap3A_136, %swap3A_137] {strides = array<i32>} : memref<40x128xi32, #tpu.memory_space<vmem>>, vector<1x16xi32>,
      %swap3A_139 = vector.shape_cast %swap3A_138 : vector<1x16xi32> to vector<16xi32>
      %swap3A_140 = vector.shape_cast %add3A_135 : vector<16xi32> to vector<1x16xi32>
      tpu.vector_store %arg6[%swap3A_136, %swap3A_137], %swap3A_140 {strides = array<i32>} : memref<40x128xi32, #tpu.memory_space<vmem>>, vector<1x16xi32>,
      %get3A_141 = arith.index_cast %scan3A_64 : i32 to index
      %get3A_142 = arith.constant 112 : index
      %get3A_143 = tpu.vector_load %arg6[%get3A_141, %get3A_142] {strides = array<i32>} : memref<40x128xi32, #tpu.memory_space<vmem>>, vector<1x16xi32>,
      %get3A_144 = vector.shape_cast %get3A_143 : vector<1x16xi32> to vector<16xi32>
      %add3A_145 = vector.broadcast %mul3A_0 : i32 to vector<16xi32>
      %add3A_146 = arith.addi %get3A_144, %add3A_145 : vector<16xi32>
      %swap3A_147 = arith.index_cast %scan3A_64 : i32 to index
      %swap3A_148 = arith.constant 112 : index
      %swap3A_149 = tpu.vector_load %arg6[%swap3A_147, %swap3A_148] {strides = array<i32>} : memref<40x128xi32, #tpu.memory_space<vmem>>, vector<1x16xi32>,
      %swap3A_150 = vector.shape_cast %swap3A_149 : vector<1x16xi32> to vector<16xi32>
      %swap3A_151 = vector.shape_cast %add3A_146 : vector<16xi32> to vector<1x16xi32>
      tpu.vector_store %arg6[%swap3A_147, %swap3A_148], %swap3A_151 {strides = array<i32>} : memref<40x128xi32, #tpu.memory_space<vmem>>, vector<1x16xi32>,
      %scan3A_152 = arith.constant 0 : i32
      scf.yield %scan3A_152 : i32
    }
    %scan3A_14 = arith.constant 40 : i32
    %dma_start3A = arith.constant 0 : i32
    %dma_start3A_15 = arith.constant 0 : i32
    %dma_start3A_16 = arith.constant 0 : i32
    %dma_start3A_17 = tpu.memref_slice %arg8[%dma_start3A_15, %dma_start3A_16] : memref<128x128xf32, #tpu.memory_space<vmem>> -> memref<128x128xf32, #tpu.memory_space<vmem>>
    %dma_start3A_18 = arith.constant 0 : i32
    %dma_start3A_19 = tpu.memref_slice %arg6[%dma_start3A, %dma_start3A_18] : memref<40x128xi32, #tpu.memory_space<vmem>> -> memref<1x128xi32, #tpu.memory_space<vmem>>
    %dma_start3A_20 = tpu.memref_squeeze %dma_start3A_19 : memref<1x128xi32, #tpu.memory_space<vmem>> -> memref<128xi32, #tpu.memory_space<vmem>>
    %dma_start3A_21 = arith.constant 0 : i32
    %dma_start3A_22 = arith.constant 0 : i32
    %dma_start3A_23 = tpu.memref_slice %arg2[%dma_start3A_21, %dma_start3A_22] : memref<20480x128xf32, #tpu.memory_space<hbm>> -> memref<20480x128xf32, #tpu.memory_space<hbm>>
    tpu.enqueue_indirect_dma source(%dma_start3A_23 : memref<20480x128xf32, #tpu.memory_space<hbm>>) target(%dma_start3A_17 : memref<128x128xf32, #tpu.memory_space<vmem>>) offsets(%dma_start3A_20 : memref<128xi32, #tpu.memory_space<vmem>>) semaphore(%arg11 : memref<!tpu.dma_semaphore, #tpu.memory_space<semaphore_mem>>)
    %scan3A_24 = arith.constant 0 : i32
    %scan3A_25 = arith.constant 0 : i32
    %scan3A_26 = arith.constant 128 : i32
    %scan3A_27 = arith.addi %scan3A_25, %scan3A_26 : i32
    %scan3A_28 = arith.constant 1 : i32
    %scan3A_29 = scf.for %scan3A_64 = %scan3A_25 to %scan3A_27 step %scan3A_28 iter_args(%scan3A_65 = %scan3A_24) -> (i32)  : i32 {
      %swap3A = arith.index_cast %scan3A_64 : i32 to index
      %swap3A_66 = arith.constant 0 : index
      %swap3A_67 = tpu.vector_load %arg9[%swap3A, %swap3A_66] {strides = array<i32>} : memref<128x128xf32, #tpu.memory_space<vmem>>, vector<1x16xf32>,
      %swap3A_68 = vector.shape_cast %swap3A_67 : vector<1x16xf32> to vector<16xf32>
      %swap3A_69 = vector.shape_cast %broadcast_in_dim3A_1 : vector<16xf32> to vector<1x16xf32>
      tpu.vector_store %arg9[%swap3A, %swap3A_66], %swap3A_69 {strides = array<i32>} : memref<128x128xf32, #tpu.memory_space<vmem>>, vector<1x16xf32>,
      %swap3A_70 = arith.index_cast %scan3A_64 : i32 to index
      %swap3A_71 = arith.constant 16 : index
      %swap3A_72 = tpu.vector_load %arg9[%swap3A_70, %swap3A_71] {strides = array<i32>} : memref<128x128xf32, #tpu.memory_space<vmem>>, vector<1x16xf32>,
      %swap3A_73 = vector.shape_cast %swap3A_72 : vector<1x16xf32> to vector<16xf32>
      %swap3A_74 = vector.shape_cast %broadcast_in_dim3A_1 : vector<16xf32> to vector<1x16xf32>
      tpu.vector_store %arg9[%swap3A_70, %swap3A_71], %swap3A_74 {strides = array<i32>} : memref<128x128xf32, #tpu.memory_space<vmem>>, vector<1x16xf32>,
      %swap3A_75 = arith.index_cast %scan3A_64 : i32 to index
      %swap3A_76 = arith.constant 32 : index
      %swap3A_77 = tpu.vector_load %arg9[%swap3A_75, %swap3A_76] {strides = array<i32>} : memref<128x128xf32, #tpu.memory_space<vmem>>, vector<1x16xf32>,
      %swap3A_78 = vector.shape_cast %swap3A_77 : vector<1x16xf32> to vector<16xf32>
      %swap3A_79 = vector.shape_cast %broadcast_in_dim3A_1 : vector<16xf32> to vector<1x16xf32>
      tpu.vector_store %arg9[%swap3A_75, %swap3A_76], %swap3A_79 {strides = array<i32>} : memref<128x128xf32, #tpu.memory_space<vmem>>, vector<1x16xf32>,
      %swap3A_80 = arith.index_cast %scan3A_64 : i32 to index
      %swap3A_81 = arith.constant 48 : index
      %swap3A_82 = tpu.vector_load %arg9[%swap3A_80, %swap3A_81] {strides = array<i32>} : memref<128x128xf32, #tpu.memory_space<vmem>>, vector<1x16xf32>,
      %swap3A_83 = vector.shape_cast %swap3A_82 : vector<1x16xf32> to vector<16xf32>
      %swap3A_84 = vector.shape_cast %broadcast_in_dim3A_1 : vector<16xf32> to vector<1x16xf32>
      tpu.vector_store %arg9[%swap3A_80, %swap3A_81], %swap3A_84 {strides = array<i32>} : memref<128x128xf32, #tpu.memory_space<vmem>>, vector<1x16xf32>,
      %swap3A_85 = arith.index_cast %scan3A_64 : i32 to index
      %swap3A_86 = arith.constant 64 : index
      %swap3A_87 = tpu.vector_load %arg9[%swap3A_85, %swap3A_86] {strides = array<i32>} : memref<128x128xf32, #tpu.memory_space<vmem>>, vector<1x16xf32>,
      %swap3A_88 = vector.shape_cast %swap3A_87 : vector<1x16xf32> to vector<16xf32>
      %swap3A_89 = vector.shape_cast %broadcast_in_dim3A_1 : vector<16xf32> to vector<1x16xf32>
      tpu.vector_store %arg9[%swap3A_85, %swap3A_86], %swap3A_89 {strides = array<i32>} : memref<128x128xf32, #tpu.memory_space<vmem>>, vector<1x16xf32>,
      %swap3A_90 = arith.index_cast %scan3A_64 : i32 to index
      %swap3A_91 = arith.constant 80 : index
      %swap3A_92 = tpu.vector_load %arg9[%swap3A_90, %swap3A_91] {strides = array<i32>} : memref<128x128xf32, #tpu.memory_space<vmem>>, vector<1x16xf32>,
      %swap3A_93 = vector.shape_cast %swap3A_92 : vector<1x16xf32> to vector<16xf32>
      %swap3A_94 = vector.shape_cast %broadcast_in_dim3A_1 : vector<16xf32> to vector<1x16xf32>
      tpu.vector_store %arg9[%swap3A_90, %swap3A_91], %swap3A_94 {strides = array<i32>} : memref<128x128xf32, #tpu.memory_space<vmem>>, vector<1x16xf32>,
      %swap3A_95 = arith.index_cast %scan3A_64 : i32 to index
      %swap3A_96 = arith.constant 96 : index
      %swap3A_97 = tpu.vector_load %arg9[%swap3A_95, %swap3A_96] {strides = array<i32>} : memref<128x128xf32, #tpu.memory_space<vmem>>, vector<1x16xf32>,
      %swap3A_98 = vector.shape_cast %swap3A_97 : vector<1x16xf32> to vector<16xf32>
      %swap3A_99 = vector.shape_cast %broadcast_in_dim3A_1 : vector<16xf32> to vector<1x16xf32>
      tpu.vector_store %arg9[%swap3A_95, %swap3A_96], %swap3A_99 {strides = array<i32>} : memref<128x128xf32, #tpu.memory_space<vmem>>, vector<1x16xf32>,
      %swap3A_100 = arith.index_cast %scan3A_64 : i32 to index
      %swap3A_101 = arith.constant 112 : index
      %swap3A_102 = tpu.vector_load %arg9[%swap3A_100, %swap3A_101] {strides = array<i32>} : memref<128x128xf32, #tpu.memory_space<vmem>>, vector<1x16xf32>,
      %swap3A_103 = vector.shape_cast %swap3A_102 : vector<1x16xf32> to vector<16xf32>
      %swap3A_104 = vector.shape_cast %broadcast_in_dim3A_1 : vector<16xf32> to vector<1x16xf32>
      tpu.vector_store %arg9[%swap3A_100, %swap3A_101], %swap3A_104 {strides = array<i32>} : memref<128x128xf32, #tpu.memory_space<vmem>>, vector<1x16xf32>,
      %scan3A_105 = arith.constant 0 : i32
      scf.yield %scan3A_105 : i32
    }
    %scan3A_30 = arith.constant 128 : i32
    %mul3A_31 = arith.constant 640 : i32
    %mul3A_32 = arith.muli %arg1, %mul3A_31 : i32
    %add3A_33 = arith.constant 0 : i32
    %add3A_34 = arith.addi %mul3A_32, %add3A_33 : i32
    "tpu.region"() ({
      %run_scoped3A = tpu.sem_alloc : memref<!tpu.dma_semaphore, #tpu.memory_space<semaphore_mem>>
      %dma_start3A_64 = arith.constant 0 : i32
      %dma_start3A_65 = tpu.memref_slice %arg10[%add3A_34, %dma_start3A_64] : memref<10240x128xf32, #tpu.memory_space<vmem_shared>> -> memref<128x128xf32, #tpu.memory_space<vmem_shared>>
      %dma_start3A_66 = arith.constant 0 : i32
      %dma_start3A_67 = tpu.memref_slice %arg10[%add3A_34, %dma_start3A_66] : memref<10240x128xf32, #tpu.memory_space<vmem_shared>> -> memref<128x128xf32, #tpu.memory_space<vmem_shared>>
      tpu.enqueue_dma source(%arg9 : memref<128x128xf32, #tpu.memory_space<vmem>>) target(%dma_start3A_67 : memref<128x128xf32, #tpu.memory_space<vmem_shared>>) target_semaphore(%run_scoped3A : memref<!tpu.dma_semaphore, #tpu.memory_space<semaphore_mem>>)
      %dma_wait3A = arith.constant 0 : i32
      %dma_wait3A_68 = tpu.memref_slice %arg10[%add3A_34, %dma_wait3A] : memref<10240x128xf32, #tpu.memory_space<vmem_shared>> -> memref<128x128xf32, #tpu.memory_space<vmem_shared>>
      %dma_wait3A_69 = arith.constant 0 : i32
      %dma_wait3A_70 = tpu.memref_slice %arg10[%add3A_34, %dma_wait3A_69] : memref<10240x128xf32, #tpu.memory_space<vmem_shared>> -> memref<128x128xf32, #tpu.memory_space<vmem_shared>>
      tpu.wait_dma2 semaphore(%run_scoped3A : memref<!tpu.dma_semaphore, #tpu.memory_space<semaphore_mem>>) src(%arg9 : memref<128x128xf32, #tpu.memory_space<vmem>>) dst(%dma_wait3A_70 : memref<128x128xf32, #tpu.memory_space<vmem_shared>>)
      tpu.yield
    }) : () -> ()
    %mul3A_35 = arith.constant 640 : i32
    %mul3A_36 = arith.muli %arg1, %mul3A_35 : i32
    %add3A_37 = arith.constant 128 : i32
    %add3A_38 = arith.addi %mul3A_36, %add3A_37 : i32
    "tpu.region"() ({
      %run_scoped3A = tpu.sem_alloc : memref<!tpu.dma_semaphore, #tpu.memory_space<semaphore_mem>>
      %dma_start3A_64 = arith.constant 0 : i32
      %dma_start3A_65 = tpu.memref_slice %arg10[%add3A_38, %dma_start3A_64] : memref<10240x128xf32, #tpu.memory_space<vmem_shared>> -> memref<128x128xf32, #tpu.memory_space<vmem_shared>>
      %dma_start3A_66 = arith.constant 0 : i32
      %dma_start3A_67 = tpu.memref_slice %arg10[%add3A_38, %dma_start3A_66] : memref<10240x128xf32, #tpu.memory_space<vmem_shared>> -> memref<128x128xf32, #tpu.memory_space<vmem_shared>>
      tpu.enqueue_dma source(%arg9 : memref<128x128xf32, #tpu.memory_space<vmem>>) target(%dma_start3A_67 : memref<128x128xf32, #tpu.memory_space<vmem_shared>>) target_semaphore(%run_scoped3A : memref<!tpu.dma_semaphore, #tpu.memory_space<semaphore_mem>>)
      %dma_wait3A = arith.constant 0 : i32
      %dma_wait3A_68 = tpu.memref_slice %arg10[%add3A_38, %dma_wait3A] : memref<10240x128xf32, #tpu.memory_space<vmem_shared>> -> memref<128x128xf32, #tpu.memory_space<vmem_shared>>
      %dma_wait3A_69 = arith.constant 0 : i32
      %dma_wait3A_70 = tpu.memref_slice %arg10[%add3A_38, %dma_wait3A_69] : memref<10240x128xf32, #tpu.memory_space<vmem_shared>> -> memref<128x128xf32, #tpu.memory_space<vmem_shared>>
      tpu.wait_dma2 semaphore(%run_scoped3A : memref<!tpu.dma_semaphore, #tpu.memory_space<semaphore_mem>>) src(%arg9 : memref<128x128xf32, #tpu.memory_space<vmem>>) dst(%dma_wait3A_70 : memref<128x128xf32, #tpu.memory_space<vmem_shared>>)
      tpu.yield
    }) : () -> ()
    %mul3A_39 = arith.constant 640 : i32
    %mul3A_40 = arith.muli %arg1, %mul3A_39 : i32
    %add3A_41 = arith.constant 256 : i32
    %add3A_42 = arith.addi %mul3A_40, %add3A_41 : i32
    "tpu.region"() ({
      %run_scoped3A = tpu.sem_alloc : memref<!tpu.dma_semaphore, #tpu.memory_space<semaphore_mem>>
      %dma_start3A_64 = arith.constant 0 : i32
      %dma_start3A_65 = tpu.memref_slice %arg10[%add3A_42, %dma_start3A_64] : memref<10240x128xf32, #tpu.memory_space<vmem_shared>> -> memref<128x128xf32, #tpu.memory_space<vmem_shared>>
      %dma_start3A_66 = arith.constant 0 : i32
      %dma_start3A_67 = tpu.memref_slice %arg10[%add3A_42, %dma_start3A_66] : memref<10240x128xf32, #tpu.memory_space<vmem_shared>> -> memref<128x128xf32, #tpu.memory_space<vmem_shared>>
      tpu.enqueue_dma source(%arg9 : memref<128x128xf32, #tpu.memory_space<vmem>>) target(%dma_start3A_67 : memref<128x128xf32, #tpu.memory_space<vmem_shared>>) target_semaphore(%run_scoped3A : memref<!tpu.dma_semaphore, #tpu.memory_space<semaphore_mem>>)
      %dma_wait3A = arith.constant 0 : i32
      %dma_wait3A_68 = tpu.memref_slice %arg10[%add3A_42, %dma_wait3A] : memref<10240x128xf32, #tpu.memory_space<vmem_shared>> -> memref<128x128xf32, #tpu.memory_space<vmem_shared>>
      %dma_wait3A_69 = arith.constant 0 : i32
      %dma_wait3A_70 = tpu.memref_slice %arg10[%add3A_42, %dma_wait3A_69] : memref<10240x128xf32, #tpu.memory_space<vmem_shared>> -> memref<128x128xf32, #tpu.memory_space<vmem_shared>>
      tpu.wait_dma2 semaphore(%run_scoped3A : memref<!tpu.dma_semaphore, #tpu.memory_space<semaphore_mem>>) src(%arg9 : memref<128x128xf32, #tpu.memory_space<vmem>>) dst(%dma_wait3A_70 : memref<128x128xf32, #tpu.memory_space<vmem_shared>>)
      tpu.yield
    }) : () -> ()
    %mul3A_43 = arith.constant 640 : i32
    %mul3A_44 = arith.muli %arg1, %mul3A_43 : i32
    %add3A_45 = arith.constant 384 : i32
    %add3A_46 = arith.addi %mul3A_44, %add3A_45 : i32
    "tpu.region"() ({
      %run_scoped3A = tpu.sem_alloc : memref<!tpu.dma_semaphore, #tpu.memory_space<semaphore_mem>>
      %dma_start3A_64 = arith.constant 0 : i32
      %dma_start3A_65 = tpu.memref_slice %arg10[%add3A_46, %dma_start3A_64] : memref<10240x128xf32, #tpu.memory_space<vmem_shared>> -> memref<128x128xf32, #tpu.memory_space<vmem_shared>>
      %dma_start3A_66 = arith.constant 0 : i32
      %dma_start3A_67 = tpu.memref_slice %arg10[%add3A_46, %dma_start3A_66] : memref<10240x128xf32, #tpu.memory_space<vmem_shared>> -> memref<128x128xf32, #tpu.memory_space<vmem_shared>>
      tpu.enqueue_dma source(%arg9 : memref<128x128xf32, #tpu.memory_space<vmem>>) target(%dma_start3A_67 : memref<128x128xf32, #tpu.memory_space<vmem_shared>>) target_semaphore(%run_scoped3A : memref<!tpu.dma_semaphore, #tpu.memory_space<semaphore_mem>>)
      %dma_wait3A = arith.constant 0 : i32
      %dma_wait3A_68 = tpu.memref_slice %arg10[%add3A_46, %dma_wait3A] : memref<10240x128xf32, #tpu.memory_space<vmem_shared>> -> memref<128x128xf32, #tpu.memory_space<vmem_shared>>
      %dma_wait3A_69 = arith.constant 0 : i32
      %dma_wait3A_70 = tpu.memref_slice %arg10[%add3A_46, %dma_wait3A_69] : memref<10240x128xf32, #tpu.memory_space<vmem_shared>> -> memref<128x128xf32, #tpu.memory_space<vmem_shared>>
      tpu.wait_dma2 semaphore(%run_scoped3A : memref<!tpu.dma_semaphore, #tpu.memory_space<semaphore_mem>>) src(%arg9 : memref<128x128xf32, #tpu.memory_space<vmem>>) dst(%dma_wait3A_70 : memref<128x128xf32, #tpu.memory_space<vmem_shared>>)
      tpu.yield
    }) : () -> ()
    %mul3A_47 = arith.constant 640 : i32
    %mul3A_48 = arith.muli %arg1, %mul3A_47 : i32
    %add3A_49 = arith.constant 512 : i32
    %add3A_50 = arith.addi %mul3A_48, %add3A_49 : i32
    "tpu.region"() ({
      %run_scoped3A = tpu.sem_alloc : memref<!tpu.dma_semaphore, #tpu.memory_space<semaphore_mem>>
      %dma_start3A_64 = arith.constant 0 : i32
      %dma_start3A_65 = tpu.memref_slice %arg10[%add3A_50, %dma_start3A_64] : memref<10240x128xf32, #tpu.memory_space<vmem_shared>> -> memref<128x128xf32, #tpu.memory_space<vmem_shared>>
      %dma_start3A_66 = arith.constant 0 : i32
      %dma_start3A_67 = tpu.memref_slice %arg10[%add3A_50, %dma_start3A_66] : memref<10240x128xf32, #tpu.memory_space<vmem_shared>> -> memref<128x128xf32, #tpu.memory_space<vmem_shared>>
      tpu.enqueue_dma source(%arg9 : memref<128x128xf32, #tpu.memory_space<vmem>>) target(%dma_start3A_67 : memref<128x128xf32, #tpu.memory_space<vmem_shared>>) target_semaphore(%run_scoped3A : memref<!tpu.dma_semaphore, #tpu.memory_space<semaphore_mem>>)
      %dma_wait3A = arith.constant 0 : i32
      %dma_wait3A_68 = tpu.memref_slice %arg10[%add3A_50, %dma_wait3A] : memref<10240x128xf32, #tpu.memory_space<vmem_shared>> -> memref<128x128xf32, #tpu.memory_space<vmem_shared>>
      %dma_wait3A_69 = arith.constant 0 : i32
      %dma_wait3A_70 = tpu.memref_slice %arg10[%add3A_50, %dma_wait3A_69] : memref<10240x128xf32, #tpu.memory_space<vmem_shared>> -> memref<128x128xf32, #tpu.memory_space<vmem_shared>>
      tpu.wait_dma2 semaphore(%run_scoped3A : memref<!tpu.dma_semaphore, #tpu.memory_space<semaphore_mem>>) src(%arg9 : memref<128x128xf32, #tpu.memory_space<vmem>>) dst(%dma_wait3A_70 : memref<128x128xf32, #tpu.memory_space<vmem_shared>>)
      tpu.yield
    }) : () -> ()
    %barrier3A = arith.constant 0 : index
    tpu.barrier barrier_id(%barrier3A)
    %scan3A_51 = arith.constant 0 : i32
    %scan3A_52 = arith.constant 0 : i32
    %scan3A_53 = arith.constant 2 : i32
    %scan3A_54 = arith.addi %scan3A_52, %scan3A_53 : i32
    %scan3A_55 = arith.constant 1 : i32
    %scan3A_56 = scf.for %scan3A_64 = %scan3A_52 to %scan3A_54 step %scan3A_55 iter_args(%scan3A_65 = %scan3A_51) -> (i32)  : i32 {
      %gt3A = arith.constant 0 : i32
      %gt3A_66 = arith.cmpi sgt, %scan3A_64, %gt3A : i32
      %convert_element_type3A = arith.extui %gt3A_66 : i1 to i32
      %cond3A = arith.constant 0 : i32
      %cond3A_67 = arith.cmpi ne, %convert_element_type3A, %cond3A : i32
      scf.if %cond3A_67 {
        %mul3A_76 = arith.constant 2 : i32
        %mul3A_77 = arith.muli %arg1, %mul3A_76 : i32
        %add3A_78 = arith.addi %mul3A_77, %scan3A_64 : i32
        "tpu.region"() ({
          %run_scoped3A = tpu.sem_alloc : memref<!tpu.dma_semaphore, #tpu.memory_space<semaphore_mem>>
          %dma_start3A_99 = arith.constant 0 : i32
          %dma_start3A_100 = arith.constant 0 : i32
          %dma_start3A_101 = tpu.memref_slice %arg3[%add3A_78, %dma_start3A_99, %dma_start3A_100] : memref<32x40x128xi32, #tpu.memory_space<hbm>> -> memref<1x40x128xi32, #tpu.memory_space<hbm>>
          %dma_start3A_102 = tpu.memref_squeeze %dma_start3A_101 : memref<1x40x128xi32, #tpu.memory_space<hbm>> -> memref<40x128xi32, #tpu.memory_space<hbm>>
          %dma_start3A_103 = arith.constant 0 : i32
          %dma_start3A_104 = arith.constant 0 : i32
          %dma_start3A_105 = tpu.memref_slice %arg3[%add3A_78, %dma_start3A_103, %dma_start3A_104] : memref<32x40x128xi32, #tpu.memory_space<hbm>> -> memref<1x40x128xi32, #tpu.memory_space<hbm>>
          %dma_start3A_106 = tpu.memref_squeeze %dma_start3A_105 : memref<1x40x128xi32, #tpu.memory_space<hbm>> -> memref<40x128xi32, #tpu.memory_space<hbm>>
          tpu.enqueue_dma source(%dma_start3A_106 : memref<40x128xi32, #tpu.memory_space<hbm>>) target(%arg6 : memref<40x128xi32, #tpu.memory_space<vmem>>) target_semaphore(%run_scoped3A : memref<!tpu.dma_semaphore, #tpu.memory_space<semaphore_mem>>)
          %dma_wait3A = arith.constant 0 : i32
          %dma_wait3A_107 = arith.constant 0 : i32
          %dma_wait3A_108 = tpu.memref_slice %arg3[%add3A_78, %dma_wait3A, %dma_wait3A_107] : memref<32x40x128xi32, #tpu.memory_space<hbm>> -> memref<1x40x128xi32, #tpu.memory_space<hbm>>
          %dma_wait3A_109 = tpu.memref_squeeze %dma_wait3A_108 : memref<1x40x128xi32, #tpu.memory_space<hbm>> -> memref<40x128xi32, #tpu.memory_space<hbm>>
          %dma_wait3A_110 = arith.constant 0 : i32
          %dma_wait3A_111 = arith.constant 0 : i32
          %dma_wait3A_112 = tpu.memref_slice %arg3[%add3A_78, %dma_wait3A_110, %dma_wait3A_111] : memref<32x40x128xi32, #tpu.memory_space<hbm>> -> memref<1x40x128xi32, #tpu.memory_space<hbm>>
          %dma_wait3A_113 = tpu.memref_squeeze %dma_wait3A_112 : memref<1x40x128xi32, #tpu.memory_space<hbm>> -> memref<40x128xi32, #tpu.memory_space<hbm>>
          tpu.wait_dma2 semaphore(%run_scoped3A : memref<!tpu.dma_semaphore, #tpu.memory_space<semaphore_mem>>) src(%dma_wait3A_113 : memref<40x128xi32, #tpu.memory_space<hbm>>) dst(%arg6 : memref<40x128xi32, #tpu.memory_space<vmem>>)
          tpu.yield
        }) : () -> ()
        %mul3A_79 = arith.constant 2 : i32
        %mul3A_80 = arith.muli %arg1, %mul3A_79 : i32
        %add3A_81 = arith.addi %mul3A_80, %scan3A_64 : i32
        "tpu.region"() ({
          %run_scoped3A = tpu.sem_alloc : memref<!tpu.dma_semaphore, #tpu.memory_space<semaphore_mem>>
          %dma_start3A_99 = arith.constant 0 : i32
          %dma_start3A_100 = arith.constant 0 : i32
          %dma_start3A_101 = tpu.memref_slice %arg4[%add3A_81, %dma_start3A_99, %dma_start3A_100] : memref<32x40x128xi32, #tpu.memory_space<hbm>> -> memref<1x40x128xi32, #tpu.memory_space<hbm>>
          %dma_start3A_102 = tpu.memref_squeeze %dma_start3A_101 : memref<1x40x128xi32, #tpu.memory_space<hbm>> -> memref<40x128xi32, #tpu.memory_space<hbm>>
          %dma_start3A_103 = arith.constant 0 : i32
          %dma_start3A_104 = arith.constant 0 : i32
          %dma_start3A_105 = tpu.memref_slice %arg4[%add3A_81, %dma_start3A_103, %dma_start3A_104] : memref<32x40x128xi32, #tpu.memory_space<hbm>> -> memref<1x40x128xi32, #tpu.memory_space<hbm>>
          %dma_start3A_106 = tpu.memref_squeeze %dma_start3A_105 : memref<1x40x128xi32, #tpu.memory_space<hbm>> -> memref<40x128xi32, #tpu.memory_space<hbm>>
          tpu.enqueue_dma source(%dma_start3A_106 : memref<40x128xi32, #tpu.memory_space<hbm>>) target(%arg7 : memref<40x128xi32, #tpu.memory_space<vmem>>) target_semaphore(%run_scoped3A : memref<!tpu.dma_semaphore, #tpu.memory_space<semaphore_mem>>)
          %dma_wait3A = arith.constant 0 : i32
          %dma_wait3A_107 = arith.constant 0 : i32
          %dma_wait3A_108 = tpu.memref_slice %arg4[%add3A_81, %dma_wait3A, %dma_wait3A_107] : memref<32x40x128xi32, #tpu.memory_space<hbm>> -> memref<1x40x128xi32, #tpu.memory_space<hbm>>
          %dma_wait3A_109 = tpu.memref_squeeze %dma_wait3A_108 : memref<1x40x128xi32, #tpu.memory_space<hbm>> -> memref<40x128xi32, #tpu.memory_space<hbm>>
          %dma_wait3A_110 = arith.constant 0 : i32
          %dma_wait3A_111 = arith.constant 0 : i32
          %dma_wait3A_112 = tpu.memref_slice %arg4[%add3A_81, %dma_wait3A_110, %dma_wait3A_111] : memref<32x40x128xi32, #tpu.memory_space<hbm>> -> memref<1x40x128xi32, #tpu.memory_space<hbm>>
          %dma_wait3A_113 = tpu.memref_squeeze %dma_wait3A_112 : memref<1x40x128xi32, #tpu.memory_space<hbm>> -> memref<40x128xi32, #tpu.memory_space<hbm>>
          tpu.wait_dma2 semaphore(%run_scoped3A : memref<!tpu.dma_semaphore, #tpu.memory_space<semaphore_mem>>) src(%dma_wait3A_113 : memref<40x128xi32, #tpu.memory_space<hbm>>) dst(%arg7 : memref<40x128xi32, #tpu.memory_space<vmem>>)
          tpu.yield
        }) : () -> ()
        %scan3A_82 = arith.constant 0 : i32
        %scan3A_83 = arith.constant 0 : i32
        %scan3A_84 = arith.constant 40 : i32
        %scan3A_85 = arith.addi %scan3A_83, %scan3A_84 : i32
        %scan3A_86 = arith.constant 1 : i32
        %scan3A_87 = scf.for %scan3A_99 = %scan3A_83 to %scan3A_85 step %scan3A_86 iter_args(%scan3A_100 = %scan3A_82) -> (i32)  : i32 {
          %get3A = arith.index_cast %scan3A_99 : i32 to index
          %get3A_101 = arith.constant 0 : index
          %get3A_102 = tpu.vector_load %arg6[%get3A, %get3A_101] {strides = array<i32>} : memref<40x128xi32, #tpu.memory_space<vmem>>, vector<1x16xi32>,
          %get3A_103 = vector.shape_cast %get3A_102 : vector<1x16xi32> to vector<16xi32>
          %add3A_104 = vector.broadcast %mul3A_0 : i32 to vector<16xi32>
          %add3A_105 = arith.addi %get3A_103, %add3A_104 : vector<16xi32>
          %swap3A = arith.index_cast %scan3A_99 : i32 to index
          %swap3A_106 = arith.constant 0 : index
          %swap3A_107 = tpu.vector_load %arg6[%swap3A, %swap3A_106] {strides = array<i32>} : memref<40x128xi32, #tpu.memory_space<vmem>>, vector<1x16xi32>,
          %swap3A_108 = vector.shape_cast %swap3A_107 : vector<1x16xi32> to vector<16xi32>
          %swap3A_109 = vector.shape_cast %add3A_105 : vector<16xi32> to vector<1x16xi32>
          tpu.vector_store %arg6[%swap3A, %swap3A_106], %swap3A_109 {strides = array<i32>} : memref<40x128xi32, #tpu.memory_space<vmem>>, vector<1x16xi32>,
          %get3A_110 = arith.index_cast %scan3A_99 : i32 to index
          %get3A_111 = arith.constant 16 : index
          %get3A_112 = tpu.vector_load %arg6[%get3A_110, %get3A_111] {strides = array<i32>} : memref<40x128xi32, #tpu.memory_space<vmem>>, vector<1x16xi32>,
          %get3A_113 = vector.shape_cast %get3A_112 : vector<1x16xi32> to vector<16xi32>
          %add3A_114 = vector.broadcast %mul3A_0 : i32 to vector<16xi32>
          %add3A_115 = arith.addi %get3A_113, %add3A_114 : vector<16xi32>
          %swap3A_116 = arith.index_cast %scan3A_99 : i32 to index
          %swap3A_117 = arith.constant 16 : index
          %swap3A_118 = tpu.vector_load %arg6[%swap3A_116, %swap3A_117] {strides = array<i32>} : memref<40x128xi32, #tpu.memory_space<vmem>>, vector<1x16xi32>,
          %swap3A_119 = vector.shape_cast %swap3A_118 : vector<1x16xi32> to vector<16xi32>
          %swap3A_120 = vector.shape_cast %add3A_115 : vector<16xi32> to vector<1x16xi32>
          tpu.vector_store %arg6[%swap3A_116, %swap3A_117], %swap3A_120 {strides = array<i32>} : memref<40x128xi32, #tpu.memory_space<vmem>>, vector<1x16xi32>,
          %get3A_121 = arith.index_cast %scan3A_99 : i32 to index
          %get3A_122 = arith.constant 32 : index
          %get3A_123 = tpu.vector_load %arg6[%get3A_121, %get3A_122] {strides = array<i32>} : memref<40x128xi32, #tpu.memory_space<vmem>>, vector<1x16xi32>,
          %get3A_124 = vector.shape_cast %get3A_123 : vector<1x16xi32> to vector<16xi32>
          %add3A_125 = vector.broadcast %mul3A_0 : i32 to vector<16xi32>
          %add3A_126 = arith.addi %get3A_124, %add3A_125 : vector<16xi32>
          %swap3A_127 = arith.index_cast %scan3A_99 : i32 to index
          %swap3A_128 = arith.constant 32 : index
          %swap3A_129 = tpu.vector_load %arg6[%swap3A_127, %swap3A_128] {strides = array<i32>} : memref<40x128xi32, #tpu.memory_space<vmem>>, vector<1x16xi32>,
          %swap3A_130 = vector.shape_cast %swap3A_129 : vector<1x16xi32> to vector<16xi32>
          %swap3A_131 = vector.shape_cast %add3A_126 : vector<16xi32> to vector<1x16xi32>
          tpu.vector_store %arg6[%swap3A_127, %swap3A_128], %swap3A_131 {strides = array<i32>} : memref<40x128xi32, #tpu.memory_space<vmem>>, vector<1x16xi32>,
          %get3A_132 = arith.index_cast %scan3A_99 : i32 to index
          %get3A_133 = arith.constant 48 : index
          %get3A_134 = tpu.vector_load %arg6[%get3A_132, %get3A_133] {strides = array<i32>} : memref<40x128xi32, #tpu.memory_space<vmem>>, vector<1x16xi32>,
          %get3A_135 = vector.shape_cast %get3A_134 : vector<1x16xi32> to vector<16xi32>
          %add3A_136 = vector.broadcast %mul3A_0 : i32 to vector<16xi32>
          %add3A_137 = arith.addi %get3A_135, %add3A_136 : vector<16xi32>
          %swap3A_138 = arith.index_cast %scan3A_99 : i32 to index
          %swap3A_139 = arith.constant 48 : index
          %swap3A_140 = tpu.vector_load %arg6[%swap3A_138, %swap3A_139] {strides = array<i32>} : memref<40x128xi32, #tpu.memory_space<vmem>>, vector<1x16xi32>,
          %swap3A_141 = vector.shape_cast %swap3A_140 : vector<1x16xi32> to vector<16xi32>
          %swap3A_142 = vector.shape_cast %add3A_137 : vector<16xi32> to vector<1x16xi32>
          tpu.vector_store %arg6[%swap3A_138, %swap3A_139], %swap3A_142 {strides = array<i32>} : memref<40x128xi32, #tpu.memory_space<vmem>>, vector<1x16xi32>,
          %get3A_143 = arith.index_cast %scan3A_99 : i32 to index
          %get3A_144 = arith.constant 64 : index
          %get3A_145 = tpu.vector_load %arg6[%get3A_143, %get3A_144] {strides = array<i32>} : memref<40x128xi32, #tpu.memory_space<vmem>>, vector<1x16xi32>,
          %get3A_146 = vector.shape_cast %get3A_145 : vector<1x16xi32> to vector<16xi32>
          %add3A_147 = vector.broadcast %mul3A_0 : i32 to vector<16xi32>
          %add3A_148 = arith.addi %get3A_146, %add3A_147 : vector<16xi32>
          %swap3A_149 = arith.index_cast %scan3A_99 : i32 to index
          %swap3A_150 = arith.constant 64 : index
          %swap3A_151 = tpu.vector_load %arg6[%swap3A_149, %swap3A_150] {strides = array<i32>} : memref<40x128xi32, #tpu.memory_space<vmem>>, vector<1x16xi32>,
          %swap3A_152 = vector.shape_cast %swap3A_151 : vector<1x16xi32> to vector<16xi32>
          %swap3A_153 = vector.shape_cast %add3A_148 : vector<16xi32> to vector<1x16xi32>
          tpu.vector_store %arg6[%swap3A_149, %swap3A_150], %swap3A_153 {strides = array<i32>} : memref<40x128xi32, #tpu.memory_space<vmem>>, vector<1x16xi32>,
          %get3A_154 = arith.index_cast %scan3A_99 : i32 to index
          %get3A_155 = arith.constant 80 : index
          %get3A_156 = tpu.vector_load %arg6[%get3A_154, %get3A_155] {strides = array<i32>} : memref<40x128xi32, #tpu.memory_space<vmem>>, vector<1x16xi32>,
          %get3A_157 = vector.shape_cast %get3A_156 : vector<1x16xi32> to vector<16xi32>
          %add3A_158 = vector.broadcast %mul3A_0 : i32 to vector<16xi32>
          %add3A_159 = arith.addi %get3A_157, %add3A_158 : vector<16xi32>
          %swap3A_160 = arith.index_cast %scan3A_99 : i32 to index
          %swap3A_161 = arith.constant 80 : index
          %swap3A_162 = tpu.vector_load %arg6[%swap3A_160, %swap3A_161] {strides = array<i32>} : memref<40x128xi32, #tpu.memory_space<vmem>>, vector<1x16xi32>,
          %swap3A_163 = vector.shape_cast %swap3A_162 : vector<1x16xi32> to vector<16xi32>
          %swap3A_164 = vector.shape_cast %add3A_159 : vector<16xi32> to vector<1x16xi32>
          tpu.vector_store %arg6[%swap3A_160, %swap3A_161], %swap3A_164 {strides = array<i32>} : memref<40x128xi32, #tpu.memory_space<vmem>>, vector<1x16xi32>,
          %get3A_165 = arith.index_cast %scan3A_99 : i32 to index
          %get3A_166 = arith.constant 96 : index
          %get3A_167 = tpu.vector_load %arg6[%get3A_165, %get3A_166] {strides = array<i32>} : memref<40x128xi32, #tpu.memory_space<vmem>>, vector<1x16xi32>,
          %get3A_168 = vector.shape_cast %get3A_167 : vector<1x16xi32> to vector<16xi32>
          %add3A_169 = vector.broadcast %mul3A_0 : i32 to vector<16xi32>
          %add3A_170 = arith.addi %get3A_168, %add3A_169 : vector<16xi32>
          %swap3A_171 = arith.index_cast %scan3A_99 : i32 to index
          %swap3A_172 = arith.constant 96 : index
          %swap3A_173 = tpu.vector_load %arg6[%swap3A_171, %swap3A_172] {strides = array<i32>} : memref<40x128xi32, #tpu.memory_space<vmem>>, vector<1x16xi32>,
          %swap3A_174 = vector.shape_cast %swap3A_173 : vector<1x16xi32> to vector<16xi32>
          %swap3A_175 = vector.shape_cast %add3A_170 : vector<16xi32> to vector<1x16xi32>
          tpu.vector_store %arg6[%swap3A_171, %swap3A_172], %swap3A_175 {strides = array<i32>} : memref<40x128xi32, #tpu.memory_space<vmem>>, vector<1x16xi32>,
          %get3A_176 = arith.index_cast %scan3A_99 : i32 to index
          %get3A_177 = arith.constant 112 : index
          %get3A_178 = tpu.vector_load %arg6[%get3A_176, %get3A_177] {strides = array<i32>} : memref<40x128xi32, #tpu.memory_space<vmem>>, vector<1x16xi32>,
          %get3A_179 = vector.shape_cast %get3A_178 : vector<1x16xi32> to vector<16xi32>
          %add3A_180 = vector.broadcast %mul3A_0 : i32 to vector<16xi32>
          %add3A_181 = arith.addi %get3A_179, %add3A_180 : vector<16xi32>
          %swap3A_182 = arith.index_cast %scan3A_99 : i32 to index
          %swap3A_183 = arith.constant 112 : index
          %swap3A_184 = tpu.vector_load %arg6[%swap3A_182, %swap3A_183] {strides = array<i32>} : memref<40x128xi32, #tpu.memory_space<vmem>>, vector<1x16xi32>,
          %swap3A_185 = vector.shape_cast %swap3A_184 : vector<1x16xi32> to vector<16xi32>
          %swap3A_186 = vector.shape_cast %add3A_181 : vector<16xi32> to vector<1x16xi32>
          tpu.vector_store %arg6[%swap3A_182, %swap3A_183], %swap3A_186 {strides = array<i32>} : memref<40x128xi32, #tpu.memory_space<vmem>>, vector<1x16xi32>,
          %scan3A_187 = arith.constant 0 : i32
          scf.yield %scan3A_187 : i32
        }
        %scan3A_88 = arith.constant 40 : i32
        %dma_start3A_89 = arith.constant 0 : i32
        %dma_start3A_90 = arith.constant 0 : i32
        %dma_start3A_91 = arith.constant 0 : i32
        %dma_start3A_92 = tpu.memref_slice %arg8[%dma_start3A_90, %dma_start3A_91] : memref<128x128xf32, #tpu.memory_space<vmem>> -> memref<128x128xf32, #tpu.memory_space<vmem>>
        %dma_start3A_93 = arith.constant 0 : i32
        %dma_start3A_94 = tpu.memref_slice %arg6[%dma_start3A_89, %dma_start3A_93] : memref<40x128xi32, #tpu.memory_space<vmem>> -> memref<1x128xi32, #tpu.memory_space<vmem>>
        %dma_start3A_95 = tpu.memref_squeeze %dma_start3A_94 : memref<1x128xi32, #tpu.memory_space<vmem>> -> memref<128xi32, #tpu.memory_space<vmem>>
        %dma_start3A_96 = arith.constant 0 : i32
        %dma_start3A_97 = arith.constant 0 : i32
        %dma_start3A_98 = tpu.memref_slice %arg2[%dma_start3A_96, %dma_start3A_97] : memref<20480x128xf32, #tpu.memory_space<hbm>> -> memref<20480x128xf32, #tpu.memory_space<hbm>>
        tpu.enqueue_indirect_dma source(%dma_start3A_98 : memref<20480x128xf32, #tpu.memory_space<hbm>>) target(%dma_start3A_92 : memref<128x128xf32, #tpu.memory_space<vmem>>) offsets(%dma_start3A_95 : memref<128xi32, #tpu.memory_space<vmem>>) semaphore(%arg11 : memref<!tpu.dma_semaphore, #tpu.memory_space<semaphore_mem>>)
      } else {
      }
      %scan3A_68 = arith.constant 0 : i32
      %scan3A_69 = arith.constant 0 : i32
      %scan3A_70 = arith.constant 20 : i32
      %scan3A_71 = arith.addi %scan3A_69, %scan3A_70 : i32
      %scan3A_72 = arith.constant 1 : i32
      %scan3A_73 = scf.for %scan3A_76 = %scan3A_69 to %scan3A_71 step %scan3A_72 iter_args(%scan3A_77 = %scan3A_68) -> (i32)  : i32 {
        %mul3A_78 = arith.constant 2 : i32
        %mul3A_79 = arith.muli %scan3A_76, %mul3A_78 : i32
        %add3A_80 = arith.constant 1 : i32
        %add3A_81 = arith.addi %mul3A_79, %add3A_80 : i32
        %dma_start3A_82 = arith.constant 0 : i32
        %dma_start3A_83 = arith.constant 0 : i32
        %dma_start3A_84 = tpu.memref_slice %arg9[%dma_start3A_82, %dma_start3A_83] : memref<128x128xf32, #tpu.memory_space<vmem>> -> memref<128x128xf32, #tpu.memory_space<vmem>>
        %dma_start3A_85 = arith.constant 0 : i32
        %dma_start3A_86 = tpu.memref_slice %arg6[%add3A_81, %dma_start3A_85] : memref<40x128xi32, #tpu.memory_space<vmem>> -> memref<1x128xi32, #tpu.memory_space<vmem>>
        %dma_start3A_87 = tpu.memref_squeeze %dma_start3A_86 : memref<1x128xi32, #tpu.memory_space<vmem>> -> memref<128xi32, #tpu.memory_space<vmem>>
        %dma_start3A_88 = arith.constant 0 : i32
        %dma_start3A_89 = arith.constant 0 : i32
        %dma_start3A_90 = tpu.memref_slice %arg2[%dma_start3A_88, %dma_start3A_89] : memref<20480x128xf32, #tpu.memory_space<hbm>> -> memref<20480x128xf32, #tpu.memory_space<hbm>>
        tpu.enqueue_indirect_dma source(%dma_start3A_90 : memref<20480x128xf32, #tpu.memory_space<hbm>>) target(%dma_start3A_84 : memref<128x128xf32, #tpu.memory_space<vmem>>) offsets(%dma_start3A_87 : memref<128xi32, #tpu.memory_space<vmem>>) semaphore(%arg12 : memref<!tpu.dma_semaphore, #tpu.memory_space<semaphore_mem>>)
        %dma_wait3A = arith.constant 0 : i32
        %dma_wait3A_91 = arith.constant 0 : i32
        %dma_wait3A_92 = tpu.memref_slice %arg8[%dma_wait3A, %dma_wait3A_91] : memref<128x128xf32, #tpu.memory_space<vmem>> -> memref<128x128xf32, #tpu.memory_space<vmem>>
        %dma_wait3A_93 = arith.constant 0 : i32
        %dma_wait3A_94 = tpu.memref_slice %arg6[%mul3A_79, %dma_wait3A_93] : memref<40x128xi32, #tpu.memory_space<vmem>> -> memref<1x128xi32, #tpu.memory_space<vmem>>
        %dma_wait3A_95 = tpu.memref_squeeze %dma_wait3A_94 : memref<1x128xi32, #tpu.memory_space<vmem>> -> memref<128xi32, #tpu.memory_space<vmem>>
        %dma_wait3A_96 = arith.constant 0 : i32
        %dma_wait3A_97 = arith.constant 0 : i32
        %dma_wait3A_98 = tpu.memref_slice %arg2[%dma_wait3A_96, %dma_wait3A_97] : memref<20480x128xf32, #tpu.memory_space<hbm>> -> memref<20480x128xf32, #tpu.memory_space<hbm>>
        tpu.wait_indirect_dma semaphore(%arg11 : memref<!tpu.dma_semaphore, #tpu.memory_space<semaphore_mem>>) src(%dma_wait3A_98 : memref<20480x128xf32, #tpu.memory_space<hbm>>) dst(%dma_wait3A_92 : memref<128x128xf32, #tpu.memory_space<vmem>>)
        "tpu.region"() ({
          %run_scoped3A = tpu.sem_alloc : memref<!tpu.dma_semaphore, #tpu.memory_space<semaphore_mem>>
          %dma_start3A_117 = arith.constant 0 : i32
          %dma_start3A_118 = tpu.memref_slice %arg7[%mul3A_79, %dma_start3A_117] : memref<40x128xi32, #tpu.memory_space<vmem>> -> memref<1x128xi32, #tpu.memory_space<vmem>>
          %dma_start3A_119 = tpu.memref_squeeze %dma_start3A_118 : memref<1x128xi32, #tpu.memory_space<vmem>> -> memref<128xi32, #tpu.memory_space<vmem>>
          %dma_start3A_120 = arith.constant 0 : i32
          %dma_start3A_121 = arith.constant 0 : i32
          %dma_start3A_122 = tpu.memref_slice %arg10[%dma_start3A_120, %dma_start3A_121] : memref<10240x128xf32, #tpu.memory_space<vmem_shared>> -> memref<10240x128xf32, #tpu.memory_space<vmem_shared>>
          tpu.enqueue_indirect_dma source(%arg8 : memref<128x128xf32, #tpu.memory_space<vmem>>) target(%dma_start3A_122 : memref<10240x128xf32, #tpu.memory_space<vmem_shared>>) offsets(%dma_start3A_119 : memref<128xi32, #tpu.memory_space<vmem>>) semaphore(%run_scoped3A : memref<!tpu.dma_semaphore, #tpu.memory_space<semaphore_mem>>) {add = true}
          %dma_wait3A_123 = arith.constant 0 : i32
          %dma_wait3A_124 = tpu.memref_slice %arg7[%mul3A_79, %dma_wait3A_123] : memref<40x128xi32, #tpu.memory_space<vmem>> -> memref<1x128xi32, #tpu.memory_space<vmem>>
          %dma_wait3A_125 = tpu.memref_squeeze %dma_wait3A_124 : memref<1x128xi32, #tpu.memory_space<vmem>> -> memref<128xi32, #tpu.memory_space<vmem>>
          %dma_wait3A_126 = arith.constant 0 : i32
          %dma_wait3A_127 = arith.constant 0 : i32
          %dma_wait3A_128 = tpu.memref_slice %arg10[%dma_wait3A_126, %dma_wait3A_127] : memref<10240x128xf32, #tpu.memory_space<vmem_shared>> -> memref<10240x128xf32, #tpu.memory_space<vmem_shared>>
          tpu.wait_indirect_dma semaphore(%run_scoped3A : memref<!tpu.dma_semaphore, #tpu.memory_space<semaphore_mem>>) src(%arg8 : memref<128x128xf32, #tpu.memory_space<vmem>>) dst(%dma_wait3A_128 : memref<10240x128xf32, #tpu.memory_space<vmem_shared>>)
          tpu.yield
        }) : () -> ()
        %lt3A = arith.constant 19 : i32
        %lt3A_99 = arith.cmpi slt, %scan3A_76, %lt3A : i32
        %convert_element_type3A_100 = arith.extui %lt3A_99 : i1 to i32
        %cond3A_101 = arith.constant 0 : i32
        %cond3A_102 = arith.cmpi ne, %convert_element_type3A_100, %cond3A_101 : i32
        scf.if %cond3A_102 {
          %add3A_117 = arith.constant 2 : i32
          %add3A_118 = arith.addi %mul3A_79, %add3A_117 : i32
          %dma_start3A_119 = arith.constant 0 : i32
          %dma_start3A_120 = arith.constant 0 : i32
          %dma_start3A_121 = tpu.memref_slice %arg8[%dma_start3A_119, %dma_start3A_120] : memref<128x128xf32, #tpu.memory_space<vmem>> -> memref<128x128xf32, #tpu.memory_space<vmem>>
          %dma_start3A_122 = arith.constant 0 : i32
          %dma_start3A_123 = tpu.memref_slice %arg6[%add3A_118, %dma_start3A_122] : memref<40x128xi32, #tpu.memory_space<vmem>> -> memref<1x128xi32, #tpu.memory_space<vmem>>
          %dma_start3A_124 = tpu.memref_squeeze %dma_start3A_123 : memref<1x128xi32, #tpu.memory_space<vmem>> -> memref<128xi32, #tpu.memory_space<vmem>>
          %dma_start3A_125 = arith.constant 0 : i32
          %dma_start3A_126 = arith.constant 0 : i32
          %dma_start3A_127 = tpu.memref_slice %arg2[%dma_start3A_125, %dma_start3A_126] : memref<20480x128xf32, #tpu.memory_space<hbm>> -> memref<20480x128xf32, #tpu.memory_space<hbm>>
          tpu.enqueue_indirect_dma source(%dma_start3A_127 : memref<20480x128xf32, #tpu.memory_space<hbm>>) target(%dma_start3A_121 : memref<128x128xf32, #tpu.memory_space<vmem>>) offsets(%dma_start3A_124 : memref<128xi32, #tpu.memory_space<vmem>>) semaphore(%arg11 : memref<!tpu.dma_semaphore, #tpu.memory_space<semaphore_mem>>)
        } else {
        }
        %add3A_103 = arith.constant 1 : i32
        %add3A_104 = arith.addi %mul3A_79, %add3A_103 : i32
        %dma_wait3A_105 = arith.constant 0 : i32
        %dma_wait3A_106 = arith.constant 0 : i32
        %dma_wait3A_107 = tpu.memref_slice %arg9[%dma_wait3A_105, %dma_wait3A_106] : memref<128x128xf32, #tpu.memory_space<vmem>> -> memref<128x128xf32, #tpu.memory_space<vmem>>
        %dma_wait3A_108 = arith.constant 0 : i32
        %dma_wait3A_109 = tpu.memref_slice %arg6[%add3A_104, %dma_wait3A_108] : memref<40x128xi32, #tpu.memory_space<vmem>> -> memref<1x128xi32, #tpu.memory_space<vmem>>
        %dma_wait3A_110 = tpu.memref_squeeze %dma_wait3A_109 : memref<1x128xi32, #tpu.memory_space<vmem>> -> memref<128xi32, #tpu.memory_space<vmem>>
        %dma_wait3A_111 = arith.constant 0 : i32
        %dma_wait3A_112 = arith.constant 0 : i32
        %dma_wait3A_113 = tpu.memref_slice %arg2[%dma_wait3A_111, %dma_wait3A_112] : memref<20480x128xf32, #tpu.memory_space<hbm>> -> memref<20480x128xf32, #tpu.memory_space<hbm>>
        tpu.wait_indirect_dma semaphore(%arg12 : memref<!tpu.dma_semaphore, #tpu.memory_space<semaphore_mem>>) src(%dma_wait3A_113 : memref<20480x128xf32, #tpu.memory_space<hbm>>) dst(%dma_wait3A_107 : memref<128x128xf32, #tpu.memory_space<vmem>>)
        %add3A_114 = arith.constant 1 : i32
        %add3A_115 = arith.addi %mul3A_79, %add3A_114 : i32
        "tpu.region"() ({
          %run_scoped3A = tpu.sem_alloc : memref<!tpu.dma_semaphore, #tpu.memory_space<semaphore_mem>>
          %dma_start3A_117 = arith.constant 0 : i32
          %dma_start3A_118 = tpu.memref_slice %arg7[%add3A_115, %dma_start3A_117] : memref<40x128xi32, #tpu.memory_space<vmem>> -> memref<1x128xi32, #tpu.memory_space<vmem>>
          %dma_start3A_119 = tpu.memref_squeeze %dma_start3A_118 : memref<1x128xi32, #tpu.memory_space<vmem>> -> memref<128xi32, #tpu.memory_space<vmem>>
          %dma_start3A_120 = arith.constant 0 : i32
          %dma_start3A_121 = arith.constant 0 : i32
          %dma_start3A_122 = tpu.memref_slice %arg10[%dma_start3A_120, %dma_start3A_121] : memref<10240x128xf32, #tpu.memory_space<vmem_shared>> -> memref<10240x128xf32, #tpu.memory_space<vmem_shared>>
          tpu.enqueue_indirect_dma source(%arg9 : memref<128x128xf32, #tpu.memory_space<vmem>>) target(%dma_start3A_122 : memref<10240x128xf32, #tpu.memory_space<vmem_shared>>) offsets(%dma_start3A_119 : memref<128xi32, #tpu.memory_space<vmem>>) semaphore(%run_scoped3A : memref<!tpu.dma_semaphore, #tpu.memory_space<semaphore_mem>>) {add = true}
          %dma_wait3A_123 = arith.constant 0 : i32
          %dma_wait3A_124 = tpu.memref_slice %arg7[%add3A_115, %dma_wait3A_123] : memref<40x128xi32, #tpu.memory_space<vmem>> -> memref<1x128xi32, #tpu.memory_space<vmem>>
          %dma_wait3A_125 = tpu.memref_squeeze %dma_wait3A_124 : memref<1x128xi32, #tpu.memory_space<vmem>> -> memref<128xi32, #tpu.memory_space<vmem>>
          %dma_wait3A_126 = arith.constant 0 : i32
          %dma_wait3A_127 = arith.constant 0 : i32
          %dma_wait3A_128 = tpu.memref_slice %arg10[%dma_wait3A_126, %dma_wait3A_127] : memref<10240x128xf32, #tpu.memory_space<vmem_shared>> -> memref<10240x128xf32, #tpu.memory_space<vmem_shared>>
          tpu.wait_indirect_dma semaphore(%run_scoped3A : memref<!tpu.dma_semaphore, #tpu.memory_space<semaphore_mem>>) src(%arg9 : memref<128x128xf32, #tpu.memory_space<vmem>>) dst(%dma_wait3A_128 : memref<10240x128xf32, #tpu.memory_space<vmem_shared>>)
          tpu.yield
        }) : () -> ()
        %scan3A_116 = arith.constant 0 : i32
        scf.yield %scan3A_116 : i32
      }
      %scan3A_74 = arith.constant 20 : i32
      %scan3A_75 = arith.constant 0 : i32
      scf.yield %scan3A_75 : i32
    }
    %scan3A_57 = arith.constant 2 : i32
    %barrier3A_58 = arith.constant 0 : index
    tpu.barrier barrier_id(%barrier3A_58)
    %mul3A_59 = arith.constant 640 : i32
    %mul3A_60 = arith.muli %arg1, %mul3A_59 : i32
    %mul3A_61 = arith.constant 640 : i32
    %mul3A_62 = arith.muli %arg1, %mul3A_61 : i32
    %add3A_63 = arith.addi %mul3A_0, %mul3A_62 : i32
    "tpu.region"() ({
      %run_scoped3A = tpu.sem_alloc : memref<!tpu.dma_semaphore, #tpu.memory_space<semaphore_mem>>
      %dma_start3A_64 = arith.constant 0 : i32
      %dma_start3A_65 = tpu.memref_slice %arg5[%add3A_63, %dma_start3A_64] : memref<20480x128xf32, #tpu.memory_space<hbm>> -> memref<640x128xf32, #tpu.memory_space<hbm>>
      %dma_start3A_66 = arith.constant 0 : i32
      %dma_start3A_67 = tpu.memref_slice %arg10[%mul3A_60, %dma_start3A_66] : memref<10240x128xf32, #tpu.memory_space<vmem_shared>> -> memref<640x128xf32, #tpu.memory_space<vmem_shared>>
      tpu.enqueue_dma source(%dma_start3A_67 : memref<640x128xf32, #tpu.memory_space<vmem_shared>>) target(%dma_start3A_65 : memref<640x128xf32, #tpu.memory_space<hbm>>) target_semaphore(%run_scoped3A : memref<!tpu.dma_semaphore, #tpu.memory_space<semaphore_mem>>)
      %dma_wait3A = arith.constant 0 : i32
      %dma_wait3A_68 = tpu.memref_slice %arg5[%add3A_63, %dma_wait3A] : memref<20480x128xf32, #tpu.memory_space<hbm>> -> memref<640x128xf32, #tpu.memory_space<hbm>>
      %dma_wait3A_69 = arith.constant 0 : i32
      %dma_wait3A_70 = tpu.memref_slice %arg10[%mul3A_60, %dma_wait3A_69] : memref<10240x128xf32, #tpu.memory_space<vmem_shared>> -> memref<640x128xf32, #tpu.memory_space<vmem_shared>>
      tpu.wait_dma2 semaphore(%run_scoped3A : memref<!tpu.dma_semaphore, #tpu.memory_space<semaphore_mem>>) src(%dma_wait3A_70 : memref<640x128xf32, #tpu.memory_space<vmem_shared>>) dst(%dma_wait3A_68 : memref<640x128xf32, #tpu.memory_space<hbm>>)
      tpu.yield
    }) : () -> ()
    return
  }
}

module attributes {stable_mosaic.version = 14 : i64} {
  func.func @_k1_body(%arg0: i32, %arg1: memref<1x2000x128xf32, #tpu.memory_space<vmem>>, %arg2: memref<1x2000x128xf32, #tpu.memory_space<vmem>>, %arg3: memref<1x2000x128xf32, #tpu.memory_space<vmem>>, %arg4: memref<1x2000x128xf32, #tpu.memory_space<vmem>>, %arg5: memref<1x2000x128xf32, #tpu.memory_space<vmem>>, %arg6: memref<1x2000x128xf32, #tpu.memory_space<vmem>>, %arg7: memref<256x256xf32, #tpu.memory_space<vmem>>, %arg8: memref<1x256xf32, #tpu.memory_space<vmem>>, %arg9: memref<2x2000x128xf32, #tpu.memory_space<vmem>>) attributes {dimension_semantics = [#tpu.dimension_semantics<arbitrary>], iteration_bounds = array<i64: 5>, scalar_prefetch = 0 : i64, scratch_operands = 0 : i64, tpu.core_type = #tpu.core_type<tc>, window_params = [{transform_indices = @transform_0, window_bounds = array<i64: 1, 2000, 128>}, {transform_indices = @transform_1, window_bounds = array<i64: 1, 2000, 128>}, {transform_indices = @transform_2, window_bounds = array<i64: 1, 2000, 128>}, {transform_indices = @transform_3, window_bounds = array<i64: 1, 2000, 128>}, {transform_indices = @transform_4, window_bounds = array<i64: 1, 2000, 128>}, {transform_indices = @transform_5, window_bounds = array<i64: 1, 2000, 128>}, {pipeline_mode = #tpu.pipeline_mode<synchronous>, transform_indices = @transform_6, window_bounds = array<i64: 256, 256>}, {pipeline_mode = #tpu.pipeline_mode<synchronous>, transform_indices = @transform_7, window_bounds = array<i64: 1, 256>}, {transform_indices = @transform_8, window_bounds = array<i64: 2, 2000, 128>}]} {
    %get3A = arith.constant 0 : index
    %get3A_0 = arith.constant 0 : index
    %get3A_1 = arith.constant 0 : index
    %get3A_2 = vector.load %arg5[%get3A, %get3A_0, %get3A_1] : memref<1x2000x128xf32, #tpu.memory_space<vmem>>, vector<1x2000x128xf32>
    %get3A_3 = vector.shape_cast %get3A_2 : vector<1x2000x128xf32> to vector<2000x128xf32>
    %slice3A = vector.extract_strided_slice %get3A_3 {offsets = [0, 0], sizes = [2000, 1], strides = [1, 1]} : vector<2000x128xf32> to vector<2000x1xf32>
    %get3A_4 = arith.constant 0 : index
    %get3A_5 = arith.constant 0 : index
    %get3A_6 = arith.constant 0 : index
    %get3A_7 = vector.load %arg6[%get3A_4, %get3A_5, %get3A_6] : memref<1x2000x128xf32, #tpu.memory_space<vmem>>, vector<1x2000x128xf32>
    %get3A_8 = vector.shape_cast %get3A_7 : vector<1x2000x128xf32> to vector<2000x128xf32>
    %slice3A_9 = vector.extract_strided_slice %get3A_8 {offsets = [0, 0], sizes = [2000, 1], strides = [1, 1]} : vector<2000x128xf32> to vector<2000x1xf32>
    %add3A = arith.addf %slice3A, %slice3A_9 : vector<2000x1xf32>
    %add3A_10 = arith.constant 1.000000e+00 : f32
    %add3A_11 = vector.broadcast %add3A_10 : f32 to vector<2000x1xf32>
    %add3A_12 = arith.addf %add3A, %add3A_11 : vector<2000x1xf32>
    %rsqrt3A = math.rsqrt %add3A_12 : vector<2000x1xf32>
    %get3A_13 = arith.constant 0 : index
    %get3A_14 = arith.constant 0 : index
    %get3A_15 = arith.constant 0 : index
    %get3A_16 = vector.load %arg1[%get3A_13, %get3A_14, %get3A_15] : memref<1x2000x128xf32, #tpu.memory_space<vmem>>, vector<1x2000x128xf32>
    %get3A_17 = vector.shape_cast %get3A_16 : vector<1x2000x128xf32> to vector<2000x128xf32>
    %get3A_18 = arith.constant 0 : index
    %get3A_19 = arith.constant 0 : index
    %get3A_20 = arith.constant 0 : index
    %get3A_21 = vector.load %arg3[%get3A_18, %get3A_19, %get3A_20] : memref<1x2000x128xf32, #tpu.memory_space<vmem>>, vector<1x2000x128xf32>
    %get3A_22 = vector.shape_cast %get3A_21 : vector<1x2000x128xf32> to vector<2000x128xf32>
    %add3A_23 = arith.addf %get3A_17, %get3A_22 : vector<2000x128xf32>
    %get3A_24 = arith.constant 0 : index
    %get3A_25 = arith.constant 0 : index
    %get3A_26 = arith.constant 0 : index
    %get3A_27 = vector.load %arg2[%get3A_24, %get3A_25, %get3A_26] : memref<1x2000x128xf32, #tpu.memory_space<vmem>>, vector<1x2000x128xf32>
    %get3A_28 = vector.shape_cast %get3A_27 : vector<1x2000x128xf32> to vector<2000x128xf32>
    %get3A_29 = arith.constant 0 : index
    %get3A_30 = arith.constant 0 : index
    %get3A_31 = arith.constant 0 : index
    %get3A_32 = vector.load %arg4[%get3A_29, %get3A_30, %get3A_31] : memref<1x2000x128xf32, #tpu.memory_space<vmem>>, vector<1x2000x128xf32>
    %get3A_33 = vector.shape_cast %get3A_32 : vector<1x2000x128xf32> to vector<2000x128xf32>
    %add3A_34 = arith.addf %get3A_28, %get3A_33 : vector<2000x128xf32>
    %concatenate3A = tpu.concatenate %add3A_23, %add3A_34 in 1 : vector<2000x128xf32>, vector<2000x128xf32> -> vector<2000x256xf32>
    %mul3A = vector.broadcast %rsqrt3A : vector<2000x1xf32> to vector<2000x256xf32>
    %mul3A_35 = arith.mulf %concatenate3A, %mul3A : vector<2000x256xf32>
    %get3A_36 = arith.constant 0 : index
    %get3A_37 = arith.constant 0 : index
    %get3A_38 = vector.load %arg8[%get3A_36, %get3A_37] : memref<1x256xf32, #tpu.memory_space<vmem>>, vector<1x256xf32>
    %add3A_39 = vector.broadcast %get3A_38 : vector<1x256xf32> to vector<2000x256xf32>
    %add3A_40 = arith.addf %mul3A_35, %add3A_39 : vector<2000x256xf32>
    %max3A = arith.constant 0.000000e+00 : f32
    %max3A_41 = vector.broadcast %max3A : f32 to vector<2000x256xf32>
    %max3A_42 = arith.maximumf %add3A_40, %max3A_41 : vector<2000x256xf32>
    %get3A_43 = arith.constant 0 : index
    %get3A_44 = arith.constant 0 : index
    %get3A_45 = vector.load %arg7[%get3A_43, %get3A_44] : memref<256x256xf32, #tpu.memory_space<vmem>>, vector<256x256xf32>
    %dot_general3A = arith.constant dense<0.000000e+00> : vector<2000x256xf32>
    %dot_general3A_46 = tpu.matmul %max3A_42, %get3A_45, %dot_general3A {dimension_numbers = #tpu.dot_dimension_numbers<[1], [0], [0], [1], [0, 0, 1, 1], [], []>, transpose_lhs_hint = false} : vector<2000x256xf32>, vector<256x256xf32>, vector<2000x256xf32> -> vector<2000x256xf32>
    %mul3A_47 = vector.broadcast %rsqrt3A : vector<2000x1xf32> to vector<2000x256xf32>
    %mul3A_48 = arith.mulf %dot_general3A_46, %mul3A_47 : vector<2000x256xf32>
    %slice3A_49 = vector.extract_strided_slice %mul3A_48 {offsets = [0, 0], sizes = [2000, 128], strides = [1, 1]} : vector<2000x256xf32> to vector<2000x128xf32>
    %swap3A = arith.constant 0 : index
    %swap3A_50 = arith.constant 0 : index
    %swap3A_51 = arith.constant 0 : index
    %swap3A_52 = vector.load %arg9[%swap3A, %swap3A_50, %swap3A_51] : memref<2x2000x128xf32, #tpu.memory_space<vmem>>, vector<1x2000x128xf32>
    %swap3A_53 = vector.shape_cast %swap3A_52 : vector<1x2000x128xf32> to vector<2000x128xf32>
    %swap3A_54 = vector.shape_cast %slice3A_49 : vector<2000x128xf32> to vector<1x2000x128xf32>
    tpu.vector_store %arg9[%swap3A, %swap3A_50, %swap3A_51], %swap3A_54 {strides = array<i32>} : memref<2x2000x128xf32, #tpu.memory_space<vmem>>, vector<1x2000x128xf32>,
    %slice3A_55 = vector.extract_strided_slice %mul3A_48 {offsets = [0, 128], sizes = [2000, 128], strides = [1, 1]} : vector<2000x256xf32> to vector<2000x128xf32>
    %swap3A_56 = arith.constant 1 : index
    %swap3A_57 = arith.constant 0 : index
    %swap3A_58 = arith.constant 0 : index
    %swap3A_59 = vector.load %arg9[%swap3A_56, %swap3A_57, %swap3A_58] : memref<2x2000x128xf32, #tpu.memory_space<vmem>>, vector<1x2000x128xf32>
    %swap3A_60 = vector.shape_cast %swap3A_59 : vector<1x2000x128xf32> to vector<2000x128xf32>
    %swap3A_61 = vector.shape_cast %slice3A_55 : vector<2000x128xf32> to vector<1x2000x128xf32>
    tpu.vector_store %arg9[%swap3A_56, %swap3A_57, %swap3A_58], %swap3A_61 {strides = array<i32>} : memref<2x2000x128xf32, #tpu.memory_space<vmem>>, vector<1x2000x128xf32>,
    return
  }
  func.func @transform_0(%arg0: i32) -> (i32, i32, i32) {
    %c0_i32 = arith.constant 0 : i32
    %c0_i32_0 = arith.constant 0 : i32
    %c0_i32_1 = arith.constant 0 : i32
    return %c0_i32, %arg0, %c0_i32_0 : i32, i32, i32
  }
  func.func @transform_1(%arg0: i32) -> (i32, i32, i32) {
    %c1_i32 = arith.constant 1 : i32
    %c0_i32 = arith.constant 0 : i32
    %c0_i32_0 = arith.constant 0 : i32
    return %c1_i32, %arg0, %c0_i32 : i32, i32, i32
  }
  func.func @transform_2(%arg0: i32) -> (i32, i32, i32) {
    %c0_i32 = arith.constant 0 : i32
    %c0_i32_0 = arith.constant 0 : i32
    %c0_i32_1 = arith.constant 0 : i32
    return %c0_i32, %arg0, %c0_i32_0 : i32, i32, i32
  }
  func.func @transform_3(%arg0: i32) -> (i32, i32, i32) {
    %c1_i32 = arith.constant 1 : i32
    %c0_i32 = arith.constant 0 : i32
    %c0_i32_0 = arith.constant 0 : i32
    return %c1_i32, %arg0, %c0_i32 : i32, i32, i32
  }
  func.func @transform_4(%arg0: i32) -> (i32, i32, i32) {
    %c0_i32 = arith.constant 0 : i32
    %c0_i32_0 = arith.constant 0 : i32
    %c0_i32_1 = arith.constant 0 : i32
    return %c0_i32, %arg0, %c0_i32_0 : i32, i32, i32
  }
  func.func @transform_5(%arg0: i32) -> (i32, i32, i32) {
    %c1_i32 = arith.constant 1 : i32
    %c0_i32 = arith.constant 0 : i32
    %c0_i32_0 = arith.constant 0 : i32
    return %c1_i32, %arg0, %c0_i32 : i32, i32, i32
  }
  func.func @transform_6(%arg0: i32) -> (i32, i32) {
    %c0_i32 = arith.constant 0 : i32
    %c0_i32_0 = arith.constant 0 : i32
    %c0_i32_1 = arith.constant 0 : i32
    return %c0_i32, %c0_i32_0 : i32, i32
  }
  func.func @transform_7(%arg0: i32) -> (i32, i32) {
    %c0_i32 = arith.constant 0 : i32
    %c0_i32_0 = arith.constant 0 : i32
    %c0_i32_1 = arith.constant 0 : i32
    return %c0_i32, %c0_i32_0 : i32, i32
  }
  func.func @transform_8(%arg0: i32) -> (i32, i32, i32) {
    %c0_i32 = arith.constant 0 : i32
    %c0_i32_0 = arith.constant 0 : i32
    %c0_i32_1 = arith.constant 0 : i32
    return %c0_i32, %arg0, %c0_i32_0 : i32, i32, i32
  }
}

module attributes {stable_mosaic.version = 14 : i64} {
  func.func @_k0_body(%arg0: i32, %arg1: memref<2000x256xf32, #tpu.memory_space<vmem>>, %arg2: memref<256x256xf32, #tpu.memory_space<vmem>>, %arg3: memref<1x2000x128xf32, #tpu.memory_space<vmem>>, %arg4: memref<1x2000x128xf32, #tpu.memory_space<vmem>>, %arg5: memref<2x2000x128xf32, #tpu.memory_space<vmem>>) attributes {dimension_semantics = [#tpu.dimension_semantics<arbitrary>], iteration_bounds = array<i64: 5>, scalar_prefetch = 0 : i64, scratch_operands = 0 : i64, tpu.core_type = #tpu.core_type<tc>, window_params = [{transform_indices = @transform_0, window_bounds = array<i64: 2000, 256>}, {pipeline_mode = #tpu.pipeline_mode<synchronous>, transform_indices = @transform_1, window_bounds = array<i64: 256, 256>}, {transform_indices = @transform_2, window_bounds = array<i64: 1, 2000, 128>}, {transform_indices = @transform_3, window_bounds = array<i64: 1, 2000, 128>}, {transform_indices = @transform_4, window_bounds = array<i64: 2, 2000, 128>}]} {
    %get3A = arith.constant 0 : index
    %get3A_0 = arith.constant 0 : index
    %get3A_1 = arith.constant 0 : index
    %get3A_2 = vector.load %arg3[%get3A, %get3A_0, %get3A_1] : memref<1x2000x128xf32, #tpu.memory_space<vmem>>, vector<1x2000x128xf32>
    %get3A_3 = vector.shape_cast %get3A_2 : vector<1x2000x128xf32> to vector<2000x128xf32>
    %slice3A = vector.extract_strided_slice %get3A_3 {offsets = [0, 0], sizes = [2000, 1], strides = [1, 1]} : vector<2000x128xf32> to vector<2000x1xf32>
    %get3A_4 = arith.constant 0 : index
    %get3A_5 = arith.constant 0 : index
    %get3A_6 = arith.constant 0 : index
    %get3A_7 = vector.load %arg4[%get3A_4, %get3A_5, %get3A_6] : memref<1x2000x128xf32, #tpu.memory_space<vmem>>, vector<1x2000x128xf32>
    %get3A_8 = vector.shape_cast %get3A_7 : vector<1x2000x128xf32> to vector<2000x128xf32>
    %slice3A_9 = vector.extract_strided_slice %get3A_8 {offsets = [0, 0], sizes = [2000, 1], strides = [1, 1]} : vector<2000x128xf32> to vector<2000x1xf32>
    %add3A = arith.addf %slice3A, %slice3A_9 : vector<2000x1xf32>
    %add3A_10 = arith.constant 1.000000e+00 : f32
    %add3A_11 = vector.broadcast %add3A_10 : f32 to vector<2000x1xf32>
    %add3A_12 = arith.addf %add3A, %add3A_11 : vector<2000x1xf32>
    %rsqrt3A = math.rsqrt %add3A_12 : vector<2000x1xf32>
    %get3A_13 = arith.constant 0 : index
    %get3A_14 = arith.constant 0 : index
    %get3A_15 = vector.load %arg1[%get3A_13, %get3A_14] : memref<2000x256xf32, #tpu.memory_space<vmem>>, vector<2000x256xf32>
    %get3A_16 = arith.constant 0 : index
    %get3A_17 = arith.constant 0 : index
    %get3A_18 = vector.load %arg2[%get3A_16, %get3A_17] : memref<256x256xf32, #tpu.memory_space<vmem>>, vector<256x256xf32>
    %dot_general3A = arith.constant dense<0.000000e+00> : vector<2000x256xf32>
    %dot_general3A_19 = tpu.matmul %get3A_15, %get3A_18, %dot_general3A {dimension_numbers = #tpu.dot_dimension_numbers<[1], [0], [0], [1], [0, 0, 1, 1], [], []>, transpose_lhs_hint = false} : vector<2000x256xf32>, vector<256x256xf32>, vector<2000x256xf32> -> vector<2000x256xf32>
    %mul3A = vector.broadcast %rsqrt3A : vector<2000x1xf32> to vector<2000x256xf32>
    %mul3A_20 = arith.mulf %dot_general3A_19, %mul3A : vector<2000x256xf32>
    %slice3A_21 = vector.extract_strided_slice %mul3A_20 {offsets = [0, 0], sizes = [2000, 128], strides = [1, 1]} : vector<2000x256xf32> to vector<2000x128xf32>
    %swap3A = arith.constant 0 : index
    %swap3A_22 = arith.constant 0 : index
    %swap3A_23 = arith.constant 0 : index
    %swap3A_24 = vector.load %arg5[%swap3A, %swap3A_22, %swap3A_23] : memref<2x2000x128xf32, #tpu.memory_space<vmem>>, vector<1x2000x128xf32>
    %swap3A_25 = vector.shape_cast %swap3A_24 : vector<1x2000x128xf32> to vector<2000x128xf32>
    %swap3A_26 = vector.shape_cast %slice3A_21 : vector<2000x128xf32> to vector<1x2000x128xf32>
    tpu.vector_store %arg5[%swap3A, %swap3A_22, %swap3A_23], %swap3A_26 {strides = array<i32>} : memref<2x2000x128xf32, #tpu.memory_space<vmem>>, vector<1x2000x128xf32>,
    %slice3A_27 = vector.extract_strided_slice %mul3A_20 {offsets = [0, 128], sizes = [2000, 128], strides = [1, 1]} : vector<2000x256xf32> to vector<2000x128xf32>
    %swap3A_28 = arith.constant 1 : index
    %swap3A_29 = arith.constant 0 : index
    %swap3A_30 = arith.constant 0 : index
    %swap3A_31 = vector.load %arg5[%swap3A_28, %swap3A_29, %swap3A_30] : memref<2x2000x128xf32, #tpu.memory_space<vmem>>, vector<1x2000x128xf32>
    %swap3A_32 = vector.shape_cast %swap3A_31 : vector<1x2000x128xf32> to vector<2000x128xf32>
    %swap3A_33 = vector.shape_cast %slice3A_27 : vector<2000x128xf32> to vector<1x2000x128xf32>
    tpu.vector_store %arg5[%swap3A_28, %swap3A_29, %swap3A_30], %swap3A_33 {strides = array<i32>} : memref<2x2000x128xf32, #tpu.memory_space<vmem>>, vector<1x2000x128xf32>,
    return
  }
  func.func @transform_0(%arg0: i32) -> (i32, i32) {
    %c0_i32 = arith.constant 0 : i32
    %c0_i32_0 = arith.constant 0 : i32
    return %arg0, %c0_i32 : i32, i32
  }
  func.func @transform_1(%arg0: i32) -> (i32, i32) {
    %c0_i32 = arith.constant 0 : i32
    %c0_i32_0 = arith.constant 0 : i32
    %c0_i32_1 = arith.constant 0 : i32
    return %c0_i32, %c0_i32_0 : i32, i32
  }
  func.func @transform_2(%arg0: i32) -> (i32, i32, i32) {
    %c0_i32 = arith.constant 0 : i32
    %c0_i32_0 = arith.constant 0 : i32
    %c0_i32_1 = arith.constant 0 : i32
    return %c0_i32, %arg0, %c0_i32_0 : i32, i32, i32
  }
  func.func @transform_3(%arg0: i32) -> (i32, i32, i32) {
    %c1_i32 = arith.constant 1 : i32
    %c0_i32 = arith.constant 0 : i32
    %c0_i32_0 = arith.constant 0 : i32
    return %c1_i32, %arg0, %c0_i32 : i32, i32, i32
  }
  func.func @transform_4(%arg0: i32) -> (i32, i32, i32) {
    %c0_i32 = arith.constant 0 : i32
    %c0_i32_0 = arith.constant 0 : i32
    %c0_i32_1 = arith.constant 0 : i32
    return %c0_i32, %arg0, %c0_i32_0 : i32, i32, i32
  }
}

module attributes {stable_mosaic.version = 14 : i64} {
  func.func @_k2_body(%arg0: i32, %arg1: memref<1x2000x128xf32, #tpu.memory_space<vmem>>, %arg2: memref<1x2000x128xf32, #tpu.memory_space<vmem>>, %arg3: memref<1x2000x128xf32, #tpu.memory_space<vmem>>, %arg4: memref<1x2000x128xf32, #tpu.memory_space<vmem>>, %arg5: memref<1x2000x128xf32, #tpu.memory_space<vmem>>, %arg6: memref<1x2000x128xf32, #tpu.memory_space<vmem>>, %arg7: memref<1x256xf32, #tpu.memory_space<vmem>>, %arg8: memref<2000x256xf32, #tpu.memory_space<vmem>>) attributes {dimension_semantics = [#tpu.dimension_semantics<arbitrary>], iteration_bounds = array<i64: 5>, scalar_prefetch = 0 : i64, scratch_operands = 0 : i64, tpu.core_type = #tpu.core_type<tc>, window_params = [{transform_indices = @transform_0, window_bounds = array<i64: 1, 2000, 128>}, {transform_indices = @transform_1, window_bounds = array<i64: 1, 2000, 128>}, {transform_indices = @transform_2, window_bounds = array<i64: 1, 2000, 128>}, {transform_indices = @transform_3, window_bounds = array<i64: 1, 2000, 128>}, {transform_indices = @transform_4, window_bounds = array<i64: 1, 2000, 128>}, {transform_indices = @transform_5, window_bounds = array<i64: 1, 2000, 128>}, {pipeline_mode = #tpu.pipeline_mode<synchronous>, transform_indices = @transform_6, window_bounds = array<i64: 1, 256>}, {transform_indices = @transform_7, window_bounds = array<i64: 2000, 256>}]} {
    %get3A = arith.constant 0 : index
    %get3A_0 = arith.constant 0 : index
    %get3A_1 = arith.constant 0 : index
    %get3A_2 = vector.load %arg5[%get3A, %get3A_0, %get3A_1] : memref<1x2000x128xf32, #tpu.memory_space<vmem>>, vector<1x2000x128xf32>
    %get3A_3 = vector.shape_cast %get3A_2 : vector<1x2000x128xf32> to vector<2000x128xf32>
    %slice3A = vector.extract_strided_slice %get3A_3 {offsets = [0, 0], sizes = [2000, 1], strides = [1, 1]} : vector<2000x128xf32> to vector<2000x1xf32>
    %get3A_4 = arith.constant 0 : index
    %get3A_5 = arith.constant 0 : index
    %get3A_6 = arith.constant 0 : index
    %get3A_7 = vector.load %arg6[%get3A_4, %get3A_5, %get3A_6] : memref<1x2000x128xf32, #tpu.memory_space<vmem>>, vector<1x2000x128xf32>
    %get3A_8 = vector.shape_cast %get3A_7 : vector<1x2000x128xf32> to vector<2000x128xf32>
    %slice3A_9 = vector.extract_strided_slice %get3A_8 {offsets = [0, 0], sizes = [2000, 1], strides = [1, 1]} : vector<2000x128xf32> to vector<2000x1xf32>
    %add3A = arith.addf %slice3A, %slice3A_9 : vector<2000x1xf32>
    %add3A_10 = arith.constant 1.000000e+00 : f32
    %add3A_11 = vector.broadcast %add3A_10 : f32 to vector<2000x1xf32>
    %add3A_12 = arith.addf %add3A, %add3A_11 : vector<2000x1xf32>
    %rsqrt3A = math.rsqrt %add3A_12 : vector<2000x1xf32>
    %get3A_13 = arith.constant 0 : index
    %get3A_14 = arith.constant 0 : index
    %get3A_15 = arith.constant 0 : index
    %get3A_16 = vector.load %arg1[%get3A_13, %get3A_14, %get3A_15] : memref<1x2000x128xf32, #tpu.memory_space<vmem>>, vector<1x2000x128xf32>
    %get3A_17 = vector.shape_cast %get3A_16 : vector<1x2000x128xf32> to vector<2000x128xf32>
    %get3A_18 = arith.constant 0 : index
    %get3A_19 = arith.constant 0 : index
    %get3A_20 = arith.constant 0 : index
    %get3A_21 = vector.load %arg3[%get3A_18, %get3A_19, %get3A_20] : memref<1x2000x128xf32, #tpu.memory_space<vmem>>, vector<1x2000x128xf32>
    %get3A_22 = vector.shape_cast %get3A_21 : vector<1x2000x128xf32> to vector<2000x128xf32>
    %add3A_23 = arith.addf %get3A_17, %get3A_22 : vector<2000x128xf32>
    %get3A_24 = arith.constant 0 : index
    %get3A_25 = arith.constant 0 : index
    %get3A_26 = arith.constant 0 : index
    %get3A_27 = vector.load %arg2[%get3A_24, %get3A_25, %get3A_26] : memref<1x2000x128xf32, #tpu.memory_space<vmem>>, vector<1x2000x128xf32>
    %get3A_28 = vector.shape_cast %get3A_27 : vector<1x2000x128xf32> to vector<2000x128xf32>
    %get3A_29 = arith.constant 0 : index
    %get3A_30 = arith.constant 0 : index
    %get3A_31 = arith.constant 0 : index
    %get3A_32 = vector.load %arg4[%get3A_29, %get3A_30, %get3A_31] : memref<1x2000x128xf32, #tpu.memory_space<vmem>>, vector<1x2000x128xf32>
    %get3A_33 = vector.shape_cast %get3A_32 : vector<1x2000x128xf32> to vector<2000x128xf32>
    %add3A_34 = arith.addf %get3A_28, %get3A_33 : vector<2000x128xf32>
    %concatenate3A = tpu.concatenate %add3A_23, %add3A_34 in 1 : vector<2000x128xf32>, vector<2000x128xf32> -> vector<2000x256xf32>
    %mul3A = vector.broadcast %rsqrt3A : vector<2000x1xf32> to vector<2000x256xf32>
    %mul3A_35 = arith.mulf %concatenate3A, %mul3A : vector<2000x256xf32>
    %get3A_36 = arith.constant 0 : index
    %get3A_37 = arith.constant 0 : index
    %get3A_38 = vector.load %arg7[%get3A_36, %get3A_37] : memref<1x256xf32, #tpu.memory_space<vmem>>, vector<1x256xf32>
    %add3A_39 = vector.broadcast %get3A_38 : vector<1x256xf32> to vector<2000x256xf32>
    %add3A_40 = arith.addf %mul3A_35, %add3A_39 : vector<2000x256xf32>
    %swap3A = arith.constant 0 : index
    %swap3A_41 = arith.constant 0 : index
    %swap3A_42 = vector.load %arg8[%swap3A, %swap3A_41] : memref<2000x256xf32, #tpu.memory_space<vmem>>, vector<2000x256xf32>
    tpu.vector_store %arg8[%swap3A, %swap3A_41], %add3A_40 {strides = array<i32>} : memref<2000x256xf32, #tpu.memory_space<vmem>>, vector<2000x256xf32>,
    return
  }
  func.func @transform_0(%arg0: i32) -> (i32, i32, i32) {
    %c0_i32 = arith.constant 0 : i32
    %c0_i32_0 = arith.constant 0 : i32
    %c0_i32_1 = arith.constant 0 : i32
    return %c0_i32, %arg0, %c0_i32_0 : i32, i32, i32
  }
  func.func @transform_1(%arg0: i32) -> (i32, i32, i32) {
    %c1_i32 = arith.constant 1 : i32
    %c0_i32 = arith.constant 0 : i32
    %c0_i32_0 = arith.constant 0 : i32
    return %c1_i32, %arg0, %c0_i32 : i32, i32, i32
  }
  func.func @transform_2(%arg0: i32) -> (i32, i32, i32) {
    %c0_i32 = arith.constant 0 : i32
    %c0_i32_0 = arith.constant 0 : i32
    %c0_i32_1 = arith.constant 0 : i32
    return %c0_i32, %arg0, %c0_i32_0 : i32, i32, i32
  }
  func.func @transform_3(%arg0: i32) -> (i32, i32, i32) {
    %c1_i32 = arith.constant 1 : i32
    %c0_i32 = arith.constant 0 : i32
    %c0_i32_0 = arith.constant 0 : i32
    return %c1_i32, %arg0, %c0_i32 : i32, i32, i32
  }
  func.func @transform_4(%arg0: i32) -> (i32, i32, i32) {
    %c0_i32 = arith.constant 0 : i32
    %c0_i32_0 = arith.constant 0 : i32
    %c0_i32_1 = arith.constant 0 : i32
    return %c0_i32, %arg0, %c0_i32_0 : i32, i32, i32
  }
  func.func @transform_5(%arg0: i32) -> (i32, i32, i32) {
    %c1_i32 = arith.constant 1 : i32
    %c0_i32 = arith.constant 0 : i32
    %c0_i32_0 = arith.constant 0 : i32
    return %c1_i32, %arg0, %c0_i32 : i32, i32, i32
  }
  func.func @transform_6(%arg0: i32) -> (i32, i32) {
    %c0_i32 = arith.constant 0 : i32
    %c0_i32_0 = arith.constant 0 : i32
    %c0_i32_1 = arith.constant 0 : i32
    return %c0_i32, %c0_i32_0 : i32, i32
  }
  func.func @transform_7(%arg0: i32) -> (i32, i32) {
    %c0_i32 = arith.constant 0 : i32
    %c0_i32_0 = arith.constant 0 : i32
    return %arg0, %c0_i32 : i32, i32
  }
}

</mosaic_0001>

<sc_bundles>
// kernel: kernel.11.cloned.1.call-start
scs
__scs_entry_jumppad:
0x0: {  	(pc) =	sbr.rel $0x88, $3  }
0x1: {  	(tag) =	ssettag $0x0;
	lr =	simm.s32 $0x1  }
0x2: {  	[smem:$0x3F9B] =	sst lr;
	_ =	strace $0xD0000000  }
0x3: {  	_ = 	snop  }
0x4: {  	_ = 	snop  }
0x5: {  	_ = 	snop  }
0x6: {  	_ = 	snop  }
0x7: {  	_ = 	snop  }
__scs_overlays_trampoline_lowered:
0x8: {  	[smem:$0x3FAA] =	sst s0  }
0x9: {  	[smem:$0x3FAB] =	sst s1  }
0xa: {  	[smem:$0x3FAC] =	sst s2  }
0xb: {  	[smem:$0x3FAD] =	sst s3  }
0xc: {  	[smem:$0x3FAE] =	sst s4  }
0xd: {  	[smem:$0x3FAF] =	sst s5  }
0xe: {  	[smem:$0x3FB0] =	sst s6  }
0xf: {  	[smem:$0x3FB1] =	sst s7  }
0x10: {  	[smem:$0x3FB2] =	sst s8  }
0x11: {  	[smem:$0x3FB3] =	sst s9;
	s0 =	simm.s32 @!p0 $0x0  }
0x12: {  	s1 =	sld [smem:$0x3F99];
	s0 =	simm.s32 @p0 $0x1  }
0x13: {  	[smem:$0x3FB4] =	sst s0;
	s0 =	simm.s32 @!p1 $0x0  }
0x14: {  	s2 =	sld [smem:$0x3F98];
	s0 =	simm.s32 @p1 $0x1  }
0x15: {  	[smem:$0x3FB5] =	sst s0;
	s0 =	simm.s32 @!p2 $0x0  }
0x16: {  	s3 =	sld [smem:$0x3FDB];
	s0 =	simm.s32 @p2 $0x1  }
0x17: {  	s4 =	simm.s32 $0x1BF5;
	[smem:$0x3FB7] =	sst s0  }
0x18: {  	s0 =	sld [smem:$0x3F9A];
	_ =	swait.ge [sflag:s4], $0x0  }
0x19: {  	s7 =	sld [smem:$0x3F9B]  }
0x1a: {  	s8 =	sadd.s32 $0xFFFFE003, lr  }
0x1b: {  	s9 =	sadd.s32 $0xFFFFFEF7, lr;
	s5 =	simm.s32 $0xFFFFFFFF;
	p2 =	slt.u32 s8, $0xFFFFF086  }
0x1c: {  	p1 =	slt.u32 s9, $0xF7A;
	s5 =	simm.s32 @!p2 $0x0  }
0x1d: {  	s5 =	simm.s32 @p1 $0x1;
	p0 =	seq.s32 s7, s2  }
0x1e: {  	s7 =	smul.u32 @!p0 $0xF7A, s2;
	p2 =	seq.s32 @!p0 s5, $0x0  }
0x1f: {  	s9 =	smul.u32 $0xF7A, s1;
	s8 =	simm.s32 @!p0 $0x1BF5;
	p2 =	por !p2, p0  }
0x20: {  	[sflag:s8] =	ssyncset.s32 @!p0 $0xFFFFF086;
	s6 =	sadd.s32 @!p0 s3, s7;
	s7 =	simm.s32 @!p0 $0x108  }
0x21: {  	s3 =	sadd.s32 s3, s9;
	s6 =	sadd.s32 @!p0 $0x88, s6;
	s7 =	simm.s32 @p2 $0x1082  }
0x22: {  	[simem:s7], [sflag:s8] =	dma.local @!p0 [hbm:s6], $0xF7A  }
0x23: {  	s9 =	sor.u32 $0xD0000000, s2;
	s6 =	simm.s32 $0x108;
	_ =	swait.ge @!p0 [sflag:s8], $0x0  }
0x24: {  	s3 =	sadd.s32 $0x88, s3;
	s6 =	simm.s32 @!p1 $0x1082;
	[sflag:s4] =	ssyncset.s32 $0xFFFFF086  }
0x25: {  	[simem:s6], [sflag:s4] =	dma.local [hbm:s3], $0xF7A  }
0x26: {  	[smem:$0x3F9B] =	sst s1;
	(tag) =	ssettag s2;
	_ =	strace s9  }
0x27: {  	s1 =	sld [smem:$0x3FAB]  }
0x28: {  	s2 =	sld [smem:$0x3FAC]  }
0x29: {  	s4 =	sld [smem:$0x3FAE]  }
0x2a: {  	p0 =	seq.s32 s5, $0x0;
	s5 =	sld [smem:$0x3FAF]  }
0x2b: {  	s6 =	sld [smem:$0x3FB0]  }
0x2c: {  	s7 =	sld [smem:$0x3FB1]  }
0x2d: {  	s3 =	simm.s32 $0x108;
	s8 =	sld [smem:$0x3FB2]  }
0x2e: {  	s3 =	simm.s32 @!p0 $0x1082;
	s9 =	sld [smem:$0x3FB3]  }
0x2f: {  	lr =	sadd.s32 s0, s3;
	s0 =	sld [smem:$0x3FAA]  }
0x30: {  	s3 =	sld [smem:$0x3FAD]  }
0x31: {  	[smem:$0x3FB6] =	sst s10  }
0x32: {  	s10 =	sld [smem:$0x3FB4];
	_ =	sdelay $0x3  }
0x33: {  	p0 =	seq.s32 s10, $0x1;
	s10 =	sld [smem:$0x3FB6];
	_ =	sdelay $0x3  }
0x34: {  	[smem:$0x3FB6] =	sst s10  }
0x35: {  	s10 =	sld [smem:$0x3FB5];
	_ =	sdelay $0x3  }
0x36: {  	p1 =	seq.s32 s10, $0x1;
	s10 =	sld [smem:$0x3FB6];
	_ =	sdelay $0x3  }
0x37: {  	[smem:$0x3FB6] =	sst s10  }
0x38: {  	s10 =	sld [smem:$0x3FB7]  }
0x39: {  	_ = 	snop;
	(pc) =	sbr.ind lr, $3  }
0x3a: {  	_ = 	snop  }
0x3b: {  	_ = 	snop  }
0x3c: {  	p2 =	seq.s32 s10, $0x1;
	s10 =	sld [smem:$0x3FB6]  }
0x3d: {  	_ =	shalt  }
0x3e: {  	_ =	shalt  }
0x3f: {  	_ =	shalt  }
0x40: {  	_ =	shalt  }
0x41: {  	_ =	shalt  }
0x42: {  	_ =	shalt  }
0x43: {  	_ =	shalt  }
0x44: {  	_ =	shalt  }
0x45: {  	_ =	shalt  }
0x46: {  	_ =	shalt  }
0x47: {  	_ =	shalt  }
0x48: {  	_ =	shalt  }
0x49: {  	_ =	shalt  }
0x4a: {  	_ =	shalt  }
0x4b: {  	_ =	shalt  }
0x4c: {  	_ =	shalt  }
0x4d: {  	_ =	shalt  }
0x4e: {  	_ =	shalt  }
0x4f: {  	_ =	shalt  }
0x50: {  	_ =	shalt  }
0x51: {  	_ =	shalt  }
0x52: {  	_ =	shalt  }
0x53: {  	_ =	shalt  }
0x54: {  	_ =	shalt  }
0x55: {  	_ =	shalt  }
0x56: {  	_ =	shalt  }
0x57: {  	_ =	shalt  }
0x58: {  	_ =	shalt  }
0x59: {  	_ =	shalt  }
0x5a: {  	_ =	shalt  }
0x5b: {  	_ =	shalt  }
0x5c: {  	_ =	shalt  }
0x5d: {  	_ =	shalt  }
0x5e: {  	_ =	shalt  }
0x5f: {  	_ =	shalt  }
0x60: {  	_ =	shalt  }
0x61: {  	_ =	shalt  }
0x62: {  	_ =	shalt  }
0x63: {  	_ =	shalt  }
0x64: {  	_ =	shalt  }
0x65: {  	_ =	shalt  }
0x66: {  	_ =	shalt  }
0x67: {  	_ =	shalt  }
0x68: {  	_ =	shalt  }
0x69: {  	_ =	shalt  }
0x6a: {  	_ =	shalt  }
0x6b: {  	_ =	shalt  }
0x6c: {  	_ =	shalt  }
0x6d: {  	_ =	shalt  }
0x6e: {  	_ =	shalt  }
0x6f: {  	_ =	shalt  }
0x70: {  	_ =	shalt  }
0x71: {  	_ =	shalt  }
0x72: {  	_ =	shalt  }
0x73: {  	_ =	shalt  }
0x74: {  	_ =	shalt  }
0x75: {  	_ =	shalt  }
0x76: {  	_ =	shalt  }
0x77: {  	_ =	shalt  }
0x78: {  	_ =	shalt  }
0x79: {  	_ =	shalt  }
0x7a: {  	_ =	shalt  }
0x7b: {  	_ =	shalt  }
0x7c: {  	_ =	shalt  }
0x7d: {  	_ =	shalt  }
0x7e: {  	_ =	shalt  }
0x7f: {  	_ =	shalt  }
0x80: {  	_ =	shalt  }
0x81: {  	_ =	shalt  }
0x82: {  	_ =	shalt  }
0x83: {  	_ =	shalt  }
0x84: {  	_ =	shalt  }
0x85: {  	_ =	shalt  }
0x86: {  	_ =	shalt  }
0x87: {  	_ =	shalt  }
.Lfunc_end0:
.L_simem_size_0:
called_computation.1_lowered:
.L_overlay_start_0:
0x88: {  	s2 =	sld [smem:$0x3FD9]  }
0x89: {  	s3 =	sld [smem:$0x3FFE];
	_ =	sdelay $0x1  }
0x8a: {  	s1 =	srdreg.scid  }
0x8b: {  	s0 =	sand.u32 $0x1, s1  }
0x8c: {  	s17 =	sshll.u32 s0, $0xA;
	s2 =	sadd.s32 s3, s2  }
0x8d: {  	s2 =	sadd.s32 s2, s17  }
0x8e: {  	[smem:$0x3FC2] =	sst s2  }
0x8f: {  	_ = 	snop  }
0x90: {  	s2 =	sld [smem:$0x3FD0];
	(tm) =	ssettm $0x1  }
0x91: {  	s18 =	sld [smem:$0x3FFB];
	_ =	sdelay $0x3  }
0x92: {  	_ =	strace s18  }
0x93: {  	s3 =	sld [smem:$0x3FFC];
	_ =	sdelay $0x3  }
0x94: {  	_ =	strace s3  }
0x95: {  	s3 =	sld [smem:$0x3FFD];
	_ =	sdelay $0x3  }
0x96: {  	_ =	strace s3  }
0x97: {  	_ =	strace $0x8FFFFFFF  }
0x98: {  	s19 =	sld [smem:$0x3FDB];
	_ =	sdelay $0x1  }
0x99: {  	s4 =	simm.s32 $_scs_section_size  }
0x9a: {  	s5 =	simm.s32 $_size__tile_overlayer_lowered;
	s6 =	simm.s32 $_tile_overlayer_lowered  }
0x9b: {  	s22 =	simm.s32 $0x1BFF;
	s21 =	sshll.u32 s6, $0x1;
	s3 =	sadd.s32 s4, s19  }
0x9c: {  	s7 =	simm.s32 $0x0;
	s20 =	sshll.u32 s5, $0x1;
	s5 =	sadd.s32 s21, s3  }
0x9d: {  	[timem:s7], [sflag:s22] =	dma.local [hbm:s5], s20  }
0x9e: {  	_ =	swait.ge [sflag:s22], s20  }
0x9f: {  	s4 =	ssub.s32 $0x0, s20;
	[sflag:s22] =	ssyncset.done $0x0  }
0xa0: {  	[sflag:s22] =	ssyncadd.s32 s4;
	_ =	sdelay $0x1  }
0xa1: {  	s23 =	simm.s32 $0x1B8B  }
0xa2: {  	_ =	swait.ge [sflag:s23], $0x1  }
0xa3: {  	[sflag:s23] =	ssyncset.done $0x0  }
0xa4: {  	s25 =	simm.s32 $0x1B8E;
	s24 =	sld [smem:$0x3FFE];
	[sflag:s23] =	ssyncadd.s32 $0xFFFFFFFF  }
0xa5: {  	s26 =	simm.s32 $execute0_lowered;
	[smem:$0x3FD2] =	sst s25  }
0xa6: {  	s5 =	sshll.u32 s26, $0x1;
	_ =	strace $0x80000049;
	[dreg:$0x1] =	wrdreg $0xFFFFFFFF  }
0xa7: {  	s28 =	simm.s32 $_size_execute0_lowered;
	s3 =	sadd.s32 s3, s5;
	[dreg:$0x0] =	wrdreg $0x0  }
0xa8: {  	s5 =	sshll.u32 s28, $0x1;
	[dreg:$0x2] =	wrdreg s3  }
0xa9: {  	[dreg:$0x3] =	wrdreg s5  }
0xaa: {  	[dreg:$0x4] =	wrdreg $0xC0  }
0xab: {  	_ =	task [dreg:s7], $0x5FFFF  }
0xac: {  	[dreg:$0x1] =	wrdreg $0xFFFFFFFF  }
0xad: {  	[dreg:$0x0] =	wrdreg $0x60  }
0xae: {  	[dreg:$0x2] =	wrdreg s24  }
0xaf: {  	[dreg:$0x3] =	wrdreg s2  }
0xb0: {  	[dreg:$0x4] =	wrdreg $0xA8000  }
0xb1: {  	[dreg:$0x5] =	wrdreg $0x9  }
0xb2: {  	_ =	task.clear_ibuf [dreg:s7], $0x6FFFF;
	_ =	strace $0x90000049  }
0xb3: {  	s29 =	simm.s32 $0x9;
	_ =	strace $0x8000004B  }
0xb4: {  	_ =	swait.ge [sflag:s29], $0x1  }
0xb5: {  	[sflag:s29] =	ssyncadd.s32 $0xFFFFFFFF  }
0xb6: {  	_ =	strace $0x9000004B  }
0xb7: {  	_ =	sfence  }
0xb8: {  	s30 =	sld [smem:$0x0];
	_ =	sdelay $0x2  }
0xb9: {  	s31 =	sshll.u32 s1, $0xD;
	s1 =	sshrl.u32 s1, $0x2  }
0xba: {  	s3 =	sand.u32 $0x4000, s31;
	s1 =	sadd.s32 s1, s30  }
0xbb: {  	s0 =	sor.u32 s3, s0;
	s1 =	sshll.u32 s1, $0x11  }
0xbc: {  	s0 =	sor.u32 s1, s0  }
0xbd: {  	s0 =	sadd.s32 $0x8F2B, s0  }
0xbe: {  	[sflag:s0] =	ssyncadd.remote.s32 $0x1  }
0xbf: {  	_ =	sfence.sel $0xFFFF  }
0xc0: {  	[dreg:$0x0] =	wrdreg $0xFFFFFFFF;
	(pc) =	sbr.abs _section_cstart, $3  }
0xc1: {  	[dreg:$0x1] =	wrdreg $0xFFFFFFFF  }
0xc2: {  	_ =	task.clear_ibuf [dreg:s7], $0x2FFFF;
	_ =	strace $0x9FFFFFFF  }
0xc3: {  	(tm) =	ssettm $0x7FFFFFFF  }
tec
execute0_lowered:
.L_overlay_start_1:
0x0: {  	(tag) =	ssettag $0x1  }
0x1: {  	s5 =	rddreg [dreg:$0x0]  }
0x2: {  	s13 =	rddreg [dreg:$0x1]  }
0x3: {  	s1 =	rddreg [dreg:$0x2];
	s2 =	srdreg.scid;
	s3 =	simm.s32 $0x0  }
0x4: {  	s17 =	simm.s32 $0x1400;
	s18 =	simm.s32 $0x80;
	s19 =	simm.s32 $0x2800  }
0x5: {  	s20 =	simm.s32 $0x6800;
	s21 =	simm.s32 $0x1;
	s6 =	sand.u32 $0x1, s2  }
0x6: {  	s22 =	simm.s32 $0x2;
	s2 =	stileid.u32;
	s24 =	smul.u32 $0x2800, s6  }
0x7: {  	s23 =	simm.s32 $0x1380;
	s25 =	simm.s32 $0x2780;
	s7 =	smul.u32 $0x280, s2  }
0x8: {  	s26 =	simm.s32 $0x0;
	[smem:$0x7FF] =	sst s3;
	s8 =	smul.u32 $0x50000, s2  }
0x9: {  	s4 =	sadd.s32 $0x57200, s5;
	s6 =	ssub.s32 $0x2, s6;
	s31 =	smul.u32 $0x500, s2  }
0xa: {  	s12 =	sadd.s32 $0x52200, s5;
	s10 =	smul.u32 $0x2800, s2;
	s30 =	sshrl.u32 s6, $0x1  }
0xb: {  	_ =	strace $0x8000004A;
	s7 =	sadd.s32 s7, s24;
	s15 =	ssub.s32 s6, s30  }
0xc: {  	s8 =	sshrl.u32 s8, $0x2;
	s6 =	sadd.s32 s13, s31;
	s16 =	sshrl.u32 s10, $0x3  }
0xd: {  	v0 =	vmov s24;
	s24 =	simm.s32 $0x2700;
	s7 =	sshll.u32 s7, $0x4;
	s16 =	sadd.s32 $0x280, s16  }
0xe: {  	s15 =	smax.u32 s15, $0x1;
	s14 =	sadd.s32 s7, s5;
	s5 =	sadd.s32 s12, s31  }
0xf: {  	s7 =	sadd.s32 s8, s1;
	s12 =	sadd.s32 s12, s16;
	s13 =	sadd.s32 s13, s16  }
0x10: {  	s16 =	simm.s32 $0x3;
	s8 =	sadd.s32 $0x4000, s7;
	s9 =	sadd.s32 $0x8000, s7  }
0x11: {  	v1 =	vimm.f32 $0.0e+00;
	s10 =	sadd.s32 $0xC000, s7;
	s11 =	sadd.s32 $0x10000, s7;
	s14 =	sadd.s32 $0xA7200, s14  }
.LBB2_1:
0x12: {  	[tilespmem:s3], [sflag:$0x3] =	stream.linear.gather [hbm4b:s5+s3], $0x1400, $0x38;
	[tilespmem:$0x1E800] =	vst v63  }
0x13: {  	_ =	swait.ge [sflag:s16], $0x1400  }
0x14: {  	[sflag:s16] =	ssyncset.done $0x0  }
0x15: {  	[sflag:s16] =	ssyncadd.s32 $0xFFFFEC00  }
0x16: {  	[tilespmem:s17], [sflag:$0x3] =	stream.linear.gather [hbm4b:s6+s3], $0x1400, $0x38;
	[tilespmem:$0x1E800] =	vst v63  }
0x17: {  	_ =	swait.ge [sflag:s16], $0x1400  }
0x18: {  	[sflag:s16] =	ssyncset.done $0x0  }
0x19: {  	s28 =	simm.s32 $0x0;
	[sflag:s16] =	ssyncadd.s32 $0xFFFFEC00  }
0x1a: {  	v4 =	vld [tilespmem:s28+$0x0]  }
0x1b: {  	v6 =	vld [tilespmem:s28+$0x10]  }
0x1c: {  	v5 =	vld [tilespmem:s28+$0x20]  }
0x1d: {  	v3 =	vld [tilespmem:s28+$0x30]  }
0x1e: {  	v2 =	vld [tilespmem:s28+$0x40]  }
0x1f: {  	v7 =	vadd.s32 v0, v4;
	v4 =	vld [tilespmem:s28+$0x50]  }
0x20: {  	s29 =	simm.s32 $0x200;
	[tilespmem:s28+$0x0] =	vst v7;
	v7 =	vadd.s32 v0, v6;
	v6 =	vld [tilespmem:s28+$0x60]  }
.LBB2_2:
0x21: {  	s30 =	sshra.s32 s29, $0x2;
	p0 =	sne.s32 s29, $0x4E00;
	[tilespmem:s28+$0x10] =	vst v7;
	v5 =	vadd.s32 v0, v5;
	v7 =	vld [tilespmem:s28+$0x70]  }
0x22: {  	v8 =	vld [tilespmem:s30+$0x0];
	[tilespmem:s28+$0x20] =	vst v5;
	v3 =	vadd.s32 v0, v3  }
0x23: {  	v9 =	vld [tilespmem:s30+$0x10];
	[tilespmem:s28+$0x30] =	vst v3;
	v2 =	vadd.s32 v0, v2  }
.Ltmp0:
0x24: {  	v5 =	vld [tilespmem:s30+$0x20];
	[tilespmem:s28+$0x40] =	vst v2;
	v2 =	vadd.s32 v0, v4;
	(pc) =	sbr.rel @p0 .LBB2_2-.Ltmp0, $4  }
0x25: {  	v3 =	vld [tilespmem:s30+$0x30];
	[tilespmem:s28+$0x50] =	vst v2;
	v4 =	vadd.s32 v0, v6  }
0x26: {  	v2 =	vld [tilespmem:s30+$0x40];
	[tilespmem:s28+$0x60] =	vst v4;
	v6 =	vadd.s32 v0, v7  }
0x27: {  	v7 =	vadd.s32 v0, v8;
	v4 =	vld [tilespmem:s30+$0x50];
	[tilespmem:s28+$0x70] =	vst v6;
	s28 =	smov.u32 s30  }
0x28: {  	s29 =	sadd.s32 $0x200, s29;
	[tilespmem:s28+$0x0] =	vst v7;
	v7 =	vadd.s32 v0, v9;
	v6 =	vld [tilespmem:s28+$0x60]  }
0x29: {  	[tilespmem:s28+$0x10] =	vst v7;
	v5 =	vadd.s32 v0, v5;
	v63 =	vld [tilespmem:s28+$0x70]  }
0x2a: {  	[tilespmem:s28+$0x20] =	vst v5;
	v3 =	vadd.s32 v0, v3  }
0x2b: {  	[tilespmem:s28+$0x30] =	vst v3;
	v2 =	vadd.s32 v0, v2  }
0x2c: {  	[tilespmem:s28+$0x40] =	vst v2;
	v2 =	vadd.s32 v0, v4  }
0x2d: {  	[tilespmem:s28+$0x50] =	vst v2;
	v2 =	vadd.s32 v0, v6  }
0x2e: {  	[tilespmem:s28+$0x60] =	vst v2;
	v2 =	vadd.s32 v0, v63  }
0x2f: {  	[tilespmem:s28+$0x70] =	vst v2;
	s28 =	simm.s32 $0x0  }
0x30: {  	[tilespmem:s19], [sflag:$0x1] =	stream.indirect.gather [hbm4b:s4+s18], $0x80, s28, s18, $0xb8;
	[tilespmem:$0x1E800] =	vst v63  }
0x31: {  	s29 =	simm.s32 $0x200;
	s28 =	simm.s32 $0x0  }
.LBB2_4:
0x32: {  	p0 =	sne.s32 s29, $0xFE00;
	[tilespmem:s28+$0x6870] =	vst v1  }
0x33: {  	[tilespmem:s28+$0x6800] =	vst v1  }
0x34: {  	[tilespmem:s28+$0x6810] =	vst v1  }
.Ltmp1:
0x35: {  	[tilespmem:s28+$0x6820] =	vst v1;
	(pc) =	sbr.rel @p0 .LBB2_4-.Ltmp1, $4  }
0x36: {  	[tilespmem:s28+$0x6830] =	vst v1  }
0x37: {  	[tilespmem:s28+$0x6840] =	vst v1  }
0x38: {  	[tilespmem:s28+$0x6850] =	vst v1  }
0x39: {  	[tilespmem:s28+$0x6860] =	vst v1;
	s28 =	sshra.s32 s29, $0x2;
	s29 =	sadd.s32 $0x200, s29  }
0x3a: {  	[tilespmem:s28+$0x6870] =	vst v1  }
0x3b: {  	[tilespmem:s28+$0x6800] =	vst v1  }
0x3c: {  	[tilespmem:s28+$0x6810] =	vst v1  }
0x3d: {  	[tilespmem:s28+$0x6820] =	vst v1  }
0x3e: {  	[tilespmem:s28+$0x6830] =	vst v1  }
0x3f: {  	[tilespmem:s28+$0x6840] =	vst v1  }
0x40: {  	[tilespmem:s28+$0x6850] =	vst v1  }
0x41: {  	[tilespmem:s28+$0x6860] =	vst v1  }
0x42: {  	[spmem:s7] =	stream.linear.scatter [tilespmem:s20], [sflag:$0x3], $0x4000, $0x38;
	[tilespmem:$0x1E800] =	vst v63  }
0x43: {  	_ =	swait.ge [sflag:s16], $0x4000  }
0x44: {  	[sflag:s16] =	ssyncset.done $0x0  }
0x45: {  	[sflag:s16] =	ssyncadd.s32 $0xFFFFC000  }
0x46: {  	[spmem:s8] =	stream.linear.scatter [tilespmem:s20], [sflag:$0x3], $0x4000, $0x38;
	[tilespmem:$0x1E800] =	vst v63  }
0x47: {  	_ =	swait.ge [sflag:s16], $0x4000  }
0x48: {  	[sflag:s16] =	ssyncset.done $0x0  }
0x49: {  	[sflag:s16] =	ssyncadd.s32 $0xFFFFC000  }
0x4a: {  	[spmem:s9] =	stream.linear.scatter [tilespmem:s20], [sflag:$0x3], $0x4000, $0x38;
	[tilespmem:$0x1E800] =	vst v63  }
0x4b: {  	_ =	swait.ge [sflag:s16], $0x4000  }
0x4c: {  	[sflag:s16] =	ssyncset.done $0x0  }
0x4d: {  	[sflag:s16] =	ssyncadd.s32 $0xFFFFC000  }
0x4e: {  	[spmem:s10] =	stream.linear.scatter [tilespmem:s20], [sflag:$0x3], $0x4000, $0x38;
	[tilespmem:$0x1E800] =	vst v63  }
0x4f: {  	_ =	swait.ge [sflag:s16], $0x4000  }
0x50: {  	[sflag:s16] =	ssyncset.done $0x0  }
0x51: {  	[sflag:s16] =	ssyncadd.s32 $0xFFFFC000  }
0x52: {  	[spmem:s11] =	stream.linear.scatter [tilespmem:s20], [sflag:$0x3], $0x4000, $0x38;
	[tilespmem:$0x1E800] =	vst v63  }
0x53: {  	_ =	swait.ge [sflag:s16], $0x4000  }
0x54: {  	[sflag:s16] =	ssyncset.done $0x0  }
0x55: {  	[sflag:s16] =	ssyncadd.s32 $0xFFFFC000  }
0x56: {  	p1 =	por $0x1, $0x1;
	p2 =	por $0x0, $0x0;
	[bflag:$0x0] =	sbarrier.arrive $0xFFFF  }
.LBB2_6:
.Ltmp2:
0x57: {  	(pc) =	sbr.rel @!p2 .LBB2_10-.Ltmp2, $2  }
0x58: {  	_ =	sdelay $0x2  }
0x59: {  	p0 =	por p1, p1  }
0x5a: {  	s28 =	simm.s32 $0x0  }
0x5b: {  	[tilespmem:s28], [sflag:$0x3] =	stream.linear.gather [hbm4b:s12+s28], $0x1400, $0x38;
	[tilespmem:$0x1E800] =	vst v63  }
0x5c: {  	_ =	swait.ge [sflag:s16], $0x1400  }
0x5d: {  	[sflag:s16] =	ssyncset.done $0x0  }
0x5e: {  	[sflag:s16] =	ssyncadd.s32 $0xFFFFEC00  }
0x5f: {  	[tilespmem:s17], [sflag:$0x3] =	stream.linear.gather [hbm4b:s13+s28], $0x1400, $0x38;
	[tilespmem:$0x1E800] =	vst v63  }
0x60: {  	_ =	swait.ge [sflag:s16], $0x1400  }
0x61: {  	[sflag:s16] =	ssyncset.done $0x0  }
0x62: {  	s28 =	simm.s32 $0x0;
	[sflag:s16] =	ssyncadd.s32 $0xFFFFEC00  }
0x63: {  	v4 =	vld [tilespmem:s28+$0x0]  }
0x64: {  	v6 =	vld [tilespmem:s28+$0x10]  }
0x65: {  	v5 =	vld [tilespmem:s28+$0x20]  }
0x66: {  	v3 =	vld [tilespmem:s28+$0x30]  }
0x67: {  	v2 =	vld [tilespmem:s28+$0x40]  }
0x68: {  	v7 =	vadd.s32 v0, v4;
	v4 =	vld [tilespmem:s28+$0x50]  }
0x69: {  	s29 =	simm.s32 $0x200;
	[tilespmem:s28+$0x0] =	vst v7;
	v7 =	vadd.s32 v0, v6;
	v6 =	vld [tilespmem:s28+$0x60]  }
.LBB2_8:
0x6a: {  	s30 =	sshra.s32 s29, $0x2;
	p1 =	sne.s32 s29, $0x4E00;
	[tilespmem:s28+$0x10] =	vst v7;
	v5 =	vadd.s32 v0, v5;
	v7 =	vld [tilespmem:s28+$0x70]  }
0x6b: {  	v8 =	vld [tilespmem:s30+$0x0];
	[tilespmem:s28+$0x20] =	vst v5;
	v3 =	vadd.s32 v0, v3  }
0x6c: {  	v9 =	vld [tilespmem:s30+$0x10];
	[tilespmem:s28+$0x30] =	vst v3;
	v2 =	vadd.s32 v0, v2  }
.Ltmp3:
0x6d: {  	v5 =	vld [tilespmem:s30+$0x20];
	[tilespmem:s28+$0x40] =	vst v2;
	v2 =	vadd.s32 v0, v4;
	(pc) =	sbr.rel @p1 .LBB2_8-.Ltmp3, $4  }
0x6e: {  	v3 =	vld [tilespmem:s30+$0x30];
	[tilespmem:s28+$0x50] =	vst v2;
	v4 =	vadd.s32 v0, v6  }
0x6f: {  	v2 =	vld [tilespmem:s30+$0x40];
	[tilespmem:s28+$0x60] =	vst v4;
	v6 =	vadd.s32 v0, v7  }
0x70: {  	v7 =	vadd.s32 v0, v8;
	v4 =	vld [tilespmem:s30+$0x50];
	[tilespmem:s28+$0x70] =	vst v6;
	s28 =	smov.u32 s30  }
0x71: {  	s29 =	sadd.s32 $0x200, s29;
	[tilespmem:s28+$0x0] =	vst v7;
	v7 =	vadd.s32 v0, v9;
	v6 =	vld [tilespmem:s28+$0x60]  }
0x72: {  	[tilespmem:s28+$0x10] =	vst v7;
	v5 =	vadd.s32 v0, v5;
	v63 =	vld [tilespmem:s28+$0x70]  }
0x73: {  	[tilespmem:s28+$0x20] =	vst v5;
	v3 =	vadd.s32 v0, v3  }
0x74: {  	[tilespmem:s28+$0x30] =	vst v3;
	v2 =	vadd.s32 v0, v2  }
0x75: {  	[tilespmem:s28+$0x40] =	vst v2;
	v2 =	vadd.s32 v0, v4  }
0x76: {  	[tilespmem:s28+$0x50] =	vst v2;
	v2 =	vadd.s32 v0, v6  }
0x77: {  	[tilespmem:s28+$0x60] =	vst v2;
	v2 =	vadd.s32 v0, v63  }
0x78: {  	[tilespmem:s28+$0x70] =	vst v2  }
0x79: {  	[tilespmem:s19], [sflag:$0x1] =	stream.indirect.gather [hbm4b:s4+s18], $0x80, s3, s18, $0xb8;
	[tilespmem:$0x1E800] =	vst v63  }
.LBB2_10:
0x7a: {  	s28 =	simm.s32 $0x80  }
0x7b: {  	[tilespmem:s20], [sflag:$0x2] =	stream.indirect.gather [hbm4b:s4+s18], $0x80, s28, s18, $0xb8;
	[tilespmem:$0x1E800] =	vst v63  }
0x7c: {  	_ =	swait.ge [sflag:s21], $0x4000  }
0x7d: {  	[sflag:s21] =	ssyncset.done $0x0  }
0x7e: {  	s28 =	simm.s32 $0x1400;
	[sflag:s21] =	ssyncadd.s32 $0xFFFFC000  }
0x7f: {  	[spmem:s1] =	stream.indirect.scatter.add.f32 [tilespmem:s19], [sflag:$0x3], $0x80, s28, s18, $0xb8;
	[tilespmem:$0x1E800] =	vst v63  }
0x80: {  	_ =	swait.ge [sflag:s16], $0x4000  }
0x81: {  	[sflag:s16] =	ssyncset.done $0x0  }
0x82: {  	s28 =	simm.s32 $0x100;
	[sflag:s16] =	ssyncadd.s32 $0xFFFFC000  }
0x83: {  	[tilespmem:s19], [sflag:$0x1] =	stream.indirect.gather [hbm4b:s4+s18], $0x80, s28, s18, $0xb8;
	[tilespmem:$0x1E800] =	vst v63  }
0x84: {  	_ =	swait.ge [sflag:s22], $0x4000  }
0x85: {  	[sflag:s22] =	ssyncset.done $0x0  }
0x86: {  	s28 =	simm.s32 $0x1480;
	[sflag:s22] =	ssyncadd.s32 $0xFFFFC000  }
0x87: {  	[spmem:s1] =	stream.indirect.scatter.add.f32 [tilespmem:s20], [sflag:$0x3], $0x80, s28, s18, $0xb8;
	[tilespmem:$0x1E800] =	vst v63  }
0x88: {  	_ =	swait.ge [sflag:s16], $0x4000  }
0x89: {  	s29 =	simm.s32 $0x800;
	s28 =	simm.s32 $0x100;
	[sflag:s16] =	ssyncset.done $0x0  }
.LBB2_11:
0x8a: {  	s30 =	sadd.s32 $0x80, s28  }
0x8b: {  	[sflag:s16] =	ssyncadd.s32 $0xFFFFC000;
	s31 =	smov.u32 s29;
	s0 =	sadd.s32 $0x400, s29  }
0x8c: {  	[tilespmem:s20], [sflag:$0x2] =	stream.indirect.gather [hbm4b:s4+s18], $0x80, s30, s18, $0xb8;
	[tilespmem:$0x1E800] =	vst v63  }
0x8d: {  	p1 =	sne.s32 s29, $0x4800;
	_ =	swait.ge [sflag:s21], $0x4000  }
0x8e: {  	[sflag:s21] =	ssyncset.done $0x0  }
0x8f: {  	s29 =	sadd.s32 $0x1400, s28;
	[sflag:s21] =	ssyncadd.s32 $0xFFFFC000  }
0x90: {  	[spmem:s1] =	stream.indirect.scatter.add.f32 [tilespmem:s19], [sflag:$0x3], $0x80, s29, s18, $0xb8;
	[tilespmem:$0x1E800] =	vst v63  }
0x91: {  	_ =	swait.ge [sflag:s16], $0x4000  }
0x92: {  	[sflag:s16] =	ssyncset.done $0x0  }
0x93: {  	s29 =	sadd.s32 $0x100, s28;
	[sflag:s16] =	ssyncadd.s32 $0xFFFFC000  }
0x94: {  	[tilespmem:s19], [sflag:$0x1] =	stream.indirect.gather [hbm4b:s4+s18], $0x80, s29, s18, $0xb8;
	[tilespmem:$0x1E800] =	vst v63  }
0x95: {  	_ =	swait.ge [sflag:s22], $0x4000  }
.Ltmp4:
0x96: {  	[sflag:s22] =	ssyncset.done $0x0;
	(pc) =	sbr.rel @p1 .LBB2_11-.Ltmp4, $4  }
0x97: {  	s28 =	sadd.s32 $0x1480, s28;
	[sflag:s22] =	ssyncadd.s32 $0xFFFFC000  }
0x98: {  	[spmem:s1] =	stream.indirect.scatter.add.f32 [tilespmem:s20], [sflag:$0x3], $0x80, s28, s18, $0xb8;
	[tilespmem:$0x1E800] =	vst v63  }
0x99: {  	_ =	swait.ge [sflag:s16], $0x4000  }
0x9a: {  	s29 =	smov.u32 s0;
	s28 =	sshra.s32 s31, $0x2;
	[sflag:s16] =	ssyncset.done $0x0  }
0x9b: {  	s0 =	sadd.s32 $0x80, s28;
	[sflag:s16] =	ssyncadd.s32 $0xFFFFC000  }
0x9c: {  	[tilespmem:s20], [sflag:$0x2] =	stream.indirect.gather [hbm4b:s4+s18], $0x80, s0, s18, $0xb8;
	[tilespmem:$0x1E800] =	vst v63  }
0x9d: {  	_ =	swait.ge [sflag:s21], $0x4000  }
0x9e: {  	[sflag:s21] =	ssyncset.done $0x0  }
0x9f: {  	s29 =	sadd.s32 $0x1400, s28;
	[sflag:s21] =	ssyncadd.s32 $0xFFFFC000  }
0xa0: {  	[spmem:s1] =	stream.indirect.scatter.add.f32 [tilespmem:s19], [sflag:$0x3], $0x80, s29, s18, $0xb8;
	[tilespmem:$0x1E800] =	vst v63  }
0xa1: {  	_ =	swait.ge [sflag:s16], $0x4000  }
0xa2: {  	[sflag:s16] =	ssyncset.done $0x0  }
0xa3: {  	s30 =	sadd.s32 $0x100, s28;
	[sflag:s16] =	ssyncadd.s32 $0xFFFFC000  }
0xa4: {  	[tilespmem:s19], [sflag:$0x1] =	stream.indirect.gather [hbm4b:s4+s18], $0x80, s30, s18, $0xb8;
	[tilespmem:$0x1E800] =	vst v63  }
0xa5: {  	_ =	swait.ge [sflag:s22], $0x4000  }
0xa6: {  	[sflag:s22] =	ssyncset.done $0x0  }
0xa7: {  	s31 =	sadd.s32 $0x1480, s28;
	[sflag:s22] =	ssyncadd.s32 $0xFFFFC000  }
0xa8: {  	[spmem:s1] =	stream.indirect.scatter.add.f32 [tilespmem:s20], [sflag:$0x3], $0x80, s31, s18, $0xb8;
	[tilespmem:$0x1E800] =	vst v63  }
0xa9: {  	_ =	swait.ge [sflag:s16], $0x4000  }
0xaa: {  	[sflag:s16] =	ssyncset.done $0x0  }
0xab: {  	[sflag:s16] =	ssyncadd.s32 $0xFFFFC000  }
0xac: {  	[tilespmem:s20], [sflag:$0x2] =	stream.indirect.gather [hbm4b:s4+s18], $0x80, s23, s18, $0xb8;
	[tilespmem:$0x1E800] =	vst v63  }
0xad: {  	_ =	swait.ge [sflag:s21], $0x4000  }
0xae: {  	[sflag:s21] =	ssyncset.done $0x0  }
0xaf: {  	[sflag:s21] =	ssyncadd.s32 $0xFFFFC000  }
0xb0: {  	[spmem:s1] =	stream.indirect.scatter.add.f32 [tilespmem:s19], [sflag:$0x3], $0x80, s24, s18, $0xb8;
	[tilespmem:$0x1E800] =	vst v63  }
0xb1: {  	_ =	swait.ge [sflag:s16], $0x4000  }
0xb2: {  	[sflag:s16] =	ssyncset.done $0x0  }
0xb3: {  	[sflag:s16] =	ssyncadd.s32 $0xFFFFC000  }
0xb4: {  	_ =	swait.ge [sflag:s22], $0x4000  }
0xb5: {  	[sflag:s22] =	ssyncset.done $0x0  }
.Ltmp5:
0xb6: {  	[sflag:s22] =	ssyncadd.s32 $0xFFFFC000;
	(pc) =	sbr.rel @p0 .LBB2_6-.Ltmp5, $4  }
0xb7: {  	[spmem:s1] =	stream.indirect.scatter.add.f32 [tilespmem:s20], [sflag:$0x3], $0x80, s25, s18, $0xb8;
	[tilespmem:$0x1E800] =	vst v63  }
0xb8: {  	_ =	swait.ge [sflag:s16], $0x4000  }
0xb9: {  	[sflag:s16] =	ssyncset.done $0x0  }
0xba: {  	p1 =	por $0x0, $0x0;
	p2 =	por $0x1, $0x1;
	[sflag:s16] =	ssyncadd.s32 $0xFFFFC000  }
0xbb: {  	s26 =	sadd.s32 $0x1, s26  }
0xbc: {  	s0 =	sshll.u32 s2, $0x6;
	[bflag:$0x0] =	sbarrier.arrive $0xFFFF;
	p0 =	sne.s32 s26, s15  }
.Ltmp6:
0xbd: {  	s28 =	sshrl.u32 s7, $0x3;
	s0 =	sor.u32 $0x1C03, s0;
	(pc) =	sbr.rel @p0 .LBB2_1-.Ltmp6, $4  }
0xbe: {  	[hbm:s14], [sflag:s0] =	dma.local [spmem:s28], $0x2800  }
0xbf: {  	_ =	swait.ge [sflag:s16], $0x2800  }
0xc0: {  	[sflag:s16] =	ssyncset.done $0x0  }
0xc1: {  	[sflag:s16] =	ssyncadd.s32 $0xFFFFD800  }
0xc2: {  	_ =	sfence.sel $0x180000  }
0xc3: {  	[bflag:$0x0] =	sbarrier.arrive $0xFFFF  }
0xc4: {  	_ =	strace $0x9000004A  }
0xc5: {  	[bflag:$0x2] =	sbarrier.arrive $0xFFFF  }
0xc6: {  	p0 =	sne.s32 s2, $0x0;
	s0 =	rddreg [dreg:$0x3]  }
0xc7: {  	s0 =	sadd.s32 @!p0 $0x100000, s0  }
0xc8: {  	[sflag:s0] =	ssyncadd.tile.s32 @!p0 $0x1;
	_ =	shalt  }
.Lfunc_end2:
_tile_overlayer_lowered:
.L_overlay_start_2:
0xc9: {  	(tag) =	ssettag $0x2  }
0xca: {  	s0 =	rddreg [dreg:$0x0];
	s2 =	stileid.u32  }
0xcb: {  	s1 =	rddreg [dreg:$0x1];
	p0 =	sne.s32 s2, $0x0  }
0xcc: {  	s3 =	rddreg [dreg:$0x2];
	[bflag:$0x3] =	sbarrier.arrive $0xFFFF;
	s2 =	simm.s32 @!p0 $0x1C03  }
0xcd: {  	[timem:s3], [sflag:s2] =	dma.local @!p0 [hbm:s0], s1  }
0xce: {  	s0 =	simm.s32 @!p0 $0x3  }
0xcf: {  	_ =	swait.ge @!p0 [sflag:s0], s1  }
0xd0: {  	s1 =	ssub.s32 @!p0 $0x0, s1;
	[sflag:s0] =	ssyncset.done @!p0 $0x0  }
0xd1: {  	[sflag:s0] =	ssyncadd.s32 @!p0 s1  }
0xd2: {  	[bflag:$0x3] =	sbarrier.arrive $0xFFFF  }
0xd3: {  	_ =	shalt  }

// kernel: kernel.14.cloned.1.call-start
scs
__scs_entry_jumppad:
0x0: {  	(pc) =	sbr.rel $0x88, $3  }
0x1: {  	(tag) =	ssettag $0x0;
	lr =	simm.s32 $0x1  }
0x2: {  	[smem:$0x3F9B] =	sst lr;
	_ =	strace $0xD0000000  }
0x3: {  	_ = 	snop  }
0x4: {  	_ = 	snop  }
0x5: {  	_ = 	snop  }
0x6: {  	_ = 	snop  }
0x7: {  	_ = 	snop  }
__scs_overlays_trampoline_lowered:
0x8: {  	[smem:$0x3FAA] =	sst s0  }
0x9: {  	[smem:$0x3FAB] =	sst s1  }
0xa: {  	[smem:$0x3FAC] =	sst s2  }
0xb: {  	[smem:$0x3FAD] =	sst s3  }
0xc: {  	[smem:$0x3FAE] =	sst s4  }
0xd: {  	[smem:$0x3FAF] =	sst s5  }
0xe: {  	[smem:$0x3FB0] =	sst s6  }
0xf: {  	[smem:$0x3FB1] =	sst s7  }
0x10: {  	[smem:$0x3FB2] =	sst s8  }
0x11: {  	[smem:$0x3FB3] =	sst s9;
	s0 =	simm.s32 @!p0 $0x0  }
0x12: {  	s1 =	sld [smem:$0x3F99];
	s0 =	simm.s32 @p0 $0x1  }
0x13: {  	[smem:$0x3FB4] =	sst s0;
	s0 =	simm.s32 @!p1 $0x0  }
0x14: {  	s2 =	sld [smem:$0x3F98];
	s0 =	simm.s32 @p1 $0x1  }
0x15: {  	[smem:$0x3FB5] =	sst s0;
	s0 =	simm.s32 @!p2 $0x0  }
0x16: {  	s3 =	sld [smem:$0x3FDB];
	s0 =	simm.s32 @p2 $0x1  }
0x17: {  	s4 =	simm.s32 $0x1BF5;
	[smem:$0x3FB7] =	sst s0  }
0x18: {  	s0 =	sld [smem:$0x3F9A];
	_ =	swait.ge [sflag:s4], $0x0  }
0x19: {  	s7 =	sld [smem:$0x3F9B]  }
0x1a: {  	s8 =	sadd.s32 $0xFFFFE003, lr  }
0x1b: {  	s9 =	sadd.s32 $0xFFFFFEF7, lr;
	s5 =	simm.s32 $0xFFFFFFFF;
	p2 =	slt.u32 s8, $0xFFFFF086  }
0x1c: {  	p1 =	slt.u32 s9, $0xF7A;
	s5 =	simm.s32 @!p2 $0x0  }
0x1d: {  	s5 =	simm.s32 @p1 $0x1;
	p0 =	seq.s32 s7, s2  }
0x1e: {  	s7 =	smul.u32 @!p0 $0xF7A, s2;
	p2 =	seq.s32 @!p0 s5, $0x0  }
0x1f: {  	s9 =	smul.u32 $0xF7A, s1;
	s8 =	simm.s32 @!p0 $0x1BF5;
	p2 =	por !p2, p0  }
0x20: {  	[sflag:s8] =	ssyncset.s32 @!p0 $0xFFFFF086;
	s6 =	sadd.s32 @!p0 s3, s7;
	s7 =	simm.s32 @!p0 $0x108  }
0x21: {  	s3 =	sadd.s32 s3, s9;
	s6 =	sadd.s32 @!p0 $0x88, s6;
	s7 =	simm.s32 @p2 $0x1082  }
0x22: {  	[simem:s7], [sflag:s8] =	dma.local @!p0 [hbm:s6], $0xF7A  }
0x23: {  	s9 =	sor.u32 $0xD0000000, s2;
	s6 =	simm.s32 $0x108;
	_ =	swait.ge @!p0 [sflag:s8], $0x0  }
0x24: {  	s3 =	sadd.s32 $0x88, s3;
	s6 =	simm.s32 @!p1 $0x1082;
	[sflag:s4] =	ssyncset.s32 $0xFFFFF086  }
0x25: {  	[simem:s6], [sflag:s4] =	dma.local [hbm:s3], $0xF7A  }
0x26: {  	[smem:$0x3F9B] =	sst s1;
	(tag) =	ssettag s2;
	_ =	strace s9  }
0x27: {  	s1 =	sld [smem:$0x3FAB]  }
0x28: {  	s2 =	sld [smem:$0x3FAC]  }
0x29: {  	s4 =	sld [smem:$0x3FAE]  }
0x2a: {  	p0 =	seq.s32 s5, $0x0;
	s5 =	sld [smem:$0x3FAF]  }
0x2b: {  	s6 =	sld [smem:$0x3FB0]  }
0x2c: {  	s7 =	sld [smem:$0x3FB1]  }
0x2d: {  	s3 =	simm.s32 $0x108;
	s8 =	sld [smem:$0x3FB2]  }
0x2e: {  	s3 =	simm.s32 @!p0 $0x1082;
	s9 =	sld [smem:$0x3FB3]  }
0x2f: {  	lr =	sadd.s32 s0, s3;
	s0 =	sld [smem:$0x3FAA]  }
0x30: {  	s3 =	sld [smem:$0x3FAD]  }
0x31: {  	[smem:$0x3FB6] =	sst s10  }
0x32: {  	s10 =	sld [smem:$0x3FB4];
	_ =	sdelay $0x3  }
0x33: {  	p0 =	seq.s32 s10, $0x1;
	s10 =	sld [smem:$0x3FB6];
	_ =	sdelay $0x3  }
0x34: {  	[smem:$0x3FB6] =	sst s10  }
0x35: {  	s10 =	sld [smem:$0x3FB5];
	_ =	sdelay $0x3  }
0x36: {  	p1 =	seq.s32 s10, $0x1;
	s10 =	sld [smem:$0x3FB6];
	_ =	sdelay $0x3  }
0x37: {  	[smem:$0x3FB6] =	sst s10  }
0x38: {  	s10 =	sld [smem:$0x3FB7]  }
0x39: {  	_ = 	snop;
	(pc) =	sbr.ind lr, $3  }
0x3a: {  	_ = 	snop  }
0x3b: {  	_ = 	snop  }
0x3c: {  	p2 =	seq.s32 s10, $0x1;
	s10 =	sld [smem:$0x3FB6]  }
0x3d: {  	_ =	shalt  }
0x3e: {  	_ =	shalt  }
0x3f: {  	_ =	shalt  }
0x40: {  	_ =	shalt  }
0x41: {  	_ =	shalt  }
0x42: {  	_ =	shalt  }
0x43: {  	_ =	shalt  }
0x44: {  	_ =	shalt  }
0x45: {  	_ =	shalt  }
0x46: {  	_ =	shalt  }
0x47: {  	_ =	shalt  }
0x48: {  	_ =	shalt  }
0x49: {  	_ =	shalt  }
0x4a: {  	_ =	shalt  }
0x4b: {  	_ =	shalt  }
0x4c: {  	_ =	shalt  }
0x4d: {  	_ =	shalt  }
0x4e: {  	_ =	shalt  }
0x4f: {  	_ =	shalt  }
0x50: {  	_ =	shalt  }
0x51: {  	_ =	shalt  }
0x52: {  	_ =	shalt  }
0x53: {  	_ =	shalt  }
0x54: {  	_ =	shalt  }
0x55: {  	_ =	shalt  }
0x56: {  	_ =	shalt  }
0x57: {  	_ =	shalt  }
0x58: {  	_ =	shalt  }
0x59: {  	_ =	shalt  }
0x5a: {  	_ =	shalt  }
0x5b: {  	_ =	shalt  }
0x5c: {  	_ =	shalt  }
0x5d: {  	_ =	shalt  }
0x5e: {  	_ =	shalt  }
0x5f: {  	_ =	shalt  }
0x60: {  	_ =	shalt  }
0x61: {  	_ =	shalt  }
0x62: {  	_ =	shalt  }
0x63: {  	_ =	shalt  }
0x64: {  	_ =	shalt  }
0x65: {  	_ =	shalt  }
0x66: {  	_ =	shalt  }
0x67: {  	_ =	shalt  }
0x68: {  	_ =	shalt  }
0x69: {  	_ =	shalt  }
0x6a: {  	_ =	shalt  }
0x6b: {  	_ =	shalt  }
0x6c: {  	_ =	shalt  }
0x6d: {  	_ =	shalt  }
0x6e: {  	_ =	shalt  }
0x6f: {  	_ =	shalt  }
0x70: {  	_ =	shalt  }
0x71: {  	_ =	shalt  }
0x72: {  	_ =	shalt  }
0x73: {  	_ =	shalt  }
0x74: {  	_ =	shalt  }
0x75: {  	_ =	shalt  }
0x76: {  	_ =	shalt  }
0x77: {  	_ =	shalt  }
0x78: {  	_ =	shalt  }
0x79: {  	_ =	shalt  }
0x7a: {  	_ =	shalt  }
0x7b: {  	_ =	shalt  }
0x7c: {  	_ =	shalt  }
0x7d: {  	_ =	shalt  }
0x7e: {  	_ =	shalt  }
0x7f: {  	_ =	shalt  }
0x80: {  	_ =	shalt  }
0x81: {  	_ =	shalt  }
0x82: {  	_ =	shalt  }
0x83: {  	_ =	shalt  }
0x84: {  	_ =	shalt  }
0x85: {  	_ =	shalt  }
0x86: {  	_ =	shalt  }
0x87: {  	_ =	shalt  }
.Lfunc_end0:
.L_simem_size_0:
called_computation.2_lowered:
.L_overlay_start_0:
0x88: {  	s2 =	sld [smem:$0x3FD9]  }
0x89: {  	s3 =	sld [smem:$0x3FFE];
	_ =	sdelay $0x1  }
0x8a: {  	s1 =	srdreg.scid  }
0x8b: {  	s0 =	sand.u32 $0x1, s1  }
0x8c: {  	s17 =	sshll.u32 s0, $0xA;
	s2 =	sadd.s32 s3, s2  }
0x8d: {  	s2 =	sadd.s32 s2, s17  }
0x8e: {  	[smem:$0x3FC2] =	sst s2  }
0x8f: {  	_ = 	snop  }
0x90: {  	s2 =	sld [smem:$0x3FD0];
	(tm) =	ssettm $0x1  }
0x91: {  	s18 =	sld [smem:$0x3FFB];
	_ =	sdelay $0x3  }
0x92: {  	_ =	strace s18  }
0x93: {  	s3 =	sld [smem:$0x3FFC];
	_ =	sdelay $0x3  }
0x94: {  	_ =	strace s3  }
0x95: {  	s3 =	sld [smem:$0x3FFD];
	_ =	sdelay $0x3  }
0x96: {  	_ =	strace s3  }
0x97: {  	_ =	strace $0x8FFFFFFF  }
0x98: {  	s19 =	sld [smem:$0x3FDB];
	_ =	sdelay $0x1  }
0x99: {  	s4 =	simm.s32 $_scs_section_size  }
0x9a: {  	s5 =	simm.s32 $_size__tile_overlayer_lowered;
	s6 =	simm.s32 $_tile_overlayer_lowered  }
0x9b: {  	s22 =	simm.s32 $0x1BFF;
	s21 =	sshll.u32 s6, $0x1;
	s3 =	sadd.s32 s4, s19  }
0x9c: {  	s7 =	simm.s32 $0x0;
	s20 =	sshll.u32 s5, $0x1;
	s5 =	sadd.s32 s21, s3  }
0x9d: {  	[timem:s7], [sflag:s22] =	dma.local [hbm:s5], s20  }
0x9e: {  	_ =	swait.ge [sflag:s22], s20  }
0x9f: {  	s4 =	ssub.s32 $0x0, s20;
	[sflag:s22] =	ssyncset.done $0x0  }
0xa0: {  	[sflag:s22] =	ssyncadd.s32 s4;
	_ =	sdelay $0x1  }
0xa1: {  	s23 =	simm.s32 $0x1B8B  }
0xa2: {  	_ =	swait.ge [sflag:s23], $0x1  }
0xa3: {  	[sflag:s23] =	ssyncset.done $0x0  }
0xa4: {  	s25 =	simm.s32 $0x1B8E;
	s24 =	sld [smem:$0x3FFE];
	[sflag:s23] =	ssyncadd.s32 $0xFFFFFFFF  }
0xa5: {  	s26 =	simm.s32 $execute0_lowered;
	[smem:$0x3FD2] =	sst s25  }
0xa6: {  	s5 =	sshll.u32 s26, $0x1;
	_ =	strace $0x8000004C;
	[dreg:$0x1] =	wrdreg $0xFFFFFFFF  }
0xa7: {  	s28 =	simm.s32 $_size_execute0_lowered;
	s3 =	sadd.s32 s3, s5;
	[dreg:$0x0] =	wrdreg $0x0  }
0xa8: {  	s5 =	sshll.u32 s28, $0x1;
	[dreg:$0x2] =	wrdreg s3  }
0xa9: {  	[dreg:$0x3] =	wrdreg s5  }
0xaa: {  	[dreg:$0x4] =	wrdreg $0xC0  }
0xab: {  	_ =	task [dreg:s7], $0x5FFFF  }
0xac: {  	[dreg:$0x1] =	wrdreg $0xFFFFFFFF  }
0xad: {  	[dreg:$0x0] =	wrdreg $0x60  }
0xae: {  	[dreg:$0x2] =	wrdreg s24  }
0xaf: {  	[dreg:$0x3] =	wrdreg s2  }
0xb0: {  	[dreg:$0x4] =	wrdreg $0xA8000  }
0xb1: {  	[dreg:$0x5] =	wrdreg $0x9  }
0xb2: {  	_ =	task.clear_ibuf [dreg:s7], $0x6FFFF;
	_ =	strace $0x9000004C  }
0xb3: {  	s29 =	simm.s32 $0x9;
	_ =	strace $0x8000004E  }
0xb4: {  	_ =	swait.ge [sflag:s29], $0x1  }
0xb5: {  	[sflag:s29] =	ssyncadd.s32 $0xFFFFFFFF  }
0xb6: {  	_ =	strace $0x9000004E  }
0xb7: {  	_ =	sfence  }
0xb8: {  	s30 =	sld [smem:$0x0];
	_ =	sdelay $0x2  }
0xb9: {  	s31 =	sshll.u32 s1, $0xD;
	s1 =	sshrl.u32 s1, $0x2  }
0xba: {  	s3 =	sand.u32 $0x4000, s31;
	s1 =	sadd.s32 s1, s30  }
0xbb: {  	s0 =	sor.u32 s3, s0;
	s1 =	sshll.u32 s1, $0x11  }
0xbc: {  	s0 =	sor.u32 s1, s0  }
0xbd: {  	s0 =	sadd.s32 $0x8F2B, s0  }
0xbe: {  	[sflag:s0] =	ssyncadd.remote.s32 $0x1  }
0xbf: {  	_ =	sfence.sel $0xFFFF  }
0xc0: {  	[dreg:$0x0] =	wrdreg $0xFFFFFFFF;
	(pc) =	sbr.abs _section_cstart, $3  }
0xc1: {  	[dreg:$0x1] =	wrdreg $0xFFFFFFFF  }
0xc2: {  	_ =	task.clear_ibuf [dreg:s7], $0x2FFFF;
	_ =	strace $0x9FFFFFFF  }
0xc3: {  	(tm) =	ssettm $0x7FFFFFFF  }
tec
execute0_lowered:
.L_overlay_start_1:
0x0: {  	(tag) =	ssettag $0x1  }
0x1: {  	s5 =	rddreg [dreg:$0x0]  }
0x2: {  	s13 =	rddreg [dreg:$0x1]  }
0x3: {  	s1 =	rddreg [dreg:$0x2];
	s2 =	srdreg.scid;
	s3 =	simm.s32 $0x0  }
0x4: {  	s17 =	simm.s32 $0x1400;
	s18 =	simm.s32 $0x80;
	s19 =	simm.s32 $0x2800  }
0x5: {  	s20 =	simm.s32 $0x6800;
	s21 =	simm.s32 $0x1;
	s6 =	sand.u32 $0x1, s2  }
0x6: {  	s22 =	simm.s32 $0x2;
	s2 =	stileid.u32;
	s24 =	smul.u32 $0x2800, s6  }
0x7: {  	s23 =	simm.s32 $0x1380;
	s25 =	simm.s32 $0x2780;
	s7 =	smul.u32 $0x280, s2  }
0x8: {  	s26 =	simm.s32 $0x0;
	[smem:$0x7FF] =	sst s3;
	s8 =	smul.u32 $0x50000, s2  }
0x9: {  	s4 =	sadd.s32 $0x57200, s5;
	s6 =	ssub.s32 $0x2, s6;
	s31 =	smul.u32 $0x500, s2  }
0xa: {  	s12 =	sadd.s32 $0x52200, s5;
	s10 =	smul.u32 $0x2800, s2;
	s30 =	sshrl.u32 s6, $0x1  }
0xb: {  	_ =	strace $0x8000004D;
	s7 =	sadd.s32 s7, s24;
	s15 =	ssub.s32 s6, s30  }
0xc: {  	s8 =	sshrl.u32 s8, $0x2;
	s6 =	sadd.s32 s13, s31;
	s16 =	sshrl.u32 s10, $0x3  }
0xd: {  	v0 =	vmov s24;
	s24 =	simm.s32 $0x2700;
	s7 =	sshll.u32 s7, $0x4;
	s16 =	sadd.s32 $0x280, s16  }
0xe: {  	s15 =	smax.u32 s15, $0x1;
	s14 =	sadd.s32 s7, s5;
	s5 =	sadd.s32 s12, s31  }
0xf: {  	s7 =	sadd.s32 s8, s1;
	s12 =	sadd.s32 s12, s16;
	s13 =	sadd.s32 s13, s16  }
0x10: {  	s16 =	simm.s32 $0x3;
	s8 =	sadd.s32 $0x4000, s7;
	s9 =	sadd.s32 $0x8000, s7  }
0x11: {  	v1 =	vimm.f32 $0.0e+00;
	s10 =	sadd.s32 $0xC000, s7;
	s11 =	sadd.s32 $0x10000, s7;
	s14 =	sadd.s32 $0xA7200, s14  }
.LBB2_1:
0x12: {  	[tilespmem:s3], [sflag:$0x3] =	stream.linear.gather [hbm4b:s5+s3], $0x1400, $0x38;
	[tilespmem:$0x1E800] =	vst v63  }
0x13: {  	_ =	swait.ge [sflag:s16], $0x1400  }
0x14: {  	[sflag:s16] =	ssyncset.done $0x0  }
0x15: {  	[sflag:s16] =	ssyncadd.s32 $0xFFFFEC00  }
0x16: {  	[tilespmem:s17], [sflag:$0x3] =	stream.linear.gather [hbm4b:s6+s3], $0x1400, $0x38;
	[tilespmem:$0x1E800] =	vst v63  }
0x17: {  	_ =	swait.ge [sflag:s16], $0x1400  }
0x18: {  	[sflag:s16] =	ssyncset.done $0x0  }
0x19: {  	s28 =	simm.s32 $0x0;
	[sflag:s16] =	ssyncadd.s32 $0xFFFFEC00  }
0x1a: {  	v4 =	vld [tilespmem:s28+$0x0]  }
0x1b: {  	v6 =	vld [tilespmem:s28+$0x10]  }
0x1c: {  	v5 =	vld [tilespmem:s28+$0x20]  }
0x1d: {  	v3 =	vld [tilespmem:s28+$0x30]  }
0x1e: {  	v2 =	vld [tilespmem:s28+$0x40]  }
0x1f: {  	v7 =	vadd.s32 v0, v4;
	v4 =	vld [tilespmem:s28+$0x50]  }
0x20: {  	s29 =	simm.s32 $0x200;
	[tilespmem:s28+$0x0] =	vst v7;
	v7 =	vadd.s32 v0, v6;
	v6 =	vld [tilespmem:s28+$0x60]  }
.LBB2_2:
0x21: {  	s30 =	sshra.s32 s29, $0x2;
	p0 =	sne.s32 s29, $0x4E00;
	[tilespmem:s28+$0x10] =	vst v7;
	v5 =	vadd.s32 v0, v5;
	v7 =	vld [tilespmem:s28+$0x70]  }
0x22: {  	v8 =	vld [tilespmem:s30+$0x0];
	[tilespmem:s28+$0x20] =	vst v5;
	v3 =	vadd.s32 v0, v3  }
0x23: {  	v9 =	vld [tilespmem:s30+$0x10];
	[tilespmem:s28+$0x30] =	vst v3;
	v2 =	vadd.s32 v0, v2  }
.Ltmp0:
0x24: {  	v5 =	vld [tilespmem:s30+$0x20];
	[tilespmem:s28+$0x40] =	vst v2;
	v2 =	vadd.s32 v0, v4;
	(pc) =	sbr.rel @p0 .LBB2_2-.Ltmp0, $4  }
0x25: {  	v3 =	vld [tilespmem:s30+$0x30];
	[tilespmem:s28+$0x50] =	vst v2;
	v4 =	vadd.s32 v0, v6  }
0x26: {  	v2 =	vld [tilespmem:s30+$0x40];
	[tilespmem:s28+$0x60] =	vst v4;
	v6 =	vadd.s32 v0, v7  }
0x27: {  	v7 =	vadd.s32 v0, v8;
	v4 =	vld [tilespmem:s30+$0x50];
	[tilespmem:s28+$0x70] =	vst v6;
	s28 =	smov.u32 s30  }
0x28: {  	s29 =	sadd.s32 $0x200, s29;
	[tilespmem:s28+$0x0] =	vst v7;
	v7 =	vadd.s32 v0, v9;
	v6 =	vld [tilespmem:s28+$0x60]  }
0x29: {  	[tilespmem:s28+$0x10] =	vst v7;
	v5 =	vadd.s32 v0, v5;
	v63 =	vld [tilespmem:s28+$0x70]  }
0x2a: {  	[tilespmem:s28+$0x20] =	vst v5;
	v3 =	vadd.s32 v0, v3  }
0x2b: {  	[tilespmem:s28+$0x30] =	vst v3;
	v2 =	vadd.s32 v0, v2  }
0x2c: {  	[tilespmem:s28+$0x40] =	vst v2;
	v2 =	vadd.s32 v0, v4  }
0x2d: {  	[tilespmem:s28+$0x50] =	vst v2;
	v2 =	vadd.s32 v0, v6  }
0x2e: {  	[tilespmem:s28+$0x60] =	vst v2;
	v2 =	vadd.s32 v0, v63  }
0x2f: {  	[tilespmem:s28+$0x70] =	vst v2;
	s28 =	simm.s32 $0x0  }
0x30: {  	[tilespmem:s19], [sflag:$0x1] =	stream.indirect.gather [hbm4b:s4+s18], $0x80, s28, s18, $0xb8;
	[tilespmem:$0x1E800] =	vst v63  }
0x31: {  	s29 =	simm.s32 $0x200;
	s28 =	simm.s32 $0x0  }
.LBB2_4:
0x32: {  	p0 =	sne.s32 s29, $0xFE00;
	[tilespmem:s28+$0x6870] =	vst v1  }
0x33: {  	[tilespmem:s28+$0x6800] =	vst v1  }
0x34: {  	[tilespmem:s28+$0x6810] =	vst v1  }
.Ltmp1:
0x35: {  	[tilespmem:s28+$0x6820] =	vst v1;
	(pc) =	sbr.rel @p0 .LBB2_4-.Ltmp1, $4  }
0x36: {  	[tilespmem:s28+$0x6830] =	vst v1  }
0x37: {  	[tilespmem:s28+$0x6840] =	vst v1  }
0x38: {  	[tilespmem:s28+$0x6850] =	vst v1  }
0x39: {  	[tilespmem:s28+$0x6860] =	vst v1;
	s28 =	sshra.s32 s29, $0x2;
	s29 =	sadd.s32 $0x200, s29  }
0x3a: {  	[tilespmem:s28+$0x6870] =	vst v1  }
0x3b: {  	[tilespmem:s28+$0x6800] =	vst v1  }
0x3c: {  	[tilespmem:s28+$0x6810] =	vst v1  }
0x3d: {  	[tilespmem:s28+$0x6820] =	vst v1  }
0x3e: {  	[tilespmem:s28+$0x6830] =	vst v1  }
0x3f: {  	[tilespmem:s28+$0x6840] =	vst v1  }
0x40: {  	[tilespmem:s28+$0x6850] =	vst v1  }
0x41: {  	[tilespmem:s28+$0x6860] =	vst v1  }
0x42: {  	[spmem:s7] =	stream.linear.scatter [tilespmem:s20], [sflag:$0x3], $0x4000, $0x38;
	[tilespmem:$0x1E800] =	vst v63  }
0x43: {  	_ =	swait.ge [sflag:s16], $0x4000  }
0x44: {  	[sflag:s16] =	ssyncset.done $0x0  }
0x45: {  	[sflag:s16] =	ssyncadd.s32 $0xFFFFC000  }
0x46: {  	[spmem:s8] =	stream.linear.scatter [tilespmem:s20], [sflag:$0x3], $0x4000, $0x38;
	[tilespmem:$0x1E800] =	vst v63  }
0x47: {  	_ =	swait.ge [sflag:s16], $0x4000  }
0x48: {  	[sflag:s16] =	ssyncset.done $0x0  }
0x49: {  	[sflag:s16] =	ssyncadd.s32 $0xFFFFC000  }
0x4a: {  	[spmem:s9] =	stream.linear.scatter [tilespmem:s20], [sflag:$0x3], $0x4000, $0x38;
	[tilespmem:$0x1E800] =	vst v63  }
0x4b: {  	_ =	swait.ge [sflag:s16], $0x4000  }
0x4c: {  	[sflag:s16] =	ssyncset.done $0x0  }
0x4d: {  	[sflag:s16] =	ssyncadd.s32 $0xFFFFC000  }
0x4e: {  	[spmem:s10] =	stream.linear.scatter [tilespmem:s20], [sflag:$0x3], $0x4000, $0x38;
	[tilespmem:$0x1E800] =	vst v63  }
0x4f: {  	_ =	swait.ge [sflag:s16], $0x4000  }
0x50: {  	[sflag:s16] =	ssyncset.done $0x0  }
0x51: {  	[sflag:s16] =	ssyncadd.s32 $0xFFFFC000  }
0x52: {  	[spmem:s11] =	stream.linear.scatter [tilespmem:s20], [sflag:$0x3], $0x4000, $0x38;
	[tilespmem:$0x1E800] =	vst v63  }
0x53: {  	_ =	swait.ge [sflag:s16], $0x4000  }
0x54: {  	[sflag:s16] =	ssyncset.done $0x0  }
0x55: {  	[sflag:s16] =	ssyncadd.s32 $0xFFFFC000  }
0x56: {  	p1 =	por $0x1, $0x1;
	p2 =	por $0x0, $0x0;
	[bflag:$0x0] =	sbarrier.arrive $0xFFFF  }
.LBB2_6:
.Ltmp2:
0x57: {  	(pc) =	sbr.rel @!p2 .LBB2_10-.Ltmp2, $2  }
0x58: {  	_ =	sdelay $0x2  }
0x59: {  	p0 =	por p1, p1  }
0x5a: {  	s28 =	simm.s32 $0x0  }
0x5b: {  	[tilespmem:s28], [sflag:$0x3] =	stream.linear.gather [hbm4b:s12+s28], $0x1400, $0x38;
	[tilespmem:$0x1E800] =	vst v63  }
0x5c: {  	_ =	swait.ge [sflag:s16], $0x1400  }
0x5d: {  	[sflag:s16] =	ssyncset.done $0x0  }
0x5e: {  	[sflag:s16] =	ssyncadd.s32 $0xFFFFEC00  }
0x5f: {  	[tilespmem:s17], [sflag:$0x3] =	stream.linear.gather [hbm4b:s13+s28], $0x1400, $0x38;
	[tilespmem:$0x1E800] =	vst v63  }
0x60: {  	_ =	swait.ge [sflag:s16], $0x1400  }
0x61: {  	[sflag:s16] =	ssyncset.done $0x0  }
0x62: {  	s28 =	simm.s32 $0x0;
	[sflag:s16] =	ssyncadd.s32 $0xFFFFEC00  }
0x63: {  	v4 =	vld [tilespmem:s28+$0x0]  }
0x64: {  	v6 =	vld [tilespmem:s28+$0x10]  }
0x65: {  	v5 =	vld [tilespmem:s28+$0x20]  }
0x66: {  	v3 =	vld [tilespmem:s28+$0x30]  }
0x67: {  	v2 =	vld [tilespmem:s28+$0x40]  }
0x68: {  	v7 =	vadd.s32 v0, v4;
	v4 =	vld [tilespmem:s28+$0x50]  }
0x69: {  	s29 =	simm.s32 $0x200;
	[tilespmem:s28+$0x0] =	vst v7;
	v7 =	vadd.s32 v0, v6;
	v6 =	vld [tilespmem:s28+$0x60]  }
.LBB2_8:
0x6a: {  	s30 =	sshra.s32 s29, $0x2;
	p1 =	sne.s32 s29, $0x4E00;
	[tilespmem:s28+$0x10] =	vst v7;
	v5 =	vadd.s32 v0, v5;
	v7 =	vld [tilespmem:s28+$0x70]  }
0x6b: {  	v8 =	vld [tilespmem:s30+$0x0];
	[tilespmem:s28+$0x20] =	vst v5;
	v3 =	vadd.s32 v0, v3  }
0x6c: {  	v9 =	vld [tilespmem:s30+$0x10];
	[tilespmem:s28+$0x30] =	vst v3;
	v2 =	vadd.s32 v0, v2  }
.Ltmp3:
0x6d: {  	v5 =	vld [tilespmem:s30+$0x20];
	[tilespmem:s28+$0x40] =	vst v2;
	v2 =	vadd.s32 v0, v4;
	(pc) =	sbr.rel @p1 .LBB2_8-.Ltmp3, $4  }
0x6e: {  	v3 =	vld [tilespmem:s30+$0x30];
	[tilespmem:s28+$0x50] =	vst v2;
	v4 =	vadd.s32 v0, v6  }
0x6f: {  	v2 =	vld [tilespmem:s30+$0x40];
	[tilespmem:s28+$0x60] =	vst v4;
	v6 =	vadd.s32 v0, v7  }
0x70: {  	v7 =	vadd.s32 v0, v8;
	v4 =	vld [tilespmem:s30+$0x50];
	[tilespmem:s28+$0x70] =	vst v6;
	s28 =	smov.u32 s30  }
0x71: {  	s29 =	sadd.s32 $0x200, s29;
	[tilespmem:s28+$0x0] =	vst v7;
	v7 =	vadd.s32 v0, v9;
	v6 =	vld [tilespmem:s28+$0x60]  }
0x72: {  	[tilespmem:s28+$0x10] =	vst v7;
	v5 =	vadd.s32 v0, v5;
	v63 =	vld [tilespmem:s28+$0x70]  }
0x73: {  	[tilespmem:s28+$0x20] =	vst v5;
	v3 =	vadd.s32 v0, v3  }
0x74: {  	[tilespmem:s28+$0x30] =	vst v3;
	v2 =	vadd.s32 v0, v2  }
0x75: {  	[tilespmem:s28+$0x40] =	vst v2;
	v2 =	vadd.s32 v0, v4  }
0x76: {  	[tilespmem:s28+$0x50] =	vst v2;
	v2 =	vadd.s32 v0, v6  }
0x77: {  	[tilespmem:s28+$0x60] =	vst v2;
	v2 =	vadd.s32 v0, v63  }
0x78: {  	[tilespmem:s28+$0x70] =	vst v2  }
0x79: {  	[tilespmem:s19], [sflag:$0x1] =	stream.indirect.gather [hbm4b:s4+s18], $0x80, s3, s18, $0xb8;
	[tilespmem:$0x1E800] =	vst v63  }
.LBB2_10:
0x7a: {  	s28 =	simm.s32 $0x80  }
0x7b: {  	[tilespmem:s20], [sflag:$0x2] =	stream.indirect.gather [hbm4b:s4+s18], $0x80, s28, s18, $0xb8;
	[tilespmem:$0x1E800] =	vst v63  }
0x7c: {  	_ =	swait.ge [sflag:s21], $0x4000  }
0x7d: {  	[sflag:s21] =	ssyncset.done $0x0  }
0x7e: {  	s28 =	simm.s32 $0x1400;
	[sflag:s21] =	ssyncadd.s32 $0xFFFFC000  }
0x7f: {  	[spmem:s1] =	stream.indirect.scatter.add.f32 [tilespmem:s19], [sflag:$0x3], $0x80, s28, s18, $0xb8;
	[tilespmem:$0x1E800] =	vst v63  }
0x80: {  	_ =	swait.ge [sflag:s16], $0x4000  }
0x81: {  	[sflag:s16] =	ssyncset.done $0x0  }
0x82: {  	s28 =	simm.s32 $0x100;
	[sflag:s16] =	ssyncadd.s32 $0xFFFFC000  }
0x83: {  	[tilespmem:s19], [sflag:$0x1] =	stream.indirect.gather [hbm4b:s4+s18], $0x80, s28, s18, $0xb8;
	[tilespmem:$0x1E800] =	vst v63  }
0x84: {  	_ =	swait.ge [sflag:s22], $0x4000  }
0x85: {  	[sflag:s22] =	ssyncset.done $0x0  }
0x86: {  	s28 =	simm.s32 $0x1480;
	[sflag:s22] =	ssyncadd.s32 $0xFFFFC000  }
0x87: {  	[spmem:s1] =	stream.indirect.scatter.add.f32 [tilespmem:s20], [sflag:$0x3], $0x80, s28, s18, $0xb8;
	[tilespmem:$0x1E800] =	vst v63  }
0x88: {  	_ =	swait.ge [sflag:s16], $0x4000  }
0x89: {  	s29 =	simm.s32 $0x800;
	s28 =	simm.s32 $0x100;
	[sflag:s16] =	ssyncset.done $0x0  }
.LBB2_11:
0x8a: {  	s30 =	sadd.s32 $0x80, s28  }
0x8b: {  	[sflag:s16] =	ssyncadd.s32 $0xFFFFC000;
	s31 =	smov.u32 s29;
	s0 =	sadd.s32 $0x400, s29  }
0x8c: {  	[tilespmem:s20], [sflag:$0x2] =	stream.indirect.gather [hbm4b:s4+s18], $0x80, s30, s18, $0xb8;
	[tilespmem:$0x1E800] =	vst v63  }
0x8d: {  	p1 =	sne.s32 s29, $0x4800;
	_ =	swait.ge [sflag:s21], $0x4000  }
0x8e: {  	[sflag:s21] =	ssyncset.done $0x0  }
0x8f: {  	s29 =	sadd.s32 $0x1400, s28;
	[sflag:s21] =	ssyncadd.s32 $0xFFFFC000  }
0x90: {  	[spmem:s1] =	stream.indirect.scatter.add.f32 [tilespmem:s19], [sflag:$0x3], $0x80, s29, s18, $0xb8;
	[tilespmem:$0x1E800] =	vst v63  }
0x91: {  	_ =	swait.ge [sflag:s16], $0x4000  }
0x92: {  	[sflag:s16] =	ssyncset.done $0x0  }
0x93: {  	s29 =	sadd.s32 $0x100, s28;
	[sflag:s16] =	ssyncadd.s32 $0xFFFFC000  }
0x94: {  	[tilespmem:s19], [sflag:$0x1] =	stream.indirect.gather [hbm4b:s4+s18], $0x80, s29, s18, $0xb8;
	[tilespmem:$0x1E800] =	vst v63  }
0x95: {  	_ =	swait.ge [sflag:s22], $0x4000  }
.Ltmp4:
0x96: {  	[sflag:s22] =	ssyncset.done $0x0;
	(pc) =	sbr.rel @p1 .LBB2_11-.Ltmp4, $4  }
0x97: {  	s28 =	sadd.s32 $0x1480, s28;
	[sflag:s22] =	ssyncadd.s32 $0xFFFFC000  }
0x98: {  	[spmem:s1] =	stream.indirect.scatter.add.f32 [tilespmem:s20], [sflag:$0x3], $0x80, s28, s18, $0xb8;
	[tilespmem:$0x1E800] =	vst v63  }
0x99: {  	_ =	swait.ge [sflag:s16], $0x4000  }
0x9a: {  	s29 =	smov.u32 s0;
	s28 =	sshra.s32 s31, $0x2;
	[sflag:s16] =	ssyncset.done $0x0  }
0x9b: {  	s0 =	sadd.s32 $0x80, s28;
	[sflag:s16] =	ssyncadd.s32 $0xFFFFC000  }
0x9c: {  	[tilespmem:s20], [sflag:$0x2] =	stream.indirect.gather [hbm4b:s4+s18], $0x80, s0, s18, $0xb8;
	[tilespmem:$0x1E800] =	vst v63  }
0x9d: {  	_ =	swait.ge [sflag:s21], $0x4000  }
0x9e: {  	[sflag:s21] =	ssyncset.done $0x0  }
0x9f: {  	s29 =	sadd.s32 $0x1400, s28;
	[sflag:s21] =	ssyncadd.s32 $0xFFFFC000  }
0xa0: {  	[spmem:s1] =	stream.indirect.scatter.add.f32 [tilespmem:s19], [sflag:$0x3], $0x80, s29, s18, $0xb8;
	[tilespmem:$0x1E800] =	vst v63  }
0xa1: {  	_ =	swait.ge [sflag:s16], $0x4000  }
0xa2: {  	[sflag:s16] =	ssyncset.done $0x0  }
0xa3: {  	s30 =	sadd.s32 $0x100, s28;
	[sflag:s16] =	ssyncadd.s32 $0xFFFFC000  }
0xa4: {  	[tilespmem:s19], [sflag:$0x1] =	stream.indirect.gather [hbm4b:s4+s18], $0x80, s30, s18, $0xb8;
	[tilespmem:$0x1E800] =	vst v63  }
0xa5: {  	_ =	swait.ge [sflag:s22], $0x4000  }
0xa6: {  	[sflag:s22] =	ssyncset.done $0x0  }
0xa7: {  	s31 =	sadd.s32 $0x1480, s28;
	[sflag:s22] =	ssyncadd.s32 $0xFFFFC000  }
0xa8: {  	[spmem:s1] =	stream.indirect.scatter.add.f32 [tilespmem:s20], [sflag:$0x3], $0x80, s31, s18, $0xb8;
	[tilespmem:$0x1E800] =	vst v63  }
0xa9: {  	_ =	swait.ge [sflag:s16], $0x4000  }
0xaa: {  	[sflag:s16] =	ssyncset.done $0x0  }
0xab: {  	[sflag:s16] =	ssyncadd.s32 $0xFFFFC000  }
0xac: {  	[tilespmem:s20], [sflag:$0x2] =	stream.indirect.gather [hbm4b:s4+s18], $0x80, s23, s18, $0xb8;
	[tilespmem:$0x1E800] =	vst v63  }
0xad: {  	_ =	swait.ge [sflag:s21], $0x4000  }
0xae: {  	[sflag:s21] =	ssyncset.done $0x0  }
0xaf: {  	[sflag:s21] =	ssyncadd.s32 $0xFFFFC000  }
0xb0: {  	[spmem:s1] =	stream.indirect.scatter.add.f32 [tilespmem:s19], [sflag:$0x3], $0x80, s24, s18, $0xb8;
	[tilespmem:$0x1E800] =	vst v63  }
0xb1: {  	_ =	swait.ge [sflag:s16], $0x4000  }
0xb2: {  	[sflag:s16] =	ssyncset.done $0x0  }
0xb3: {  	[sflag:s16] =	ssyncadd.s32 $0xFFFFC000  }
0xb4: {  	_ =	swait.ge [sflag:s22], $0x4000  }
0xb5: {  	[sflag:s22] =	ssyncset.done $0x0  }
.Ltmp5:
0xb6: {  	[sflag:s22] =	ssyncadd.s32 $0xFFFFC000;
	(pc) =	sbr.rel @p0 .LBB2_6-.Ltmp5, $4  }
0xb7: {  	[spmem:s1] =	stream.indirect.scatter.add.f32 [tilespmem:s20], [sflag:$0x3], $0x80, s25, s18, $0xb8;
	[tilespmem:$0x1E800] =	vst v63  }
0xb8: {  	_ =	swait.ge [sflag:s16], $0x4000  }
0xb9: {  	[sflag:s16] =	ssyncset.done $0x0  }
0xba: {  	p1 =	por $0x0, $0x0;
	p2 =	por $0x1, $0x1;
	[sflag:s16] =	ssyncadd.s32 $0xFFFFC000  }
0xbb: {  	s26 =	sadd.s32 $0x1, s26  }
0xbc: {  	s0 =	sshll.u32 s2, $0x6;
	[bflag:$0x0] =	sbarrier.arrive $0xFFFF;
	p0 =	sne.s32 s26, s15  }
.Ltmp6:
0xbd: {  	s28 =	sshrl.u32 s7, $0x3;
	s0 =	sor.u32 $0x1C03, s0;
	(pc) =	sbr.rel @p0 .LBB2_1-.Ltmp6, $4  }
0xbe: {  	[hbm:s14], [sflag:s0] =	dma.local [spmem:s28], $0x2800  }
0xbf: {  	_ =	swait.ge [sflag:s16], $0x2800  }
0xc0: {  	[sflag:s16] =	ssyncset.done $0x0  }
0xc1: {  	[sflag:s16] =	ssyncadd.s32 $0xFFFFD800  }
0xc2: {  	_ =	sfence.sel $0x180000  }
0xc3: {  	[bflag:$0x0] =	sbarrier.arrive $0xFFFF  }
0xc4: {  	_ =	strace $0x9000004D  }
0xc5: {  	[bflag:$0x2] =	sbarrier.arrive $0xFFFF  }
0xc6: {  	p0 =	sne.s32 s2, $0x0;
	s0 =	rddreg [dreg:$0x3]  }
0xc7: {  	s0 =	sadd.s32 @!p0 $0x100000, s0  }
0xc8: {  	[sflag:s0] =	ssyncadd.tile.s32 @!p0 $0x1;
	_ =	shalt  }
.Lfunc_end2:
_tile_overlayer_lowered:
.L_overlay_start_2:
0xc9: {  	(tag) =	ssettag $0x2  }
0xca: {  	s0 =	rddreg [dreg:$0x0];
	s2 =	stileid.u32  }
0xcb: {  	s1 =	rddreg [dreg:$0x1];
	p0 =	sne.s32 s2, $0x0  }
0xcc: {  	s3 =	rddreg [dreg:$0x2];
	[bflag:$0x3] =	sbarrier.arrive $0xFFFF;
	s2 =	simm.s32 @!p0 $0x1C03  }
0xcd: {  	[timem:s3], [sflag:s2] =	dma.local @!p0 [hbm:s0], s1  }
0xce: {  	s0 =	simm.s32 @!p0 $0x3  }
0xcf: {  	_ =	swait.ge @!p0 [sflag:s0], s1  }
0xd0: {  	s1 =	ssub.s32 @!p0 $0x0, s1;
	[sflag:s0] =	ssyncset.done @!p0 $0x0  }
0xd1: {  	[sflag:s0] =	ssyncadd.s32 @!p0 s1  }
0xd2: {  	[bflag:$0x3] =	sbarrier.arrive $0xFFFF  }
0xd3: {  	_ =	shalt  }

// kernel: kernel.8.cloned.1.call-start
scs
__scs_entry_jumppad:
0x0: {  	(pc) =	sbr.rel $0x88, $3  }
0x1: {  	(tag) =	ssettag $0x0;
	lr =	simm.s32 $0x1  }
0x2: {  	[smem:$0x3F9B] =	sst lr;
	_ =	strace $0xD0000000  }
0x3: {  	_ = 	snop  }
0x4: {  	_ = 	snop  }
0x5: {  	_ = 	snop  }
0x6: {  	_ = 	snop  }
0x7: {  	_ = 	snop  }
__scs_overlays_trampoline_lowered:
0x8: {  	[smem:$0x3FAA] =	sst s0  }
0x9: {  	[smem:$0x3FAB] =	sst s1  }
0xa: {  	[smem:$0x3FAC] =	sst s2  }
0xb: {  	[smem:$0x3FAD] =	sst s3  }
0xc: {  	[smem:$0x3FAE] =	sst s4  }
0xd: {  	[smem:$0x3FAF] =	sst s5  }
0xe: {  	[smem:$0x3FB0] =	sst s6  }
0xf: {  	[smem:$0x3FB1] =	sst s7  }
0x10: {  	[smem:$0x3FB2] =	sst s8  }
0x11: {  	[smem:$0x3FB3] =	sst s9;
	s0 =	simm.s32 @!p0 $0x0  }
0x12: {  	s1 =	sld [smem:$0x3F99];
	s0 =	simm.s32 @p0 $0x1  }
0x13: {  	[smem:$0x3FB4] =	sst s0;
	s0 =	simm.s32 @!p1 $0x0  }
0x14: {  	s2 =	sld [smem:$0x3F98];
	s0 =	simm.s32 @p1 $0x1  }
0x15: {  	[smem:$0x3FB5] =	sst s0;
	s0 =	simm.s32 @!p2 $0x0  }
0x16: {  	s3 =	sld [smem:$0x3FDB];
	s0 =	simm.s32 @p2 $0x1  }
0x17: {  	s4 =	simm.s32 $0x1BF5;
	[smem:$0x3FB7] =	sst s0  }
0x18: {  	s0 =	sld [smem:$0x3F9A];
	_ =	swait.ge [sflag:s4], $0x0  }
0x19: {  	s7 =	sld [smem:$0x3F9B]  }
0x1a: {  	s8 =	sadd.s32 $0xFFFFE003, lr  }
0x1b: {  	s9 =	sadd.s32 $0xFFFFFEF7, lr;
	s5 =	simm.s32 $0xFFFFFFFF;
	p2 =	slt.u32 s8, $0xFFFFF086  }
0x1c: {  	p1 =	slt.u32 s9, $0xF7A;
	s5 =	simm.s32 @!p2 $0x0  }
0x1d: {  	s5 =	simm.s32 @p1 $0x1;
	p0 =	seq.s32 s7, s2  }
0x1e: {  	s7 =	smul.u32 @!p0 $0xF7A, s2;
	p2 =	seq.s32 @!p0 s5, $0x0  }
0x1f: {  	s9 =	smul.u32 $0xF7A, s1;
	s8 =	simm.s32 @!p0 $0x1BF5;
	p2 =	por !p2, p0  }
0x20: {  	[sflag:s8] =	ssyncset.s32 @!p0 $0xFFFFF086;
	s6 =	sadd.s32 @!p0 s3, s7;
	s7 =	simm.s32 @!p0 $0x108  }
0x21: {  	s3 =	sadd.s32 s3, s9;
	s6 =	sadd.s32 @!p0 $0x88, s6;
	s7 =	simm.s32 @p2 $0x1082  }
0x22: {  	[simem:s7], [sflag:s8] =	dma.local @!p0 [hbm:s6], $0xF7A  }
0x23: {  	s9 =	sor.u32 $0xD0000000, s2;
	s6 =	simm.s32 $0x108;
	_ =	swait.ge @!p0 [sflag:s8], $0x0  }
0x24: {  	s3 =	sadd.s32 $0x88, s3;
	s6 =	simm.s32 @!p1 $0x1082;
	[sflag:s4] =	ssyncset.s32 $0xFFFFF086  }
0x25: {  	[simem:s6], [sflag:s4] =	dma.local [hbm:s3], $0xF7A  }
0x26: {  	[smem:$0x3F9B] =	sst s1;
	(tag) =	ssettag s2;
	_ =	strace s9  }
0x27: {  	s1 =	sld [smem:$0x3FAB]  }
0x28: {  	s2 =	sld [smem:$0x3FAC]  }
0x29: {  	s4 =	sld [smem:$0x3FAE]  }
0x2a: {  	p0 =	seq.s32 s5, $0x0;
	s5 =	sld [smem:$0x3FAF]  }
0x2b: {  	s6 =	sld [smem:$0x3FB0]  }
0x2c: {  	s7 =	sld [smem:$0x3FB1]  }
0x2d: {  	s3 =	simm.s32 $0x108;
	s8 =	sld [smem:$0x3FB2]  }
0x2e: {  	s3 =	simm.s32 @!p0 $0x1082;
	s9 =	sld [smem:$0x3FB3]  }
0x2f: {  	lr =	sadd.s32 s0, s3;
	s0 =	sld [smem:$0x3FAA]  }
0x30: {  	s3 =	sld [smem:$0x3FAD]  }
0x31: {  	[smem:$0x3FB6] =	sst s10  }
0x32: {  	s10 =	sld [smem:$0x3FB4];
	_ =	sdelay $0x3  }
0x33: {  	p0 =	seq.s32 s10, $0x1;
	s10 =	sld [smem:$0x3FB6];
	_ =	sdelay $0x3  }
0x34: {  	[smem:$0x3FB6] =	sst s10  }
0x35: {  	s10 =	sld [smem:$0x3FB5];
	_ =	sdelay $0x3  }
0x36: {  	p1 =	seq.s32 s10, $0x1;
	s10 =	sld [smem:$0x3FB6];
	_ =	sdelay $0x3  }
0x37: {  	[smem:$0x3FB6] =	sst s10  }
0x38: {  	s10 =	sld [smem:$0x3FB7]  }
0x39: {  	_ = 	snop;
	(pc) =	sbr.ind lr, $3  }
0x3a: {  	_ = 	snop  }
0x3b: {  	_ = 	snop  }
0x3c: {  	p2 =	seq.s32 s10, $0x1;
	s10 =	sld [smem:$0x3FB6]  }
0x3d: {  	_ =	shalt  }
0x3e: {  	_ =	shalt  }
0x3f: {  	_ =	shalt  }
0x40: {  	_ =	shalt  }
0x41: {  	_ =	shalt  }
0x42: {  	_ =	shalt  }
0x43: {  	_ =	shalt  }
0x44: {  	_ =	shalt  }
0x45: {  	_ =	shalt  }
0x46: {  	_ =	shalt  }
0x47: {  	_ =	shalt  }
0x48: {  	_ =	shalt  }
0x49: {  	_ =	shalt  }
0x4a: {  	_ =	shalt  }
0x4b: {  	_ =	shalt  }
0x4c: {  	_ =	shalt  }
0x4d: {  	_ =	shalt  }
0x4e: {  	_ =	shalt  }
0x4f: {  	_ =	shalt  }
0x50: {  	_ =	shalt  }
0x51: {  	_ =	shalt  }
0x52: {  	_ =	shalt  }
0x53: {  	_ =	shalt  }
0x54: {  	_ =	shalt  }
0x55: {  	_ =	shalt  }
0x56: {  	_ =	shalt  }
0x57: {  	_ =	shalt  }
0x58: {  	_ =	shalt  }
0x59: {  	_ =	shalt  }
0x5a: {  	_ =	shalt  }
0x5b: {  	_ =	shalt  }
0x5c: {  	_ =	shalt  }
0x5d: {  	_ =	shalt  }
0x5e: {  	_ =	shalt  }
0x5f: {  	_ =	shalt  }
0x60: {  	_ =	shalt  }
0x61: {  	_ =	shalt  }
0x62: {  	_ =	shalt  }
0x63: {  	_ =	shalt  }
0x64: {  	_ =	shalt  }
0x65: {  	_ =	shalt  }
0x66: {  	_ =	shalt  }
0x67: {  	_ =	shalt  }
0x68: {  	_ =	shalt  }
0x69: {  	_ =	shalt  }
0x6a: {  	_ =	shalt  }
0x6b: {  	_ =	shalt  }
0x6c: {  	_ =	shalt  }
0x6d: {  	_ =	shalt  }
0x6e: {  	_ =	shalt  }
0x6f: {  	_ =	shalt  }
0x70: {  	_ =	shalt  }
0x71: {  	_ =	shalt  }
0x72: {  	_ =	shalt  }
0x73: {  	_ =	shalt  }
0x74: {  	_ =	shalt  }
0x75: {  	_ =	shalt  }
0x76: {  	_ =	shalt  }
0x77: {  	_ =	shalt  }
0x78: {  	_ =	shalt  }
0x79: {  	_ =	shalt  }
0x7a: {  	_ =	shalt  }
0x7b: {  	_ =	shalt  }
0x7c: {  	_ =	shalt  }
0x7d: {  	_ =	shalt  }
0x7e: {  	_ =	shalt  }
0x7f: {  	_ =	shalt  }
0x80: {  	_ =	shalt  }
0x81: {  	_ =	shalt  }
0x82: {  	_ =	shalt  }
0x83: {  	_ =	shalt  }
0x84: {  	_ =	shalt  }
0x85: {  	_ =	shalt  }
0x86: {  	_ =	shalt  }
0x87: {  	_ =	shalt  }
.Lfunc_end0:
.L_simem_size_0:
called_computation_lowered:
.L_overlay_start_0:
0x88: {  	s2 =	sld [smem:$0x3FD9]  }
0x89: {  	s3 =	sld [smem:$0x3FFE];
	_ =	sdelay $0x1  }
0x8a: {  	s1 =	srdreg.scid  }
0x8b: {  	s0 =	sand.u32 $0x1, s1  }
0x8c: {  	s17 =	sshll.u32 s0, $0xA;
	s2 =	sadd.s32 s3, s2  }
0x8d: {  	s2 =	sadd.s32 s2, s17  }
0x8e: {  	[smem:$0x3FC2] =	sst s2  }
0x8f: {  	_ = 	snop  }
0x90: {  	s2 =	sld [smem:$0x3FD0];
	(tm) =	ssettm $0x1  }
0x91: {  	s18 =	sld [smem:$0x3FFB];
	_ =	sdelay $0x3  }
0x92: {  	_ =	strace s18  }
0x93: {  	s3 =	sld [smem:$0x3FFC];
	_ =	sdelay $0x3  }
0x94: {  	_ =	strace s3  }
0x95: {  	s3 =	sld [smem:$0x3FFD];
	_ =	sdelay $0x3  }
0x96: {  	_ =	strace s3  }
0x97: {  	_ =	strace $0x8FFFFFFF  }
0x98: {  	s19 =	sld [smem:$0x3FDB];
	_ =	sdelay $0x1  }
0x99: {  	s4 =	simm.s32 $_scs_section_size  }
0x9a: {  	s5 =	simm.s32 $_size__tile_overlayer_lowered;
	s6 =	simm.s32 $_tile_overlayer_lowered  }
0x9b: {  	s22 =	simm.s32 $0x1BFF;
	s21 =	sshll.u32 s6, $0x1;
	s3 =	sadd.s32 s4, s19  }
0x9c: {  	s7 =	simm.s32 $0x0;
	s20 =	sshll.u32 s5, $0x1;
	s5 =	sadd.s32 s21, s3  }
0x9d: {  	[timem:s7], [sflag:s22] =	dma.local [hbm:s5], s20  }
0x9e: {  	_ =	swait.ge [sflag:s22], s20  }
0x9f: {  	s4 =	ssub.s32 $0x0, s20;
	[sflag:s22] =	ssyncset.done $0x0  }
0xa0: {  	[sflag:s22] =	ssyncadd.s32 s4;
	_ =	sdelay $0x1  }
0xa1: {  	s23 =	simm.s32 $0x1B8B  }
0xa2: {  	_ =	swait.ge [sflag:s23], $0x1  }
0xa3: {  	[sflag:s23] =	ssyncset.done $0x0  }
0xa4: {  	s25 =	simm.s32 $0x1B8E;
	s24 =	sld [smem:$0x3FFE];
	[sflag:s23] =	ssyncadd.s32 $0xFFFFFFFF  }
0xa5: {  	s26 =	simm.s32 $execute0_lowered;
	[smem:$0x3FD2] =	sst s25  }
0xa6: {  	s5 =	sshll.u32 s26, $0x1;
	_ =	strace $0x80000046;
	[dreg:$0x1] =	wrdreg $0xFFFFFFFF  }
0xa7: {  	s28 =	simm.s32 $_size_execute0_lowered;
	s3 =	sadd.s32 s3, s5;
	[dreg:$0x0] =	wrdreg $0x0  }
0xa8: {  	s5 =	sshll.u32 s28, $0x1;
	[dreg:$0x2] =	wrdreg s3  }
0xa9: {  	[dreg:$0x3] =	wrdreg s5  }
0xaa: {  	[dreg:$0x4] =	wrdreg $0xC0  }
0xab: {  	_ =	task [dreg:s7], $0x5FFFF  }
0xac: {  	[dreg:$0x1] =	wrdreg $0xFFFFFFFF  }
0xad: {  	[dreg:$0x0] =	wrdreg $0x60  }
0xae: {  	[dreg:$0x2] =	wrdreg s2  }
0xaf: {  	[dreg:$0x3] =	wrdreg s24  }
0xb0: {  	[dreg:$0x4] =	wrdreg $0x54000  }
0xb1: {  	[dreg:$0x5] =	wrdreg $0x9  }
0xb2: {  	_ =	task.clear_ibuf [dreg:s7], $0x6FFFF;
	_ =	strace $0x90000046  }
0xb3: {  	s29 =	simm.s32 $0x9;
	_ =	strace $0x80000048  }
0xb4: {  	_ =	swait.ge [sflag:s29], $0x1  }
0xb5: {  	[sflag:s29] =	ssyncadd.s32 $0xFFFFFFFF  }
0xb6: {  	_ =	strace $0x90000048  }
0xb7: {  	_ =	sfence  }
0xb8: {  	s30 =	sld [smem:$0x0];
	_ =	sdelay $0x2  }
0xb9: {  	s31 =	sshll.u32 s1, $0xD;
	s1 =	sshrl.u32 s1, $0x2  }
0xba: {  	s3 =	sand.u32 $0x4000, s31;
	s1 =	sadd.s32 s1, s30  }
0xbb: {  	s0 =	sor.u32 s3, s0;
	s1 =	sshll.u32 s1, $0x11  }
0xbc: {  	s0 =	sor.u32 s1, s0  }
0xbd: {  	s0 =	sadd.s32 $0x8F2B, s0  }
0xbe: {  	[sflag:s0] =	ssyncadd.remote.s32 $0x1  }
0xbf: {  	_ =	sfence.sel $0xFFFF  }
0xc0: {  	[dreg:$0x0] =	wrdreg $0xFFFFFFFF;
	(pc) =	sbr.abs _section_cstart, $3  }
0xc1: {  	[dreg:$0x1] =	wrdreg $0xFFFFFFFF  }
0xc2: {  	_ =	task.clear_ibuf [dreg:s7], $0x2FFFF;
	_ =	strace $0x9FFFFFFF  }
0xc3: {  	(tm) =	ssettm $0x7FFFFFFF  }
tec
execute0_lowered:
.L_overlay_start_1:
0x0: {  	(tag) =	ssettag $0x1  }
0x1: {  	s9 =	rddreg [dreg:$0x0]  }
0x2: {  	s1 =	srdreg.scid;
	s4 =	rddreg [dreg:$0x1]  }
0x3: {  	s0 =	stileid.u32;
	s2 =	rddreg [dreg:$0x2];
	s3 =	simm.s32 $0x0  }
0x4: {  	s13 =	simm.s32 $0x1;
	s5 =	sand.u32 $0x1, s1;
	s1 =	rddreg [dreg:$0x3]  }
0x5: {  	s14 =	simm.s32 $0x80;
	s6 =	smul.u32 $0x2800, s0;
	[smem:$0x7FF] =	sst s3  }
0x6: {  	s28 =	smul.u32 $0x50000, s0;
	s31 =	sshll.u32 s0, $0x1;
	s15 =	sshll.u32 s0, $0x6  }
0x7: {  	s7 =	smul.u32 $0x28000, s5;
	_ =	strace $0x80000047;
	s29 =	ssub.s32 $0x2, s5  }
0x8: {  	s15 =	sor.u32 $0x1C01, s15;
	s30 =	sshrl.u32 s28, $0x2;
	s8 =	sshrl.u32 s29, $0x1  }
0x9: {  	s6 =	sadd.s32 s6, s7;
	s7 =	sor.u32 s5, s31;
	s11 =	ssub.s32 s29, s8  }
0xa: {  	s10 =	sadd.s32 s6, s4;
	s4 =	sadd.s32 s30, s2;
	s12 =	smul.u32 $0x280, s7  }
0xb: {  	s11 =	smax.u32 s11, $0x1;
	s5 =	sadd.s32 $0x4000, s4;
	s6 =	sadd.s32 $0x8000, s4  }
0xc: {  	s7 =	sadd.s32 $0xC000, s4;
	s8 =	sadd.s32 $0x10000, s4;
	s10 =	sadd.s32 $0x2200, s10  }
0xd: {  	v0 =	vimm.f32 $0.0e+00;
	v1 =	vimm.f32 $1.000000000e+00;
	s16 =	sshrl.u32 s4, $0x3;
	s9 =	sadd.s32 s9, s12;
	s12 =	simm.s32 $0x1400  }
.LBB2_1:
0xe: {  	s17 =	simm.s32 $0x0;
	s18 =	simm.s32 $0x200  }
.LBB2_2:
0xf: {  	p0 =	sne.s32 s18, $0xFE00;
	[tilespmem:s17+$0x1470] =	vst v0  }
0x10: {  	[tilespmem:s17+$0x1400] =	vst v0  }
0x11: {  	[tilespmem:s17+$0x1410] =	vst v0  }
.Ltmp0:
0x12: {  	[tilespmem:s17+$0x1420] =	vst v0;
	(pc) =	sbr.rel @p0 .LBB2_2-.Ltmp0, $4  }
0x13: {  	[tilespmem:s17+$0x1430] =	vst v0  }
0x14: {  	[tilespmem:s17+$0x1440] =	vst v0  }
0x15: {  	[tilespmem:s17+$0x1450] =	vst v0  }
0x16: {  	[tilespmem:s17+$0x1460] =	vst v0;
	s17 =	sshra.s32 s18, $0x2;
	s18 =	sadd.s32 $0x200, s18  }
0x17: {  	[tilespmem:s17+$0x1470] =	vst v0  }
0x18: {  	[tilespmem:s17+$0x1400] =	vst v0  }
0x19: {  	[tilespmem:s17+$0x1410] =	vst v0  }
0x1a: {  	[tilespmem:s17+$0x1420] =	vst v0  }
0x1b: {  	[tilespmem:s17+$0x1430] =	vst v0  }
0x1c: {  	[tilespmem:s17+$0x1440] =	vst v0  }
0x1d: {  	[tilespmem:s17+$0x1450] =	vst v0  }
0x1e: {  	[tilespmem:s17+$0x1460] =	vst v0  }
0x1f: {  	[spmem:s4] =	stream.linear.scatter [tilespmem:s12], [sflag:$0x1], $0x4000, $0x38;
	[tilespmem:$0x19400] =	vst v63  }
0x20: {  	_ =	swait.ge [sflag:s13], $0x4000  }
0x21: {  	[sflag:s13] =	ssyncset.done $0x0  }
0x22: {  	[sflag:s13] =	ssyncadd.s32 $0xFFFFC000  }
0x23: {  	[spmem:s5] =	stream.linear.scatter [tilespmem:s12], [sflag:$0x1], $0x4000, $0x38;
	[tilespmem:$0x19400] =	vst v63  }
0x24: {  	_ =	swait.ge [sflag:s13], $0x4000  }
0x25: {  	[sflag:s13] =	ssyncset.done $0x0  }
0x26: {  	[sflag:s13] =	ssyncadd.s32 $0xFFFFC000  }
0x27: {  	[spmem:s6] =	stream.linear.scatter [tilespmem:s12], [sflag:$0x1], $0x4000, $0x38;
	[tilespmem:$0x19400] =	vst v63  }
0x28: {  	_ =	swait.ge [sflag:s13], $0x4000  }
0x29: {  	[sflag:s13] =	ssyncset.done $0x0  }
0x2a: {  	[sflag:s13] =	ssyncadd.s32 $0xFFFFC000  }
0x2b: {  	[spmem:s7] =	stream.linear.scatter [tilespmem:s12], [sflag:$0x1], $0x4000, $0x38;
	[tilespmem:$0x19400] =	vst v63  }
0x2c: {  	_ =	swait.ge [sflag:s13], $0x4000  }
0x2d: {  	[sflag:s13] =	ssyncset.done $0x0  }
0x2e: {  	[sflag:s13] =	ssyncadd.s32 $0xFFFFC000  }
0x2f: {  	[spmem:s8] =	stream.linear.scatter [tilespmem:s12], [sflag:$0x1], $0x4000, $0x38;
	[tilespmem:$0x19400] =	vst v63  }
0x30: {  	_ =	swait.ge [sflag:s13], $0x4000  }
0x31: {  	[sflag:s13] =	ssyncset.done $0x0  }
0x32: {  	s31 =	simm.s32 $0x0;
	[sflag:s13] =	ssyncadd.s32 $0xFFFFC000  }
0x33: {  	[tilespmem:s31], [sflag:$0x1] =	stream.linear.gather [hbm4b:s9+s31], $0x1400, $0x38;
	[tilespmem:$0x19400] =	vst v63  }
0x34: {  	_ =	swait.ge [sflag:s13], $0x1400  }
0x35: {  	[sflag:s13] =	ssyncset.done $0x0  }
0x36: {  	s17 =	simm.s32 $0x0;
	s18 =	simm.s32 $0x200;
	[sflag:s13] =	ssyncadd.s32 $0xFFFFEC00  }
.LBB2_4:
0x37: {  	p0 =	sne.s32 s18, $0xFE00;
	[tilespmem:s17+$0x1470] =	vst v1  }
0x38: {  	[tilespmem:s17+$0x1400] =	vst v1  }
0x39: {  	[tilespmem:s17+$0x1410] =	vst v1  }
.Ltmp1:
0x3a: {  	[tilespmem:s17+$0x1420] =	vst v1;
	(pc) =	sbr.rel @p0 .LBB2_4-.Ltmp1, $4  }
0x3b: {  	[tilespmem:s17+$0x1430] =	vst v1  }
0x3c: {  	[tilespmem:s17+$0x1440] =	vst v1  }
0x3d: {  	[tilespmem:s17+$0x1450] =	vst v1  }
0x3e: {  	[tilespmem:s17+$0x1460] =	vst v1;
	s17 =	sshra.s32 s18, $0x2;
	s18 =	sadd.s32 $0x200, s18  }
0x3f: {  	[tilespmem:s17+$0x1470] =	vst v1  }
0x40: {  	[tilespmem:s17+$0x1400] =	vst v1  }
0x41: {  	[tilespmem:s17+$0x1410] =	vst v1  }
0x42: {  	[tilespmem:s17+$0x1420] =	vst v1  }
0x43: {  	[tilespmem:s17+$0x1430] =	vst v1  }
0x44: {  	[tilespmem:s17+$0x1440] =	vst v1  }
0x45: {  	[tilespmem:s17+$0x1450] =	vst v1  }
0x46: {  	[tilespmem:s17+$0x1460] =	vst v1  }
0x47: {  	s31 =	simm.s32 $0x0;
	[bflag:$0x0] =	sbarrier.arrive $0xFFFF  }
0x48: {  	[spmem:s2] =	stream.indirect.scatter.add.f32 [tilespmem:s12], [sflag:$0x1], $0x80, s31, s14, $0xb8;
	[tilespmem:$0x19400] =	vst v63  }
0x49: {  	_ =	swait.ge [sflag:s13], $0x4000  }
0x4a: {  	s17 =	simm.s32 $0x200;
	[sflag:s13] =	ssyncset.done $0x0  }
.LBB2_6:
0x4b: {  	s18 =	sshra.s32 s17, $0x2;
	[sflag:s13] =	ssyncadd.s32 $0xFFFFC000;
	p0 =	sne.s32 s17, $0x4E00  }
0x4c: {  	[spmem:s2] =	stream.indirect.scatter.add.f32 [tilespmem:s12], [sflag:$0x1], $0x80, s18, s14, $0xb8;
	[tilespmem:$0x19400] =	vst v63  }
.Ltmp2:
0x4d: {  	_ = 	snop;
	(pc) =	sbr.rel @p0 .LBB2_6-.Ltmp2, $4  }
0x4e: {  	_ = 	snop  }
0x4f: {  	s17 =	sadd.s32 $0x200, s17  }
0x50: {  	_ =	swait.ge [sflag:s13], $0x4000  }
0x51: {  	[sflag:s13] =	ssyncset.done $0x0  }
0x52: {  	s3 =	sadd.s32 $0x1, s3  }
0x53: {  	[sflag:s13] =	ssyncadd.s32 $0xFFFFC000;
	p0 =	sne.s32 s3, s11  }
.Ltmp3:
0x54: {  	[bflag:$0x0] =	sbarrier.arrive $0xFFFF;
	(pc) =	sbr.rel @p0 .LBB2_1-.Ltmp3, $4  }
0x55: {  	[hbm:s10], [sflag:s15] =	dma.local [spmem:s16], $0x2800  }
0x56: {  	_ =	swait.ge [sflag:s13], $0x2800  }
0x57: {  	[sflag:s13] =	ssyncset.done $0x0  }
0x58: {  	[sflag:s13] =	ssyncadd.s32 $0xFFFFD800  }
0x59: {  	_ =	sfence.sel $0x180000  }
0x5a: {  	[bflag:$0x0] =	sbarrier.arrive $0xFFFF  }
0x5b: {  	p0 =	sne.s32 s0, $0x0;
	_ =	strace $0x90000047  }
0x5c: {  	s0 =	sadd.s32 @!p0 $0x100000, s1;
	[bflag:$0x2] =	sbarrier.arrive $0xFFFF  }
0x5d: {  	[sflag:s0] =	ssyncadd.tile.s32 @!p0 $0x1;
	_ =	shalt  }
.Lfunc_end2:
_tile_overlayer_lowered:
.L_overlay_start_2:
0x5e: {  	(tag) =	ssettag $0x2  }
0x5f: {  	s0 =	rddreg [dreg:$0x0];
	s2 =	stileid.u32  }
0x60: {  	s1 =	rddreg [dreg:$0x1];
	p0 =	sne.s32 s2, $0x0  }
0x61: {  	s3 =	rddreg [dreg:$0x2];
	[bflag:$0x3] =	sbarrier.arrive $0xFFFF;
	s2 =	simm.s32 @!p0 $0x1C01  }
0x62: {  	[timem:s3], [sflag:s2] =	dma.local @!p0 [hbm:s0], s1  }
0x63: {  	s0 =	simm.s32 @!p0 $0x1  }
0x64: {  	_ =	swait.ge @!p0 [sflag:s0], s1  }
0x65: {  	s1 =	ssub.s32 @!p0 $0x0, s1;
	[sflag:s0] =	ssyncset.done @!p0 $0x0  }
0x66: {  	[sflag:s0] =	ssyncadd.s32 @!p0 s1  }
0x67: {  	[bflag:$0x3] =	sbarrier.arrive $0xFFFF  }
0x68: {  	_ =	shalt  }

</sc_bundles>
